<compile_context>
chip_gen: v7x
topology: tpu7x:2x2x1
jax: 0.10.2.dev20260603
libtpu: 0.0.44.dev20260713+nightly
codegen_flags: <defaults>
</compile_context>

<pallas_src>
import functools

import jax
import jax.numpy as jnp
from jax import lax
from jax.experimental import pallas as pl
from jax.experimental.pallas import tpu as pltpu
from jax.experimental.pallas import tpu_sc as plsc

_D = 32
_LB = 128
_NBUF = 8


def _build(B, V, num_cores, num_subcores):
    NW = num_cores * num_subcores
    b_per_w = B // NW
    assert b_per_w % _NBUF == 0
    n_groups = b_per_w // _NBUF
    mesh = plsc.VectorSubcoreMesh(core_axis_name="c", subcore_axis_name="s")

    @functools.partial(
        pl.kernel,
        mesh=mesh,
        compiler_params=pltpu.CompilerParams(needs_layout_passes=False),
        out_type=jax.ShapeDtypeStruct((2 * _D, B), jnp.float32),
        scratch_types=[
            pltpu.VMEM((b_per_w + 16,), jnp.int32),
            pltpu.VMEM((b_per_w + 16,), jnp.int32),
            pltpu.VMEM((_NBUF, _D, _LB), jnp.float32),
            pltpu.VMEM((2 * _D, b_per_w), jnp.float32),
        ] + [pltpu.SemaphoreType.DMA] * _NBUF,
    )
    def two_tower_gather(uidx_hbm, iidx_hbm, utab_hbm, itab_hbm, out_hbm,
                         uidx_sm, iidx_sm, ring_v, gbuf_v, *sems):
        wid = lax.axis_index("s") * num_cores + lax.axis_index("c")
        base = wid * b_per_w
        lane = lax.broadcasted_iota(jnp.int32, (16,), 0)
        pltpu.sync_copy(uidx_hbm.at[pl.ds(base, b_per_w)],
                        uidx_sm.at[pl.ds(0, b_per_w)])
        pltpu.sync_copy(iidx_hbm.at[pl.ds(base, b_per_w)],
                        iidx_sm.at[pl.ds(0, b_per_w)])

        def run_tower(idx_sm, tab_hbm, row0):
            def sidx(j):
                return idx_sm[pl.ds(j, 16)][0]

            def fire(j, slot, sem):
                off = pl.multiple_of(
                    lax.shift_left(
                        lax.shift_right_logical(sidx(j), 7), 7), _LB)
                pltpu.async_copy(
                    tab_hbm.at[pl.ds(0, _D), pl.ds(off, _LB)],
                    ring_v.at[slot], sem)

            def extract(j, slot):
                c = lax.bitwise_and(sidx(j), _LB - 1)
                cs = lax.broadcast(c, (16,))
                js = lax.broadcast(j, (16,))
                for h in range(_D // 16):
                    rows = lane + h * 16
                    v = plsc.load_gather(ring_v.at[slot], [rows, cs])
                    plsc.store_scatter(gbuf_v, [rows + row0, js], v)

            for slot in range(_NBUF):
                fire(slot, slot, sems[slot])

            def group(g, carry):
                for slot in range(_NBUF):
                    j = g * _NBUF + slot
                    pltpu.make_async_copy(
                        tab_hbm.at[pl.ds(0, _D), pl.ds(0, _LB)],
                        ring_v.at[slot], sems[slot]).wait()
                    extract(j, slot)
                    nj = j + _NBUF

                    @pl.when(nj < b_per_w)
                    def _fire():
                        fire(nj, slot, sems[slot])
                return carry
            lax.fori_loop(0, n_groups, group, 0)

        run_tower(uidx_sm, utab_hbm, 0)
        run_tower(iidx_sm, itab_hbm, _D)

        pltpu.sync_copy(gbuf_v, out_hbm.at[:, pl.ds(base, b_per_w)])

    return two_tower_gather


def kernel(user_idx, item_idx, user_table, item_table):
    B = user_idx.shape[0]
    V, D = user_table.shape
    assert D == _D
    ut = user_table.T
    it = item_table.T
    info = plsc.get_sparse_core_info()
    fn = _build(B, V, info.num_cores, info.num_subcores)
    out = fn(user_idx, item_idx, ut, it)
    return out.reshape(2, _D, B).transpose(0, 2, 1)

# --- scband reference (transcript-rebuilt; emitter-appended) ---
"""Pipeline reference for scband-two-tower-24172075941924 (READ-ONLY COPY).

The authoritative reference and input builder live on the scoring server;
editing this copy changes nothing except your own understanding.
"""

import jax, jax.numpy as jnp
import numpy as np

NUM_USERS = 1000000
NUM_ITEMS = 1000000
EMBED_DIM = 32
BATCH = 16384


def setup_inputs(seed: int = 0) -> dict:
    key = jax.random.key(seed)
    k1, k2, k3, k4 = jax.random.split(key, 4)
    user_idx = jax.random.randint(k1, (BATCH,), 0, NUM_USERS, dtype=jnp.int64 if jax.config.read('jax_enable_x64') else jnp.int32)
    item_idx = jax.random.randint(k2, (BATCH,), 0, NUM_ITEMS, dtype=jnp.int64 if jax.config.read('jax_enable_x64') else jnp.int32)
    user_table = jax.random.normal(k3, (NUM_USERS, EMBED_DIM), dtype=jnp.float32) * 0.02
    item_table = jax.random.normal(k4, (NUM_ITEMS, EMBED_DIM), dtype=jnp.float32) * 0.02
    return {"user_idx": user_idx, "item_idx": item_idx, "user_table": user_table, "item_table": item_table}


def reference(user_idx, item_idx, user_table, item_table):
    # encode_users: embedding lookup followed by dropout (identity in eval mode)
    user_emb = jnp.take(user_table, user_idx, axis=0)
    # encode_items: embedding lookup followed by dropout (identity in eval mode)
    item_emb = jnp.take(item_table, item_idx, axis=0)
    # stack the two tower outputs into a single array [2, B, D]
    return jnp.stack([user_emb, item_emb], axis=0)

if __name__ == "__main__":
    import jax
    _d = setup_inputs()
    print(jax.jit(kernel)(*tuple(_d.values())))

</pallas_src>

<mosaic_0001>
#map = affine_map<(d0, d1) -> (0)>
#map1 = affine_map<(d0, d1) -> (0, 0)>
module attributes {stable_mosaic.version = 14 : i64} {
  func.func @two_tower_gather(%arg0: i32, %arg1: i32, %arg2: memref<16384xi32, #tpu.memory_space<hbm>>, %arg3: memref<16384xi32, #tpu.memory_space<hbm>>, %arg4: memref<32x1000000xf32, #tpu.memory_space<hbm>>, %arg5: memref<32x1000000xf32, #tpu.memory_space<hbm>>, %arg6: memref<64x16384xf32, #tpu.memory_space<hbm>>, %arg7: memref<528xi32, #tpu.memory_space<vmem>>, %arg8: memref<528xi32, #tpu.memory_space<vmem>>, %arg9: memref<8x32x128xf32, #tpu.memory_space<vmem>>, %arg10: memref<64x512xf32, #tpu.memory_space<vmem>>, %arg11: memref<!tpu.dma_semaphore, #tpu.memory_space<semaphore_mem>>, %arg12: memref<!tpu.dma_semaphore, #tpu.memory_space<semaphore_mem>>, %arg13: memref<!tpu.dma_semaphore, #tpu.memory_space<semaphore_mem>>, %arg14: memref<!tpu.dma_semaphore, #tpu.memory_space<semaphore_mem>>, %arg15: memref<!tpu.dma_semaphore, #tpu.memory_space<semaphore_mem>>, %arg16: memref<!tpu.dma_semaphore, #tpu.memory_space<semaphore_mem>>, %arg17: memref<!tpu.dma_semaphore, #tpu.memory_space<semaphore_mem>>, %arg18: memref<!tpu.dma_semaphore, #tpu.memory_space<semaphore_mem>>) attributes {dimension_semantics = [#tpu.dimension_semantics<core_parallel>, #tpu.dimension_semantics<subcore_parallel>], iteration_bounds = array<i64: 2, 16>, scalar_prefetch = 0 : i64, scratch_operands = 12 : i64, tpu.core_type = #tpu.core_type<sc_vector_subcore>, window_params = [{transform_indices = #map}, {transform_indices = #map}, {transform_indices = #map1}, {transform_indices = #map1}, {transform_indices = #map1}]} {
    %mul3A = arith.constant 2 : i32
    %mul3A_0 = arith.muli %arg1, %mul3A : i32
    %add3A = arith.addi %mul3A_0, %arg0 : i32
    %mul3A_1 = arith.constant 512 : i32
    %mul3A_2 = arith.muli %add3A, %mul3A_1 : i32
    %iota3A = tpu.iota {dimensions = array<i32: 0>} : vector<16xi32>
    "tpu.region"() ({
      %run_scoped3A = tpu.sem_alloc : memref<!tpu.dma_semaphore, #tpu.memory_space<semaphore_mem>>
      %dma_start3A_359 = arith.constant 0 : i32
      %dma_start3A_360 = tpu.memref_slice %arg7[%dma_start3A_359] : memref<528xi32, #tpu.memory_space<vmem>> -> memref<512xi32, #tpu.memory_space<vmem>>
      %dma_start3A_361 = tpu.memref_slice %arg2[%mul3A_2] : memref<16384xi32, #tpu.memory_space<hbm>> -> memref<512xi32, #tpu.memory_space<hbm>>
      %dma_start3A_362 = arith.constant 0 : i32
      %dma_start3A_363 = tpu.memref_slice %arg7[%dma_start3A_362] : memref<528xi32, #tpu.memory_space<vmem>> -> memref<512xi32, #tpu.memory_space<vmem>>
      %dma_start3A_364 = tpu.memref_slice %arg2[%mul3A_2] : memref<16384xi32, #tpu.memory_space<hbm>> -> memref<512xi32, #tpu.memory_space<hbm>>
      tpu.enqueue_dma source(%dma_start3A_364 : memref<512xi32, #tpu.memory_space<hbm>>) target(%dma_start3A_363 : memref<512xi32, #tpu.memory_space<vmem>>) target_semaphore(%run_scoped3A : memref<!tpu.dma_semaphore, #tpu.memory_space<semaphore_mem>>)
      %dma_wait3A = arith.constant 0 : i32
      %dma_wait3A_365 = tpu.memref_slice %arg7[%dma_wait3A] : memref<528xi32, #tpu.memory_space<vmem>> -> memref<512xi32, #tpu.memory_space<vmem>>
      %dma_wait3A_366 = tpu.memref_slice %arg2[%mul3A_2] : memref<16384xi32, #tpu.memory_space<hbm>> -> memref<512xi32, #tpu.memory_space<hbm>>
      %dma_wait3A_367 = arith.constant 0 : i32
      %dma_wait3A_368 = tpu.memref_slice %arg7[%dma_wait3A_367] : memref<528xi32, #tpu.memory_space<vmem>> -> memref<512xi32, #tpu.memory_space<vmem>>
      %dma_wait3A_369 = tpu.memref_slice %arg2[%mul3A_2] : memref<16384xi32, #tpu.memory_space<hbm>> -> memref<512xi32, #tpu.memory_space<hbm>>
      tpu.wait_dma2 semaphore(%run_scoped3A : memref<!tpu.dma_semaphore, #tpu.memory_space<semaphore_mem>>) src(%dma_wait3A_369 : memref<512xi32, #tpu.memory_space<hbm>>) dst(%dma_wait3A_368 : memref<512xi32, #tpu.memory_space<vmem>>)
      tpu.yield
    }) : () -> ()
    "tpu.region"() ({
      %run_scoped3A = tpu.sem_alloc : memref<!tpu.dma_semaphore, #tpu.memory_space<semaphore_mem>>
      %dma_start3A_359 = arith.constant 0 : i32
      %dma_start3A_360 = tpu.memref_slice %arg8[%dma_start3A_359] : memref<528xi32, #tpu.memory_space<vmem>> -> memref<512xi32, #tpu.memory_space<vmem>>
      %dma_start3A_361 = tpu.memref_slice %arg3[%mul3A_2] : memref<16384xi32, #tpu.memory_space<hbm>> -> memref<512xi32, #tpu.memory_space<hbm>>
      %dma_start3A_362 = arith.constant 0 : i32
      %dma_start3A_363 = tpu.memref_slice %arg8[%dma_start3A_362] : memref<528xi32, #tpu.memory_space<vmem>> -> memref<512xi32, #tpu.memory_space<vmem>>
      %dma_start3A_364 = tpu.memref_slice %arg3[%mul3A_2] : memref<16384xi32, #tpu.memory_space<hbm>> -> memref<512xi32, #tpu.memory_space<hbm>>
      tpu.enqueue_dma source(%dma_start3A_364 : memref<512xi32, #tpu.memory_space<hbm>>) target(%dma_start3A_363 : memref<512xi32, #tpu.memory_space<vmem>>) target_semaphore(%run_scoped3A : memref<!tpu.dma_semaphore, #tpu.memory_space<semaphore_mem>>)
      %dma_wait3A = arith.constant 0 : i32
      %dma_wait3A_365 = tpu.memref_slice %arg8[%dma_wait3A] : memref<528xi32, #tpu.memory_space<vmem>> -> memref<512xi32, #tpu.memory_space<vmem>>
      %dma_wait3A_366 = tpu.memref_slice %arg3[%mul3A_2] : memref<16384xi32, #tpu.memory_space<hbm>> -> memref<512xi32, #tpu.memory_space<hbm>>
      %dma_wait3A_367 = arith.constant 0 : i32
      %dma_wait3A_368 = tpu.memref_slice %arg8[%dma_wait3A_367] : memref<528xi32, #tpu.memory_space<vmem>> -> memref<512xi32, #tpu.memory_space<vmem>>
      %dma_wait3A_369 = tpu.memref_slice %arg3[%mul3A_2] : memref<16384xi32, #tpu.memory_space<hbm>> -> memref<512xi32, #tpu.memory_space<hbm>>
      tpu.wait_dma2 semaphore(%run_scoped3A : memref<!tpu.dma_semaphore, #tpu.memory_space<semaphore_mem>>) src(%dma_wait3A_369 : memref<512xi32, #tpu.memory_space<hbm>>) dst(%dma_wait3A_368 : memref<512xi32, #tpu.memory_space<vmem>>)
      tpu.yield
    }) : () -> ()
    %get3A = arith.constant 0 : index
    %get3A_3 = tpu.vector_load %arg7[%get3A] {strides = array<i32>} : memref<528xi32, #tpu.memory_space<vmem>>, vector<16xi32>,
    %slice3A = vector.extract_strided_slice %get3A_3 {offsets = [0], sizes = [1], strides = [1]} : vector<16xi32> to vector<1xi32>
    %squeeze3A = vector.extract %slice3A[0] : i32 from vector<1xi32>
    %shift_right_logical3A = arith.constant 7 : i32
    %shift_right_logical3A_4 = arith.shrui %squeeze3A, %shift_right_logical3A : i32
    %shift_left3A = arith.constant 7 : i32
    %shift_left3A_5 = arith.shli %shift_right_logical3A_4, %shift_left3A : i32
    %multiple_of3A = tpu.assume_multiple %shift_left3A_5, 128 : i32
    %dma_start3A = arith.constant 0 : i32
    %dma_start3A_6 = arith.constant 0 : i32
    %dma_start3A_7 = arith.constant 0 : i32
    %dma_start3A_8 = tpu.memref_slice %arg9[%dma_start3A, %dma_start3A_6, %dma_start3A_7] : memref<8x32x128xf32, #tpu.memory_space<vmem>> -> memref<1x32x128xf32, #tpu.memory_space<vmem>>
    %dma_start3A_9 = tpu.memref_squeeze %dma_start3A_8 : memref<1x32x128xf32, #tpu.memory_space<vmem>> -> memref<32x128xf32, #tpu.memory_space<vmem>>
    %dma_start3A_10 = arith.constant 0 : i32
    %dma_start3A_11 = tpu.memref_slice %arg4[%dma_start3A_10, %multiple_of3A] : memref<32x1000000xf32, #tpu.memory_space<hbm>> -> memref<32x128xf32, #tpu.memory_space<hbm>>
    %dma_start3A_12 = arith.constant 0 : i32
    %dma_start3A_13 = arith.constant 0 : i32
    %dma_start3A_14 = tpu.memref_slice %arg9[%dma_start3A, %dma_start3A_12, %dma_start3A_13] : memref<8x32x128xf32, #tpu.memory_space<vmem>> -> memref<1x32x128xf32, #tpu.memory_space<vmem>>
    %dma_start3A_15 = tpu.memref_squeeze %dma_start3A_14 : memref<1x32x128xf32, #tpu.memory_space<vmem>> -> memref<32x128xf32, #tpu.memory_space<vmem>>
    %dma_start3A_16 = arith.constant 0 : i32
    %dma_start3A_17 = tpu.memref_slice %arg4[%dma_start3A_16, %multiple_of3A] : memref<32x1000000xf32, #tpu.memory_space<hbm>> -> memref<32x128xf32, #tpu.memory_space<hbm>>
    tpu.enqueue_dma source(%dma_start3A_17 : memref<32x128xf32, #tpu.memory_space<hbm>>) target(%dma_start3A_15 : memref<32x128xf32, #tpu.memory_space<vmem>>) target_semaphore(%arg11 : memref<!tpu.dma_semaphore, #tpu.memory_space<semaphore_mem>>)
    %get3A_18 = arith.constant 1 : index
    %get3A_19 = tpu.vector_load %arg7[%get3A_18] {strides = array<i32>} : memref<528xi32, #tpu.memory_space<vmem>>, vector<16xi32>,
    %slice3A_20 = vector.extract_strided_slice %get3A_19 {offsets = [0], sizes = [1], strides = [1]} : vector<16xi32> to vector<1xi32>
    %squeeze3A_21 = vector.extract %slice3A_20[0] : i32 from vector<1xi32>
    %shift_right_logical3A_22 = arith.constant 7 : i32
    %shift_right_logical3A_23 = arith.shrui %squeeze3A_21, %shift_right_logical3A_22 : i32
    %shift_left3A_24 = arith.constant 7 : i32
    %shift_left3A_25 = arith.shli %shift_right_logical3A_23, %shift_left3A_24 : i32
    %multiple_of3A_26 = tpu.assume_multiple %shift_left3A_25, 128 : i32
    %dma_start3A_27 = arith.constant 1 : i32
    %dma_start3A_28 = arith.constant 0 : i32
    %dma_start3A_29 = arith.constant 0 : i32
    %dma_start3A_30 = tpu.memref_slice %arg9[%dma_start3A_27, %dma_start3A_28, %dma_start3A_29] : memref<8x32x128xf32, #tpu.memory_space<vmem>> -> memref<1x32x128xf32, #tpu.memory_space<vmem>>
    %dma_start3A_31 = tpu.memref_squeeze %dma_start3A_30 : memref<1x32x128xf32, #tpu.memory_space<vmem>> -> memref<32x128xf32, #tpu.memory_space<vmem>>
    %dma_start3A_32 = arith.constant 0 : i32
    %dma_start3A_33 = tpu.memref_slice %arg4[%dma_start3A_32, %multiple_of3A_26] : memref<32x1000000xf32, #tpu.memory_space<hbm>> -> memref<32x128xf32, #tpu.memory_space<hbm>>
    %dma_start3A_34 = arith.constant 0 : i32
    %dma_start3A_35 = arith.constant 0 : i32
    %dma_start3A_36 = tpu.memref_slice %arg9[%dma_start3A_27, %dma_start3A_34, %dma_start3A_35] : memref<8x32x128xf32, #tpu.memory_space<vmem>> -> memref<1x32x128xf32, #tpu.memory_space<vmem>>
    %dma_start3A_37 = tpu.memref_squeeze %dma_start3A_36 : memref<1x32x128xf32, #tpu.memory_space<vmem>> -> memref<32x128xf32, #tpu.memory_space<vmem>>
    %dma_start3A_38 = arith.constant 0 : i32
    %dma_start3A_39 = tpu.memref_slice %arg4[%dma_start3A_38, %multiple_of3A_26] : memref<32x1000000xf32, #tpu.memory_space<hbm>> -> memref<32x128xf32, #tpu.memory_space<hbm>>
    tpu.enqueue_dma source(%dma_start3A_39 : memref<32x128xf32, #tpu.memory_space<hbm>>) target(%dma_start3A_37 : memref<32x128xf32, #tpu.memory_space<vmem>>) target_semaphore(%arg12 : memref<!tpu.dma_semaphore, #tpu.memory_space<semaphore_mem>>)
    %get3A_40 = arith.constant 2 : index
    %get3A_41 = tpu.vector_load %arg7[%get3A_40] {strides = array<i32>} : memref<528xi32, #tpu.memory_space<vmem>>, vector<16xi32>,
    %slice3A_42 = vector.extract_strided_slice %get3A_41 {offsets = [0], sizes = [1], strides = [1]} : vector<16xi32> to vector<1xi32>
    %squeeze3A_43 = vector.extract %slice3A_42[0] : i32 from vector<1xi32>
    %shift_right_logical3A_44 = arith.constant 7 : i32
    %shift_right_logical3A_45 = arith.shrui %squeeze3A_43, %shift_right_logical3A_44 : i32
    %shift_left3A_46 = arith.constant 7 : i32
    %shift_left3A_47 = arith.shli %shift_right_logical3A_45, %shift_left3A_46 : i32
    %multiple_of3A_48 = tpu.assume_multiple %shift_left3A_47, 128 : i32
    %dma_start3A_49 = arith.constant 2 : i32
    %dma_start3A_50 = arith.constant 0 : i32
    %dma_start3A_51 = arith.constant 0 : i32
    %dma_start3A_52 = tpu.memref_slice %arg9[%dma_start3A_49, %dma_start3A_50, %dma_start3A_51] : memref<8x32x128xf32, #tpu.memory_space<vmem>> -> memref<1x32x128xf32, #tpu.memory_space<vmem>>
    %dma_start3A_53 = tpu.memref_squeeze %dma_start3A_52 : memref<1x32x128xf32, #tpu.memory_space<vmem>> -> memref<32x128xf32, #tpu.memory_space<vmem>>
    %dma_start3A_54 = arith.constant 0 : i32
    %dma_start3A_55 = tpu.memref_slice %arg4[%dma_start3A_54, %multiple_of3A_48] : memref<32x1000000xf32, #tpu.memory_space<hbm>> -> memref<32x128xf32, #tpu.memory_space<hbm>>
    %dma_start3A_56 = arith.constant 0 : i32
    %dma_start3A_57 = arith.constant 0 : i32
    %dma_start3A_58 = tpu.memref_slice %arg9[%dma_start3A_49, %dma_start3A_56, %dma_start3A_57] : memref<8x32x128xf32, #tpu.memory_space<vmem>> -> memref<1x32x128xf32, #tpu.memory_space<vmem>>
    %dma_start3A_59 = tpu.memref_squeeze %dma_start3A_58 : memref<1x32x128xf32, #tpu.memory_space<vmem>> -> memref<32x128xf32, #tpu.memory_space<vmem>>
    %dma_start3A_60 = arith.constant 0 : i32
    %dma_start3A_61 = tpu.memref_slice %arg4[%dma_start3A_60, %multiple_of3A_48] : memref<32x1000000xf32, #tpu.memory_space<hbm>> -> memref<32x128xf32, #tpu.memory_space<hbm>>
    tpu.enqueue_dma source(%dma_start3A_61 : memref<32x128xf32, #tpu.memory_space<hbm>>) target(%dma_start3A_59 : memref<32x128xf32, #tpu.memory_space<vmem>>) target_semaphore(%arg13 : memref<!tpu.dma_semaphore, #tpu.memory_space<semaphore_mem>>)
    %get3A_62 = arith.constant 3 : index
    %get3A_63 = tpu.vector_load %arg7[%get3A_62] {strides = array<i32>} : memref<528xi32, #tpu.memory_space<vmem>>, vector<16xi32>,
    %slice3A_64 = vector.extract_strided_slice %get3A_63 {offsets = [0], sizes = [1], strides = [1]} : vector<16xi32> to vector<1xi32>
    %squeeze3A_65 = vector.extract %slice3A_64[0] : i32 from vector<1xi32>
    %shift_right_logical3A_66 = arith.constant 7 : i32
    %shift_right_logical3A_67 = arith.shrui %squeeze3A_65, %shift_right_logical3A_66 : i32
    %shift_left3A_68 = arith.constant 7 : i32
    %shift_left3A_69 = arith.shli %shift_right_logical3A_67, %shift_left3A_68 : i32
    %multiple_of3A_70 = tpu.assume_multiple %shift_left3A_69, 128 : i32
    %dma_start3A_71 = arith.constant 3 : i32
    %dma_start3A_72 = arith.constant 0 : i32
    %dma_start3A_73 = arith.constant 0 : i32
    %dma_start3A_74 = tpu.memref_slice %arg9[%dma_start3A_71, %dma_start3A_72, %dma_start3A_73] : memref<8x32x128xf32, #tpu.memory_space<vmem>> -> memref<1x32x128xf32, #tpu.memory_space<vmem>>
    %dma_start3A_75 = tpu.memref_squeeze %dma_start3A_74 : memref<1x32x128xf32, #tpu.memory_space<vmem>> -> memref<32x128xf32, #tpu.memory_space<vmem>>
    %dma_start3A_76 = arith.constant 0 : i32
    %dma_start3A_77 = tpu.memref_slice %arg4[%dma_start3A_76, %multiple_of3A_70] : memref<32x1000000xf32, #tpu.memory_space<hbm>> -> memref<32x128xf32, #tpu.memory_space<hbm>>
    %dma_start3A_78 = arith.constant 0 : i32
    %dma_start3A_79 = arith.constant 0 : i32
    %dma_start3A_80 = tpu.memref_slice %arg9[%dma_start3A_71, %dma_start3A_78, %dma_start3A_79] : memref<8x32x128xf32, #tpu.memory_space<vmem>> -> memref<1x32x128xf32, #tpu.memory_space<vmem>>
    %dma_start3A_81 = tpu.memref_squeeze %dma_start3A_80 : memref<1x32x128xf32, #tpu.memory_space<vmem>> -> memref<32x128xf32, #tpu.memory_space<vmem>>
    %dma_start3A_82 = arith.constant 0 : i32
    %dma_start3A_83 = tpu.memref_slice %arg4[%dma_start3A_82, %multiple_of3A_70] : memref<32x1000000xf32, #tpu.memory_space<hbm>> -> memref<32x128xf32, #tpu.memory_space<hbm>>
    tpu.enqueue_dma source(%dma_start3A_83 : memref<32x128xf32, #tpu.memory_space<hbm>>) target(%dma_start3A_81 : memref<32x128xf32, #tpu.memory_space<vmem>>) target_semaphore(%arg14 : memref<!tpu.dma_semaphore, #tpu.memory_space<semaphore_mem>>)
    %get3A_84 = arith.constant 4 : index
    %get3A_85 = tpu.vector_load %arg7[%get3A_84] {strides = array<i32>} : memref<528xi32, #tpu.memory_space<vmem>>, vector<16xi32>,
    %slice3A_86 = vector.extract_strided_slice %get3A_85 {offsets = [0], sizes = [1], strides = [1]} : vector<16xi32> to vector<1xi32>
    %squeeze3A_87 = vector.extract %slice3A_86[0] : i32 from vector<1xi32>
    %shift_right_logical3A_88 = arith.constant 7 : i32
    %shift_right_logical3A_89 = arith.shrui %squeeze3A_87, %shift_right_logical3A_88 : i32
    %shift_left3A_90 = arith.constant 7 : i32
    %shift_left3A_91 = arith.shli %shift_right_logical3A_89, %shift_left3A_90 : i32
    %multiple_of3A_92 = tpu.assume_multiple %shift_left3A_91, 128 : i32
    %dma_start3A_93 = arith.constant 4 : i32
    %dma_start3A_94 = arith.constant 0 : i32
    %dma_start3A_95 = arith.constant 0 : i32
    %dma_start3A_96 = tpu.memref_slice %arg9[%dma_start3A_93, %dma_start3A_94, %dma_start3A_95] : memref<8x32x128xf32, #tpu.memory_space<vmem>> -> memref<1x32x128xf32, #tpu.memory_space<vmem>>
    %dma_start3A_97 = tpu.memref_squeeze %dma_start3A_96 : memref<1x32x128xf32, #tpu.memory_space<vmem>> -> memref<32x128xf32, #tpu.memory_space<vmem>>
    %dma_start3A_98 = arith.constant 0 : i32
    %dma_start3A_99 = tpu.memref_slice %arg4[%dma_start3A_98, %multiple_of3A_92] : memref<32x1000000xf32, #tpu.memory_space<hbm>> -> memref<32x128xf32, #tpu.memory_space<hbm>>
    %dma_start3A_100 = arith.constant 0 : i32
    %dma_start3A_101 = arith.constant 0 : i32
    %dma_start3A_102 = tpu.memref_slice %arg9[%dma_start3A_93, %dma_start3A_100, %dma_start3A_101] : memref<8x32x128xf32, #tpu.memory_space<vmem>> -> memref<1x32x128xf32, #tpu.memory_space<vmem>>
    %dma_start3A_103 = tpu.memref_squeeze %dma_start3A_102 : memref<1x32x128xf32, #tpu.memory_space<vmem>> -> memref<32x128xf32, #tpu.memory_space<vmem>>
    %dma_start3A_104 = arith.constant 0 : i32
    %dma_start3A_105 = tpu.memref_slice %arg4[%dma_start3A_104, %multiple_of3A_92] : memref<32x1000000xf32, #tpu.memory_space<hbm>> -> memref<32x128xf32, #tpu.memory_space<hbm>>
    tpu.enqueue_dma source(%dma_start3A_105 : memref<32x128xf32, #tpu.memory_space<hbm>>) target(%dma_start3A_103 : memref<32x128xf32, #tpu.memory_space<vmem>>) target_semaphore(%arg15 : memref<!tpu.dma_semaphore, #tpu.memory_space<semaphore_mem>>)
    %get3A_106 = arith.constant 5 : index
    %get3A_107 = tpu.vector_load %arg7[%get3A_106] {strides = array<i32>} : memref<528xi32, #tpu.memory_space<vmem>>, vector<16xi32>,
    %slice3A_108 = vector.extract_strided_slice %get3A_107 {offsets = [0], sizes = [1], strides = [1]} : vector<16xi32> to vector<1xi32>
    %squeeze3A_109 = vector.extract %slice3A_108[0] : i32 from vector<1xi32>
    %shift_right_logical3A_110 = arith.constant 7 : i32
    %shift_right_logical3A_111 = arith.shrui %squeeze3A_109, %shift_right_logical3A_110 : i32
    %shift_left3A_112 = arith.constant 7 : i32
    %shift_left3A_113 = arith.shli %shift_right_logical3A_111, %shift_left3A_112 : i32
    %multiple_of3A_114 = tpu.assume_multiple %shift_left3A_113, 128 : i32
    %dma_start3A_115 = arith.constant 5 : i32
    %dma_start3A_116 = arith.constant 0 : i32
    %dma_start3A_117 = arith.constant 0 : i32
    %dma_start3A_118 = tpu.memref_slice %arg9[%dma_start3A_115, %dma_start3A_116, %dma_start3A_117] : memref<8x32x128xf32, #tpu.memory_space<vmem>> -> memref<1x32x128xf32, #tpu.memory_space<vmem>>
    %dma_start3A_119 = tpu.memref_squeeze %dma_start3A_118 : memref<1x32x128xf32, #tpu.memory_space<vmem>> -> memref<32x128xf32, #tpu.memory_space<vmem>>
    %dma_start3A_120 = arith.constant 0 : i32
    %dma_start3A_121 = tpu.memref_slice %arg4[%dma_start3A_120, %multiple_of3A_114] : memref<32x1000000xf32, #tpu.memory_space<hbm>> -> memref<32x128xf32, #tpu.memory_space<hbm>>
    %dma_start3A_122 = arith.constant 0 : i32
    %dma_start3A_123 = arith.constant 0 : i32
    %dma_start3A_124 = tpu.memref_slice %arg9[%dma_start3A_115, %dma_start3A_122, %dma_start3A_123] : memref<8x32x128xf32, #tpu.memory_space<vmem>> -> memref<1x32x128xf32, #tpu.memory_space<vmem>>
    %dma_start3A_125 = tpu.memref_squeeze %dma_start3A_124 : memref<1x32x128xf32, #tpu.memory_space<vmem>> -> memref<32x128xf32, #tpu.memory_space<vmem>>
    %dma_start3A_126 = arith.constant 0 : i32
    %dma_start3A_127 = tpu.memref_slice %arg4[%dma_start3A_126, %multiple_of3A_114] : memref<32x1000000xf32, #tpu.memory_space<hbm>> -> memref<32x128xf32, #tpu.memory_space<hbm>>
    tpu.enqueue_dma source(%dma_start3A_127 : memref<32x128xf32, #tpu.memory_space<hbm>>) target(%dma_start3A_125 : memref<32x128xf32, #tpu.memory_space<vmem>>) target_semaphore(%arg16 : memref<!tpu.dma_semaphore, #tpu.memory_space<semaphore_mem>>)
    %get3A_128 = arith.constant 6 : index
    %get3A_129 = tpu.vector_load %arg7[%get3A_128] {strides = array<i32>} : memref<528xi32, #tpu.memory_space<vmem>>, vector<16xi32>,
    %slice3A_130 = vector.extract_strided_slice %get3A_129 {offsets = [0], sizes = [1], strides = [1]} : vector<16xi32> to vector<1xi32>
    %squeeze3A_131 = vector.extract %slice3A_130[0] : i32 from vector<1xi32>
    %shift_right_logical3A_132 = arith.constant 7 : i32
    %shift_right_logical3A_133 = arith.shrui %squeeze3A_131, %shift_right_logical3A_132 : i32
    %shift_left3A_134 = arith.constant 7 : i32
    %shift_left3A_135 = arith.shli %shift_right_logical3A_133, %shift_left3A_134 : i32
    %multiple_of3A_136 = tpu.assume_multiple %shift_left3A_135, 128 : i32
    %dma_start3A_137 = arith.constant 6 : i32
    %dma_start3A_138 = arith.constant 0 : i32
    %dma_start3A_139 = arith.constant 0 : i32
    %dma_start3A_140 = tpu.memref_slice %arg9[%dma_start3A_137, %dma_start3A_138, %dma_start3A_139] : memref<8x32x128xf32, #tpu.memory_space<vmem>> -> memref<1x32x128xf32, #tpu.memory_space<vmem>>
    %dma_start3A_141 = tpu.memref_squeeze %dma_start3A_140 : memref<1x32x128xf32, #tpu.memory_space<vmem>> -> memref<32x128xf32, #tpu.memory_space<vmem>>
    %dma_start3A_142 = arith.constant 0 : i32
    %dma_start3A_143 = tpu.memref_slice %arg4[%dma_start3A_142, %multiple_of3A_136] : memref<32x1000000xf32, #tpu.memory_space<hbm>> -> memref<32x128xf32, #tpu.memory_space<hbm>>
    %dma_start3A_144 = arith.constant 0 : i32
    %dma_start3A_145 = arith.constant 0 : i32
    %dma_start3A_146 = tpu.memref_slice %arg9[%dma_start3A_137, %dma_start3A_144, %dma_start3A_145] : memref<8x32x128xf32, #tpu.memory_space<vmem>> -> memref<1x32x128xf32, #tpu.memory_space<vmem>>
    %dma_start3A_147 = tpu.memref_squeeze %dma_start3A_146 : memref<1x32x128xf32, #tpu.memory_space<vmem>> -> memref<32x128xf32, #tpu.memory_space<vmem>>
    %dma_start3A_148 = arith.constant 0 : i32
    %dma_start3A_149 = tpu.memref_slice %arg4[%dma_start3A_148, %multiple_of3A_136] : memref<32x1000000xf32, #tpu.memory_space<hbm>> -> memref<32x128xf32, #tpu.memory_space<hbm>>
    tpu.enqueue_dma source(%dma_start3A_149 : memref<32x128xf32, #tpu.memory_space<hbm>>) target(%dma_start3A_147 : memref<32x128xf32, #tpu.memory_space<vmem>>) target_semaphore(%arg17 : memref<!tpu.dma_semaphore, #tpu.memory_space<semaphore_mem>>)
    %get3A_150 = arith.constant 7 : index
    %get3A_151 = tpu.vector_load %arg7[%get3A_150] {strides = array<i32>} : memref<528xi32, #tpu.memory_space<vmem>>, vector<16xi32>,
    %slice3A_152 = vector.extract_strided_slice %get3A_151 {offsets = [0], sizes = [1], strides = [1]} : vector<16xi32> to vector<1xi32>
    %squeeze3A_153 = vector.extract %slice3A_152[0] : i32 from vector<1xi32>
    %shift_right_logical3A_154 = arith.constant 7 : i32
    %shift_right_logical3A_155 = arith.shrui %squeeze3A_153, %shift_right_logical3A_154 : i32
    %shift_left3A_156 = arith.constant 7 : i32
    %shift_left3A_157 = arith.shli %shift_right_logical3A_155, %shift_left3A_156 : i32
    %multiple_of3A_158 = tpu.assume_multiple %shift_left3A_157, 128 : i32
    %dma_start3A_159 = arith.constant 7 : i32
    %dma_start3A_160 = arith.constant 0 : i32
    %dma_start3A_161 = arith.constant 0 : i32
    %dma_start3A_162 = tpu.memref_slice %arg9[%dma_start3A_159, %dma_start3A_160, %dma_start3A_161] : memref<8x32x128xf32, #tpu.memory_space<vmem>> -> memref<1x32x128xf32, #tpu.memory_space<vmem>>
    %dma_start3A_163 = tpu.memref_squeeze %dma_start3A_162 : memref<1x32x128xf32, #tpu.memory_space<vmem>> -> memref<32x128xf32, #tpu.memory_space<vmem>>
    %dma_start3A_164 = arith.constant 0 : i32
    %dma_start3A_165 = tpu.memref_slice %arg4[%dma_start3A_164, %multiple_of3A_158] : memref<32x1000000xf32, #tpu.memory_space<hbm>> -> memref<32x128xf32, #tpu.memory_space<hbm>>
    %dma_start3A_166 = arith.constant 0 : i32
    %dma_start3A_167 = arith.constant 0 : i32
    %dma_start3A_168 = tpu.memref_slice %arg9[%dma_start3A_159, %dma_start3A_166, %dma_start3A_167] : memref<8x32x128xf32, #tpu.memory_space<vmem>> -> memref<1x32x128xf32, #tpu.memory_space<vmem>>
    %dma_start3A_169 = tpu.memref_squeeze %dma_start3A_168 : memref<1x32x128xf32, #tpu.memory_space<vmem>> -> memref<32x128xf32, #tpu.memory_space<vmem>>
    %dma_start3A_170 = arith.constant 0 : i32
    %dma_start3A_171 = tpu.memref_slice %arg4[%dma_start3A_170, %multiple_of3A_158] : memref<32x1000000xf32, #tpu.memory_space<hbm>> -> memref<32x128xf32, #tpu.memory_space<hbm>>
    tpu.enqueue_dma source(%dma_start3A_171 : memref<32x128xf32, #tpu.memory_space<hbm>>) target(%dma_start3A_169 : memref<32x128xf32, #tpu.memory_space<vmem>>) target_semaphore(%arg18 : memref<!tpu.dma_semaphore, #tpu.memory_space<semaphore_mem>>)
    %scan3A = arith.constant 0 : i32
    %scan3A_172 = arith.constant 0 : i32
    %scan3A_173 = arith.constant 64 : i32
    %scan3A_174 = arith.addi %scan3A_172, %scan3A_173 : i32
    %scan3A_175 = arith.constant 1 : i32
    scf.for %scan3A_359 = %scan3A_172 to %scan3A_174 step %scan3A_175  : i32 {
      %mul3A_360 = arith.constant 8 : i32
      %mul3A_361 = arith.muli %scan3A_359, %mul3A_360 : i32
      %add3A_362 = arith.constant 0 : i32
      %add3A_363 = arith.addi %mul3A_361, %add3A_362 : i32
      %dma_wait3A = arith.constant 0 : i32
      %dma_wait3A_364 = arith.constant 0 : i32
      %dma_wait3A_365 = arith.constant 0 : i32
      %dma_wait3A_366 = tpu.memref_slice %arg9[%dma_wait3A, %dma_wait3A_364, %dma_wait3A_365] : memref<8x32x128xf32, #tpu.memory_space<vmem>> -> memref<1x32x128xf32, #tpu.memory_space<vmem>>
      %dma_wait3A_367 = tpu.memref_squeeze %dma_wait3A_366 : memref<1x32x128xf32, #tpu.memory_space<vmem>> -> memref<32x128xf32, #tpu.memory_space<vmem>>
      %dma_wait3A_368 = arith.constant 0 : i32
      %dma_wait3A_369 = arith.constant 0 : i32
      %dma_wait3A_370 = tpu.memref_slice %arg4[%dma_wait3A_368, %dma_wait3A_369] : memref<32x1000000xf32, #tpu.memory_space<hbm>> -> memref<32x128xf32, #tpu.memory_space<hbm>>
      %dma_wait3A_371 = arith.constant 0 : i32
      %dma_wait3A_372 = arith.constant 0 : i32
      %dma_wait3A_373 = tpu.memref_slice %arg9[%dma_wait3A, %dma_wait3A_371, %dma_wait3A_372] : memref<8x32x128xf32, #tpu.memory_space<vmem>> -> memref<1x32x128xf32, #tpu.memory_space<vmem>>
      %dma_wait3A_374 = tpu.memref_squeeze %dma_wait3A_373 : memref<1x32x128xf32, #tpu.memory_space<vmem>> -> memref<32x128xf32, #tpu.memory_space<vmem>>
      %dma_wait3A_375 = arith.constant 0 : i32
      %dma_wait3A_376 = arith.constant 0 : i32
      %dma_wait3A_377 = tpu.memref_slice %arg4[%dma_wait3A_375, %dma_wait3A_376] : memref<32x1000000xf32, #tpu.memory_space<hbm>> -> memref<32x128xf32, #tpu.memory_space<hbm>>
      tpu.wait_dma2 semaphore(%arg11 : memref<!tpu.dma_semaphore, #tpu.memory_space<semaphore_mem>>) src(%dma_wait3A_377 : memref<32x128xf32, #tpu.memory_space<hbm>>) dst(%dma_wait3A_374 : memref<32x128xf32, #tpu.memory_space<vmem>>)
      %get3A_378 = arith.index_cast %add3A_363 : i32 to index
      %get3A_379 = tpu.vector_load %arg7[%get3A_378] {strides = array<i32>} : memref<528xi32, #tpu.memory_space<vmem>>, vector<16xi32>,
      %slice3A_380 = vector.extract_strided_slice %get3A_379 {offsets = [0], sizes = [1], strides = [1]} : vector<16xi32> to vector<1xi32>
      %squeeze3A_381 = vector.extract %slice3A_380[0] : i32 from vector<1xi32>
      %and3A = arith.constant 127 : i32
      %and3A_382 = arith.andi %squeeze3A_381, %and3A : i32
      %broadcast_in_dim3A = vector.broadcast %and3A_382 : i32 to vector<16xi32>
      %broadcast_in_dim3A_383 = vector.broadcast %add3A_363 : i32 to vector<16xi32>
      %add3A_384 = arith.constant 0 : i32
      %add3A_385 = vector.broadcast %add3A_384 : i32 to vector<16xi32>
      %add3A_386 = arith.addi %iota3A, %add3A_385 : vector<16xi32>
      %gather3A = arith.constant 0 : i32
      %gather3A_387 = arith.constant 0 : i32
      %gather3A_388 = arith.constant 0 : i32
      %gather3A_389 = tpu.memref_slice %arg9[%gather3A, %gather3A_387, %gather3A_388] : memref<8x32x128xf32, #tpu.memory_space<vmem>> -> memref<1x32x128xf32, #tpu.memory_space<vmem>>
      %gather3A_390 = tpu.memref_squeeze %gather3A_389 : memref<1x32x128xf32, #tpu.memory_space<vmem>> -> memref<32x128xf32, #tpu.memory_space<vmem>>
      %gather3A_391 = tpu.vector_load_idx %gather3A_390[%add3A_386, %broadcast_in_dim3A] : memref<32x128xf32, #tpu.memory_space<vmem>>[vector<16xi32>, vector<16xi32>], vector<16xf32>,
      %add3A_392 = arith.constant 0 : i32
      %add3A_393 = vector.broadcast %add3A_392 : i32 to vector<16xi32>
      %add3A_394 = arith.addi %add3A_386, %add3A_393 : vector<16xi32>
      tpu.vector_store_idx %arg10[%add3A_394, %broadcast_in_dim3A_383], %gather3A_391 : memref<64x512xf32, #tpu.memory_space<vmem>>[vector<16xi32>, vector<16xi32>], vector<16xf32>,
      %add3A_395 = arith.constant 16 : i32
      %add3A_396 = vector.broadcast %add3A_395 : i32 to vector<16xi32>
      %add3A_397 = arith.addi %iota3A, %add3A_396 : vector<16xi32>
      %gather3A_398 = arith.constant 0 : i32
      %gather3A_399 = arith.constant 0 : i32
      %gather3A_400 = arith.constant 0 : i32
      %gather3A_401 = tpu.memref_slice %arg9[%gather3A_398, %gather3A_399, %gather3A_400] : memref<8x32x128xf32, #tpu.memory_space<vmem>> -> memref<1x32x128xf32, #tpu.memory_space<vmem>>
      %gather3A_402 = tpu.memref_squeeze %gather3A_401 : memref<1x32x128xf32, #tpu.memory_space<vmem>> -> memref<32x128xf32, #tpu.memory_space<vmem>>
      %gather3A_403 = tpu.vector_load_idx %gather3A_402[%add3A_397, %broadcast_in_dim3A] : memref<32x128xf32, #tpu.memory_space<vmem>>[vector<16xi32>, vector<16xi32>], vector<16xf32>,
      %add3A_404 = arith.constant 0 : i32
      %add3A_405 = vector.broadcast %add3A_404 : i32 to vector<16xi32>
      %add3A_406 = arith.addi %add3A_397, %add3A_405 : vector<16xi32>
      tpu.vector_store_idx %arg10[%add3A_406, %broadcast_in_dim3A_383], %gather3A_403 : memref<64x512xf32, #tpu.memory_space<vmem>>[vector<16xi32>, vector<16xi32>], vector<16xf32>,
      %add3A_407 = arith.constant 8 : i32
      %add3A_408 = arith.addi %add3A_363, %add3A_407 : i32
      %lt3A = arith.constant 512 : i32
      %lt3A_409 = arith.cmpi slt, %add3A_408, %lt3A : i32
      %convert_element_type3A = arith.extui %lt3A_409 : i1 to i32
      %cond3A = arith.constant 0 : i32
      %cond3A_410 = arith.cmpi ne, %convert_element_type3A, %cond3A : i32
      scf.if %cond3A_410 {
        %get3A_817 = arith.index_cast %add3A_408 : i32 to index
        %get3A_818 = tpu.vector_load %arg7[%get3A_817] {strides = array<i32>} : memref<528xi32, #tpu.memory_space<vmem>>, vector<16xi32>,
        %slice3A_819 = vector.extract_strided_slice %get3A_818 {offsets = [0], sizes = [1], strides = [1]} : vector<16xi32> to vector<1xi32>
        %squeeze3A_820 = vector.extract %slice3A_819[0] : i32 from vector<1xi32>
        %shift_right_logical3A_821 = arith.constant 7 : i32
        %shift_right_logical3A_822 = arith.shrui %squeeze3A_820, %shift_right_logical3A_821 : i32
        %shift_left3A_823 = arith.constant 7 : i32
        %shift_left3A_824 = arith.shli %shift_right_logical3A_822, %shift_left3A_823 : i32
        %multiple_of3A_825 = tpu.assume_multiple %shift_left3A_824, 128 : i32
        %dma_start3A_826 = arith.constant 0 : i32
        %dma_start3A_827 = arith.constant 0 : i32
        %dma_start3A_828 = arith.constant 0 : i32
        %dma_start3A_829 = tpu.memref_slice %arg9[%dma_start3A_826, %dma_start3A_827, %dma_start3A_828] : memref<8x32x128xf32, #tpu.memory_space<vmem>> -> memref<1x32x128xf32, #tpu.memory_space<vmem>>
        %dma_start3A_830 = tpu.memref_squeeze %dma_start3A_829 : memref<1x32x128xf32, #tpu.memory_space<vmem>> -> memref<32x128xf32, #tpu.memory_space<vmem>>
        %dma_start3A_831 = arith.constant 0 : i32
        %dma_start3A_832 = tpu.memref_slice %arg4[%dma_start3A_831, %multiple_of3A_825] : memref<32x1000000xf32, #tpu.memory_space<hbm>> -> memref<32x128xf32, #tpu.memory_space<hbm>>
        %dma_start3A_833 = arith.constant 0 : i32
        %dma_start3A_834 = arith.constant 0 : i32
        %dma_start3A_835 = tpu.memref_slice %arg9[%dma_start3A_826, %dma_start3A_833, %dma_start3A_834] : memref<8x32x128xf32, #tpu.memory_space<vmem>> -> memref<1x32x128xf32, #tpu.memory_space<vmem>>
        %dma_start3A_836 = tpu.memref_squeeze %dma_start3A_835 : memref<1x32x128xf32, #tpu.memory_space<vmem>> -> memref<32x128xf32, #tpu.memory_space<vmem>>
        %dma_start3A_837 = arith.constant 0 : i32
        %dma_start3A_838 = tpu.memref_slice %arg4[%dma_start3A_837, %multiple_of3A_825] : memref<32x1000000xf32, #tpu.memory_space<hbm>> -> memref<32x128xf32, #tpu.memory_space<hbm>>
        tpu.enqueue_dma source(%dma_start3A_838 : memref<32x128xf32, #tpu.memory_space<hbm>>) target(%dma_start3A_836 : memref<32x128xf32, #tpu.memory_space<vmem>>) target_semaphore(%arg11 : memref<!tpu.dma_semaphore, #tpu.memory_space<semaphore_mem>>)
      } else {
      }
      %mul3A_411 = arith.constant 8 : i32
      %mul3A_412 = arith.muli %scan3A_359, %mul3A_411 : i32
      %add3A_413 = arith.constant 1 : i32
      %add3A_414 = arith.addi %mul3A_412, %add3A_413 : i32
      %dma_wait3A_415 = arith.constant 1 : i32
      %dma_wait3A_416 = arith.constant 0 : i32
      %dma_wait3A_417 = arith.constant 0 : i32
      %dma_wait3A_418 = tpu.memref_slice %arg9[%dma_wait3A_415, %dma_wait3A_416, %dma_wait3A_417] : memref<8x32x128xf32, #tpu.memory_space<vmem>> -> memref<1x32x128xf32, #tpu.memory_space<vmem>>
      %dma_wait3A_419 = tpu.memref_squeeze %dma_wait3A_418 : memref<1x32x128xf32, #tpu.memory_space<vmem>> -> memref<32x128xf32, #tpu.memory_space<vmem>>
      %dma_wait3A_420 = arith.constant 0 : i32
      %dma_wait3A_421 = arith.constant 0 : i32
      %dma_wait3A_422 = tpu.memref_slice %arg4[%dma_wait3A_420, %dma_wait3A_421] : memref<32x1000000xf32, #tpu.memory_space<hbm>> -> memref<32x128xf32, #tpu.memory_space<hbm>>
      %dma_wait3A_423 = arith.constant 0 : i32
      %dma_wait3A_424 = arith.constant 0 : i32
      %dma_wait3A_425 = tpu.memref_slice %arg9[%dma_wait3A_415, %dma_wait3A_423, %dma_wait3A_424] : memref<8x32x128xf32, #tpu.memory_space<vmem>> -> memref<1x32x128xf32, #tpu.memory_space<vmem>>
      %dma_wait3A_426 = tpu.memref_squeeze %dma_wait3A_425 : memref<1x32x128xf32, #tpu.memory_space<vmem>> -> memref<32x128xf32, #tpu.memory_space<vmem>>
      %dma_wait3A_427 = arith.constant 0 : i32
      %dma_wait3A_428 = arith.constant 0 : i32
      %dma_wait3A_429 = tpu.memref_slice %arg4[%dma_wait3A_427, %dma_wait3A_428] : memref<32x1000000xf32, #tpu.memory_space<hbm>> -> memref<32x128xf32, #tpu.memory_space<hbm>>
      tpu.wait_dma2 semaphore(%arg12 : memref<!tpu.dma_semaphore, #tpu.memory_space<semaphore_mem>>) src(%dma_wait3A_429 : memref<32x128xf32, #tpu.memory_space<hbm>>) dst(%dma_wait3A_426 : memref<32x128xf32, #tpu.memory_space<vmem>>)
      %get3A_430 = arith.index_cast %add3A_414 : i32 to index
      %get3A_431 = tpu.vector_load %arg7[%get3A_430] {strides = array<i32>} : memref<528xi32, #tpu.memory_space<vmem>>, vector<16xi32>,
      %slice3A_432 = vector.extract_strided_slice %get3A_431 {offsets = [0], sizes = [1], strides = [1]} : vector<16xi32> to vector<1xi32>
      %squeeze3A_433 = vector.extract %slice3A_432[0] : i32 from vector<1xi32>
      %and3A_434 = arith.constant 127 : i32
      %and3A_435 = arith.andi %squeeze3A_433, %and3A_434 : i32
      %broadcast_in_dim3A_436 = vector.broadcast %and3A_435 : i32 to vector<16xi32>
      %broadcast_in_dim3A_437 = vector.broadcast %add3A_414 : i32 to vector<16xi32>
      %add3A_438 = arith.constant 0 : i32
      %add3A_439 = vector.broadcast %add3A_438 : i32 to vector<16xi32>
      %add3A_440 = arith.addi %iota3A, %add3A_439 : vector<16xi32>
      %gather3A_441 = arith.constant 1 : i32
      %gather3A_442 = arith.constant 0 : i32
      %gather3A_443 = arith.constant 0 : i32
      %gather3A_444 = tpu.memref_slice %arg9[%gather3A_441, %gather3A_442, %gather3A_443] : memref<8x32x128xf32, #tpu.memory_space<vmem>> -> memref<1x32x128xf32, #tpu.memory_space<vmem>>
      %gather3A_445 = tpu.memref_squeeze %gather3A_444 : memref<1x32x128xf32, #tpu.memory_space<vmem>> -> memref<32x128xf32, #tpu.memory_space<vmem>>
      %gather3A_446 = tpu.vector_load_idx %gather3A_445[%add3A_440, %broadcast_in_dim3A_436] : memref<32x128xf32, #tpu.memory_space<vmem>>[vector<16xi32>, vector<16xi32>], vector<16xf32>,
      %add3A_447 = arith.constant 0 : i32
      %add3A_448 = vector.broadcast %add3A_447 : i32 to vector<16xi32>
      %add3A_449 = arith.addi %add3A_440, %add3A_448 : vector<16xi32>
      tpu.vector_store_idx %arg10[%add3A_449, %broadcast_in_dim3A_437], %gather3A_446 : memref<64x512xf32, #tpu.memory_space<vmem>>[vector<16xi32>, vector<16xi32>], vector<16xf32>,
      %add3A_450 = arith.constant 16 : i32
      %add3A_451 = vector.broadcast %add3A_450 : i32 to vector<16xi32>
      %add3A_452 = arith.addi %iota3A, %add3A_451 : vector<16xi32>
      %gather3A_453 = arith.constant 1 : i32
      %gather3A_454 = arith.constant 0 : i32
      %gather3A_455 = arith.constant 0 : i32
      %gather3A_456 = tpu.memref_slice %arg9[%gather3A_453, %gather3A_454, %gather3A_455] : memref<8x32x128xf32, #tpu.memory_space<vmem>> -> memref<1x32x128xf32, #tpu.memory_space<vmem>>
      %gather3A_457 = tpu.memref_squeeze %gather3A_456 : memref<1x32x128xf32, #tpu.memory_space<vmem>> -> memref<32x128xf32, #tpu.memory_space<vmem>>
      %gather3A_458 = tpu.vector_load_idx %gather3A_457[%add3A_452, %broadcast_in_dim3A_436] : memref<32x128xf32, #tpu.memory_space<vmem>>[vector<16xi32>, vector<16xi32>], vector<16xf32>,
      %add3A_459 = arith.constant 0 : i32
      %add3A_460 = vector.broadcast %add3A_459 : i32 to vector<16xi32>
      %add3A_461 = arith.addi %add3A_452, %add3A_460 : vector<16xi32>
      tpu.vector_store_idx %arg10[%add3A_461, %broadcast_in_dim3A_437], %gather3A_458 : memref<64x512xf32, #tpu.memory_space<vmem>>[vector<16xi32>, vector<16xi32>], vector<16xf32>,
      %add3A_462 = arith.constant 8 : i32
      %add3A_463 = arith.addi %add3A_414, %add3A_462 : i32
      %lt3A_464 = arith.constant 512 : i32
      %lt3A_465 = arith.cmpi slt, %add3A_463, %lt3A_464 : i32
      %convert_element_type3A_466 = arith.extui %lt3A_465 : i1 to i32
      %cond3A_467 = arith.constant 0 : i32
      %cond3A_468 = arith.cmpi ne, %convert_element_type3A_466, %cond3A_467 : i32
      scf.if %cond3A_468 {
        %get3A_817 = arith.index_cast %add3A_463 : i32 to index
        %get3A_818 = tpu.vector_load %arg7[%get3A_817] {strides = array<i32>} : memref<528xi32, #tpu.memory_space<vmem>>, vector<16xi32>,
        %slice3A_819 = vector.extract_strided_slice %get3A_818 {offsets = [0], sizes = [1], strides = [1]} : vector<16xi32> to vector<1xi32>
        %squeeze3A_820 = vector.extract %slice3A_819[0] : i32 from vector<1xi32>
        %shift_right_logical3A_821 = arith.constant 7 : i32
        %shift_right_logical3A_822 = arith.shrui %squeeze3A_820, %shift_right_logical3A_821 : i32
        %shift_left3A_823 = arith.constant 7 : i32
        %shift_left3A_824 = arith.shli %shift_right_logical3A_822, %shift_left3A_823 : i32
        %multiple_of3A_825 = tpu.assume_multiple %shift_left3A_824, 128 : i32
        %dma_start3A_826 = arith.constant 1 : i32
        %dma_start3A_827 = arith.constant 0 : i32
        %dma_start3A_828 = arith.constant 0 : i32
        %dma_start3A_829 = tpu.memref_slice %arg9[%dma_start3A_826, %dma_start3A_827, %dma_start3A_828] : memref<8x32x128xf32, #tpu.memory_space<vmem>> -> memref<1x32x128xf32, #tpu.memory_space<vmem>>
        %dma_start3A_830 = tpu.memref_squeeze %dma_start3A_829 : memref<1x32x128xf32, #tpu.memory_space<vmem>> -> memref<32x128xf32, #tpu.memory_space<vmem>>
        %dma_start3A_831 = arith.constant 0 : i32
        %dma_start3A_832 = tpu.memref_slice %arg4[%dma_start3A_831, %multiple_of3A_825] : memref<32x1000000xf32, #tpu.memory_space<hbm>> -> memref<32x128xf32, #tpu.memory_space<hbm>>
        %dma_start3A_833 = arith.constant 0 : i32
        %dma_start3A_834 = arith.constant 0 : i32
        %dma_start3A_835 = tpu.memref_slice %arg9[%dma_start3A_826, %dma_start3A_833, %dma_start3A_834] : memref<8x32x128xf32, #tpu.memory_space<vmem>> -> memref<1x32x128xf32, #tpu.memory_space<vmem>>
        %dma_start3A_836 = tpu.memref_squeeze %dma_start3A_835 : memref<1x32x128xf32, #tpu.memory_space<vmem>> -> memref<32x128xf32, #tpu.memory_space<vmem>>
        %dma_start3A_837 = arith.constant 0 : i32
        %dma_start3A_838 = tpu.memref_slice %arg4[%dma_start3A_837, %multiple_of3A_825] : memref<32x1000000xf32, #tpu.memory_space<hbm>> -> memref<32x128xf32, #tpu.memory_space<hbm>>
        tpu.enqueue_dma source(%dma_start3A_838 : memref<32x128xf32, #tpu.memory_space<hbm>>) target(%dma_start3A_836 : memref<32x128xf32, #tpu.memory_space<vmem>>) target_semaphore(%arg12 : memref<!tpu.dma_semaphore, #tpu.memory_space<semaphore_mem>>)
      } else {
      }
      %mul3A_469 = arith.constant 8 : i32
      %mul3A_470 = arith.muli %scan3A_359, %mul3A_469 : i32
      %add3A_471 = arith.constant 2 : i32
      %add3A_472 = arith.addi %mul3A_470, %add3A_471 : i32
      %dma_wait3A_473 = arith.constant 2 : i32
      %dma_wait3A_474 = arith.constant 0 : i32
      %dma_wait3A_475 = arith.constant 0 : i32
      %dma_wait3A_476 = tpu.memref_slice %arg9[%dma_wait3A_473, %dma_wait3A_474, %dma_wait3A_475] : memref<8x32x128xf32, #tpu.memory_space<vmem>> -> memref<1x32x128xf32, #tpu.memory_space<vmem>>
      %dma_wait3A_477 = tpu.memref_squeeze %dma_wait3A_476 : memref<1x32x128xf32, #tpu.memory_space<vmem>> -> memref<32x128xf32, #tpu.memory_space<vmem>>
      %dma_wait3A_478 = arith.constant 0 : i32
      %dma_wait3A_479 = arith.constant 0 : i32
      %dma_wait3A_480 = tpu.memref_slice %arg4[%dma_wait3A_478, %dma_wait3A_479] : memref<32x1000000xf32, #tpu.memory_space<hbm>> -> memref<32x128xf32, #tpu.memory_space<hbm>>
      %dma_wait3A_481 = arith.constant 0 : i32
      %dma_wait3A_482 = arith.constant 0 : i32
      %dma_wait3A_483 = tpu.memref_slice %arg9[%dma_wait3A_473, %dma_wait3A_481, %dma_wait3A_482] : memref<8x32x128xf32, #tpu.memory_space<vmem>> -> memref<1x32x128xf32, #tpu.memory_space<vmem>>
      %dma_wait3A_484 = tpu.memref_squeeze %dma_wait3A_483 : memref<1x32x128xf32, #tpu.memory_space<vmem>> -> memref<32x128xf32, #tpu.memory_space<vmem>>
      %dma_wait3A_485 = arith.constant 0 : i32
      %dma_wait3A_486 = arith.constant 0 : i32
      %dma_wait3A_487 = tpu.memref_slice %arg4[%dma_wait3A_485, %dma_wait3A_486] : memref<32x1000000xf32, #tpu.memory_space<hbm>> -> memref<32x128xf32, #tpu.memory_space<hbm>>
      tpu.wait_dma2 semaphore(%arg13 : memref<!tpu.dma_semaphore, #tpu.memory_space<semaphore_mem>>) src(%dma_wait3A_487 : memref<32x128xf32, #tpu.memory_space<hbm>>) dst(%dma_wait3A_484 : memref<32x128xf32, #tpu.memory_space<vmem>>)
      %get3A_488 = arith.index_cast %add3A_472 : i32 to index
      %get3A_489 = tpu.vector_load %arg7[%get3A_488] {strides = array<i32>} : memref<528xi32, #tpu.memory_space<vmem>>, vector<16xi32>,
      %slice3A_490 = vector.extract_strided_slice %get3A_489 {offsets = [0], sizes = [1], strides = [1]} : vector<16xi32> to vector<1xi32>
      %squeeze3A_491 = vector.extract %slice3A_490[0] : i32 from vector<1xi32>
      %and3A_492 = arith.constant 127 : i32
      %and3A_493 = arith.andi %squeeze3A_491, %and3A_492 : i32
      %broadcast_in_dim3A_494 = vector.broadcast %and3A_493 : i32 to vector<16xi32>
      %broadcast_in_dim3A_495 = vector.broadcast %add3A_472 : i32 to vector<16xi32>
      %add3A_496 = arith.constant 0 : i32
      %add3A_497 = vector.broadcast %add3A_496 : i32 to vector<16xi32>
      %add3A_498 = arith.addi %iota3A, %add3A_497 : vector<16xi32>
      %gather3A_499 = arith.constant 2 : i32
      %gather3A_500 = arith.constant 0 : i32
      %gather3A_501 = arith.constant 0 : i32
      %gather3A_502 = tpu.memref_slice %arg9[%gather3A_499, %gather3A_500, %gather3A_501] : memref<8x32x128xf32, #tpu.memory_space<vmem>> -> memref<1x32x128xf32, #tpu.memory_space<vmem>>
      %gather3A_503 = tpu.memref_squeeze %gather3A_502 : memref<1x32x128xf32, #tpu.memory_space<vmem>> -> memref<32x128xf32, #tpu.memory_space<vmem>>
      %gather3A_504 = tpu.vector_load_idx %gather3A_503[%add3A_498, %broadcast_in_dim3A_494] : memref<32x128xf32, #tpu.memory_space<vmem>>[vector<16xi32>, vector<16xi32>], vector<16xf32>,
      %add3A_505 = arith.constant 0 : i32
      %add3A_506 = vector.broadcast %add3A_505 : i32 to vector<16xi32>
      %add3A_507 = arith.addi %add3A_498, %add3A_506 : vector<16xi32>
      tpu.vector_store_idx %arg10[%add3A_507, %broadcast_in_dim3A_495], %gather3A_504 : memref<64x512xf32, #tpu.memory_space<vmem>>[vector<16xi32>, vector<16xi32>], vector<16xf32>,
      %add3A_508 = arith.constant 16 : i32
      %add3A_509 = vector.broadcast %add3A_508 : i32 to vector<16xi32>
      %add3A_510 = arith.addi %iota3A, %add3A_509 : vector<16xi32>
      %gather3A_511 = arith.constant 2 : i32
      %gather3A_512 = arith.constant 0 : i32
      %gather3A_513 = arith.constant 0 : i32
      %gather3A_514 = tpu.memref_slice %arg9[%gather3A_511, %gather3A_512, %gather3A_513] : memref<8x32x128xf32, #tpu.memory_space<vmem>> -> memref<1x32x128xf32, #tpu.memory_space<vmem>>
      %gather3A_515 = tpu.memref_squeeze %gather3A_514 : memref<1x32x128xf32, #tpu.memory_space<vmem>> -> memref<32x128xf32, #tpu.memory_space<vmem>>
      %gather3A_516 = tpu.vector_load_idx %gather3A_515[%add3A_510, %broadcast_in_dim3A_494] : memref<32x128xf32, #tpu.memory_space<vmem>>[vector<16xi32>, vector<16xi32>], vector<16xf32>,
      %add3A_517 = arith.constant 0 : i32
      %add3A_518 = vector.broadcast %add3A_517 : i32 to vector<16xi32>
      %add3A_519 = arith.addi %add3A_510, %add3A_518 : vector<16xi32>
      tpu.vector_store_idx %arg10[%add3A_519, %broadcast_in_dim3A_495], %gather3A_516 : memref<64x512xf32, #tpu.memory_space<vmem>>[vector<16xi32>, vector<16xi32>], vector<16xf32>,
      %add3A_520 = arith.constant 8 : i32
      %add3A_521 = arith.addi %add3A_472, %add3A_520 : i32
      %lt3A_522 = arith.constant 512 : i32
      %lt3A_523 = arith.cmpi slt, %add3A_521, %lt3A_522 : i32
      %convert_element_type3A_524 = arith.extui %lt3A_523 : i1 to i32
      %cond3A_525 = arith.constant 0 : i32
      %cond3A_526 = arith.cmpi ne, %convert_element_type3A_524, %cond3A_525 : i32
      scf.if %cond3A_526 {
        %get3A_817 = arith.index_cast %add3A_521 : i32 to index
        %get3A_818 = tpu.vector_load %arg7[%get3A_817] {strides = array<i32>} : memref<528xi32, #tpu.memory_space<vmem>>, vector<16xi32>,
        %slice3A_819 = vector.extract_strided_slice %get3A_818 {offsets = [0], sizes = [1], strides = [1]} : vector<16xi32> to vector<1xi32>
        %squeeze3A_820 = vector.extract %slice3A_819[0] : i32 from vector<1xi32>
        %shift_right_logical3A_821 = arith.constant 7 : i32
        %shift_right_logical3A_822 = arith.shrui %squeeze3A_820, %shift_right_logical3A_821 : i32
        %shift_left3A_823 = arith.constant 7 : i32
        %shift_left3A_824 = arith.shli %shift_right_logical3A_822, %shift_left3A_823 : i32
        %multiple_of3A_825 = tpu.assume_multiple %shift_left3A_824, 128 : i32
        %dma_start3A_826 = arith.constant 2 : i32
        %dma_start3A_827 = arith.constant 0 : i32
        %dma_start3A_828 = arith.constant 0 : i32
        %dma_start3A_829 = tpu.memref_slice %arg9[%dma_start3A_826, %dma_start3A_827, %dma_start3A_828] : memref<8x32x128xf32, #tpu.memory_space<vmem>> -> memref<1x32x128xf32, #tpu.memory_space<vmem>>
        %dma_start3A_830 = tpu.memref_squeeze %dma_start3A_829 : memref<1x32x128xf32, #tpu.memory_space<vmem>> -> memref<32x128xf32, #tpu.memory_space<vmem>>
        %dma_start3A_831 = arith.constant 0 : i32
        %dma_start3A_832 = tpu.memref_slice %arg4[%dma_start3A_831, %multiple_of3A_825] : memref<32x1000000xf32, #tpu.memory_space<hbm>> -> memref<32x128xf32, #tpu.memory_space<hbm>>
        %dma_start3A_833 = arith.constant 0 : i32
        %dma_start3A_834 = arith.constant 0 : i32
        %dma_start3A_835 = tpu.memref_slice %arg9[%dma_start3A_826, %dma_start3A_833, %dma_start3A_834] : memref<8x32x128xf32, #tpu.memory_space<vmem>> -> memref<1x32x128xf32, #tpu.memory_space<vmem>>
        %dma_start3A_836 = tpu.memref_squeeze %dma_start3A_835 : memref<1x32x128xf32, #tpu.memory_space<vmem>> -> memref<32x128xf32, #tpu.memory_space<vmem>>
        %dma_start3A_837 = arith.constant 0 : i32
        %dma_start3A_838 = tpu.memref_slice %arg4[%dma_start3A_837, %multiple_of3A_825] : memref<32x1000000xf32, #tpu.memory_space<hbm>> -> memref<32x128xf32, #tpu.memory_space<hbm>>
        tpu.enqueue_dma source(%dma_start3A_838 : memref<32x128xf32, #tpu.memory_space<hbm>>) target(%dma_start3A_836 : memref<32x128xf32, #tpu.memory_space<vmem>>) target_semaphore(%arg13 : memref<!tpu.dma_semaphore, #tpu.memory_space<semaphore_mem>>)
      } else {
      }
      %mul3A_527 = arith.constant 8 : i32
      %mul3A_528 = arith.muli %scan3A_359, %mul3A_527 : i32
      %add3A_529 = arith.constant 3 : i32
      %add3A_530 = arith.addi %mul3A_528, %add3A_529 : i32
      %dma_wait3A_531 = arith.constant 3 : i32
      %dma_wait3A_532 = arith.constant 0 : i32
      %dma_wait3A_533 = arith.constant 0 : i32
      %dma_wait3A_534 = tpu.memref_slice %arg9[%dma_wait3A_531, %dma_wait3A_532, %dma_wait3A_533] : memref<8x32x128xf32, #tpu.memory_space<vmem>> -> memref<1x32x128xf32, #tpu.memory_space<vmem>>
      %dma_wait3A_535 = tpu.memref_squeeze %dma_wait3A_534 : memref<1x32x128xf32, #tpu.memory_space<vmem>> -> memref<32x128xf32, #tpu.memory_space<vmem>>
      %dma_wait3A_536 = arith.constant 0 : i32
      %dma_wait3A_537 = arith.constant 0 : i32
      %dma_wait3A_538 = tpu.memref_slice %arg4[%dma_wait3A_536, %dma_wait3A_537] : memref<32x1000000xf32, #tpu.memory_space<hbm>> -> memref<32x128xf32, #tpu.memory_space<hbm>>
      %dma_wait3A_539 = arith.constant 0 : i32
      %dma_wait3A_540 = arith.constant 0 : i32
      %dma_wait3A_541 = tpu.memref_slice %arg9[%dma_wait3A_531, %dma_wait3A_539, %dma_wait3A_540] : memref<8x32x128xf32, #tpu.memory_space<vmem>> -> memref<1x32x128xf32, #tpu.memory_space<vmem>>
      %dma_wait3A_542 = tpu.memref_squeeze %dma_wait3A_541 : memref<1x32x128xf32, #tpu.memory_space<vmem>> -> memref<32x128xf32, #tpu.memory_space<vmem>>
      %dma_wait3A_543 = arith.constant 0 : i32
      %dma_wait3A_544 = arith.constant 0 : i32
      %dma_wait3A_545 = tpu.memref_slice %arg4[%dma_wait3A_543, %dma_wait3A_544] : memref<32x1000000xf32, #tpu.memory_space<hbm>> -> memref<32x128xf32, #tpu.memory_space<hbm>>
      tpu.wait_dma2 semaphore(%arg14 : memref<!tpu.dma_semaphore, #tpu.memory_space<semaphore_mem>>) src(%dma_wait3A_545 : memref<32x128xf32, #tpu.memory_space<hbm>>) dst(%dma_wait3A_542 : memref<32x128xf32, #tpu.memory_space<vmem>>)
      %get3A_546 = arith.index_cast %add3A_530 : i32 to index
      %get3A_547 = tpu.vector_load %arg7[%get3A_546] {strides = array<i32>} : memref<528xi32, #tpu.memory_space<vmem>>, vector<16xi32>,
      %slice3A_548 = vector.extract_strided_slice %get3A_547 {offsets = [0], sizes = [1], strides = [1]} : vector<16xi32> to vector<1xi32>
      %squeeze3A_549 = vector.extract %slice3A_548[0] : i32 from vector<1xi32>
      %and3A_550 = arith.constant 127 : i32
      %and3A_551 = arith.andi %squeeze3A_549, %and3A_550 : i32
      %broadcast_in_dim3A_552 = vector.broadcast %and3A_551 : i32 to vector<16xi32>
      %broadcast_in_dim3A_553 = vector.broadcast %add3A_530 : i32 to vector<16xi32>
      %add3A_554 = arith.constant 0 : i32
      %add3A_555 = vector.broadcast %add3A_554 : i32 to vector<16xi32>
      %add3A_556 = arith.addi %iota3A, %add3A_555 : vector<16xi32>
      %gather3A_557 = arith.constant 3 : i32
      %gather3A_558 = arith.constant 0 : i32
      %gather3A_559 = arith.constant 0 : i32
      %gather3A_560 = tpu.memref_slice %arg9[%gather3A_557, %gather3A_558, %gather3A_559] : memref<8x32x128xf32, #tpu.memory_space<vmem>> -> memref<1x32x128xf32, #tpu.memory_space<vmem>>
      %gather3A_561 = tpu.memref_squeeze %gather3A_560 : memref<1x32x128xf32, #tpu.memory_space<vmem>> -> memref<32x128xf32, #tpu.memory_space<vmem>>
      %gather3A_562 = tpu.vector_load_idx %gather3A_561[%add3A_556, %broadcast_in_dim3A_552] : memref<32x128xf32, #tpu.memory_space<vmem>>[vector<16xi32>, vector<16xi32>], vector<16xf32>,
      %add3A_563 = arith.constant 0 : i32
      %add3A_564 = vector.broadcast %add3A_563 : i32 to vector<16xi32>
      %add3A_565 = arith.addi %add3A_556, %add3A_564 : vector<16xi32>
      tpu.vector_store_idx %arg10[%add3A_565, %broadcast_in_dim3A_553], %gather3A_562 : memref<64x512xf32, #tpu.memory_space<vmem>>[vector<16xi32>, vector<16xi32>], vector<16xf32>,
      %add3A_566 = arith.constant 16 : i32
      %add3A_567 = vector.broadcast %add3A_566 : i32 to vector<16xi32>
      %add3A_568 = arith.addi %iota3A, %add3A_567 : vector<16xi32>
      %gather3A_569 = arith.constant 3 : i32
      %gather3A_570 = arith.constant 0 : i32
      %gather3A_571 = arith.constant 0 : i32
      %gather3A_572 = tpu.memref_slice %arg9[%gather3A_569, %gather3A_570, %gather3A_571] : memref<8x32x128xf32, #tpu.memory_space<vmem>> -> memref<1x32x128xf32, #tpu.memory_space<vmem>>
      %gather3A_573 = tpu.memref_squeeze %gather3A_572 : memref<1x32x128xf32, #tpu.memory_space<vmem>> -> memref<32x128xf32, #tpu.memory_space<vmem>>
      %gather3A_574 = tpu.vector_load_idx %gather3A_573[%add3A_568, %broadcast_in_dim3A_552] : memref<32x128xf32, #tpu.memory_space<vmem>>[vector<16xi32>, vector<16xi32>], vector<16xf32>,
      %add3A_575 = arith.constant 0 : i32
      %add3A_576 = vector.broadcast %add3A_575 : i32 to vector<16xi32>
      %add3A_577 = arith.addi %add3A_568, %add3A_576 : vector<16xi32>
      tpu.vector_store_idx %arg10[%add3A_577, %broadcast_in_dim3A_553], %gather3A_574 : memref<64x512xf32, #tpu.memory_space<vmem>>[vector<16xi32>, vector<16xi32>], vector<16xf32>,
      %add3A_578 = arith.constant 8 : i32
      %add3A_579 = arith.addi %add3A_530, %add3A_578 : i32
      %lt3A_580 = arith.constant 512 : i32
      %lt3A_581 = arith.cmpi slt, %add3A_579, %lt3A_580 : i32
      %convert_element_type3A_582 = arith.extui %lt3A_581 : i1 to i32
      %cond3A_583 = arith.constant 0 : i32
      %cond3A_584 = arith.cmpi ne, %convert_element_type3A_582, %cond3A_583 : i32
      scf.if %cond3A_584 {
        %get3A_817 = arith.index_cast %add3A_579 : i32 to index
        %get3A_818 = tpu.vector_load %arg7[%get3A_817] {strides = array<i32>} : memref<528xi32, #tpu.memory_space<vmem>>, vector<16xi32>,
        %slice3A_819 = vector.extract_strided_slice %get3A_818 {offsets = [0], sizes = [1], strides = [1]} : vector<16xi32> to vector<1xi32>
        %squeeze3A_820 = vector.extract %slice3A_819[0] : i32 from vector<1xi32>
        %shift_right_logical3A_821 = arith.constant 7 : i32
        %shift_right_logical3A_822 = arith.shrui %squeeze3A_820, %shift_right_logical3A_821 : i32
        %shift_left3A_823 = arith.constant 7 : i32
        %shift_left3A_824 = arith.shli %shift_right_logical3A_822, %shift_left3A_823 : i32
        %multiple_of3A_825 = tpu.assume_multiple %shift_left3A_824, 128 : i32
        %dma_start3A_826 = arith.constant 3 : i32
        %dma_start3A_827 = arith.constant 0 : i32
        %dma_start3A_828 = arith.constant 0 : i32
        %dma_start3A_829 = tpu.memref_slice %arg9[%dma_start3A_826, %dma_start3A_827, %dma_start3A_828] : memref<8x32x128xf32, #tpu.memory_space<vmem>> -> memref<1x32x128xf32, #tpu.memory_space<vmem>>
        %dma_start3A_830 = tpu.memref_squeeze %dma_start3A_829 : memref<1x32x128xf32, #tpu.memory_space<vmem>> -> memref<32x128xf32, #tpu.memory_space<vmem>>
        %dma_start3A_831 = arith.constant 0 : i32
        %dma_start3A_832 = tpu.memref_slice %arg4[%dma_start3A_831, %multiple_of3A_825] : memref<32x1000000xf32, #tpu.memory_space<hbm>> -> memref<32x128xf32, #tpu.memory_space<hbm>>
        %dma_start3A_833 = arith.constant 0 : i32
        %dma_start3A_834 = arith.constant 0 : i32
        %dma_start3A_835 = tpu.memref_slice %arg9[%dma_start3A_826, %dma_start3A_833, %dma_start3A_834] : memref<8x32x128xf32, #tpu.memory_space<vmem>> -> memref<1x32x128xf32, #tpu.memory_space<vmem>>
        %dma_start3A_836 = tpu.memref_squeeze %dma_start3A_835 : memref<1x32x128xf32, #tpu.memory_space<vmem>> -> memref<32x128xf32, #tpu.memory_space<vmem>>
        %dma_start3A_837 = arith.constant 0 : i32
        %dma_start3A_838 = tpu.memref_slice %arg4[%dma_start3A_837, %multiple_of3A_825] : memref<32x1000000xf32, #tpu.memory_space<hbm>> -> memref<32x128xf32, #tpu.memory_space<hbm>>
        tpu.enqueue_dma source(%dma_start3A_838 : memref<32x128xf32, #tpu.memory_space<hbm>>) target(%dma_start3A_836 : memref<32x128xf32, #tpu.memory_space<vmem>>) target_semaphore(%arg14 : memref<!tpu.dma_semaphore, #tpu.memory_space<semaphore_mem>>)
      } else {
      }
      %mul3A_585 = arith.constant 8 : i32
      %mul3A_586 = arith.muli %scan3A_359, %mul3A_585 : i32
      %add3A_587 = arith.constant 4 : i32
      %add3A_588 = arith.addi %mul3A_586, %add3A_587 : i32
      %dma_wait3A_589 = arith.constant 4 : i32
      %dma_wait3A_590 = arith.constant 0 : i32
      %dma_wait3A_591 = arith.constant 0 : i32
      %dma_wait3A_592 = tpu.memref_slice %arg9[%dma_wait3A_589, %dma_wait3A_590, %dma_wait3A_591] : memref<8x32x128xf32, #tpu.memory_space<vmem>> -> memref<1x32x128xf32, #tpu.memory_space<vmem>>
      %dma_wait3A_593 = tpu.memref_squeeze %dma_wait3A_592 : memref<1x32x128xf32, #tpu.memory_space<vmem>> -> memref<32x128xf32, #tpu.memory_space<vmem>>
      %dma_wait3A_594 = arith.constant 0 : i32
      %dma_wait3A_595 = arith.constant 0 : i32
      %dma_wait3A_596 = tpu.memref_slice %arg4[%dma_wait3A_594, %dma_wait3A_595] : memref<32x1000000xf32, #tpu.memory_space<hbm>> -> memref<32x128xf32, #tpu.memory_space<hbm>>
      %dma_wait3A_597 = arith.constant 0 : i32
      %dma_wait3A_598 = arith.constant 0 : i32
      %dma_wait3A_599 = tpu.memref_slice %arg9[%dma_wait3A_589, %dma_wait3A_597, %dma_wait3A_598] : memref<8x32x128xf32, #tpu.memory_space<vmem>> -> memref<1x32x128xf32, #tpu.memory_space<vmem>>
      %dma_wait3A_600 = tpu.memref_squeeze %dma_wait3A_599 : memref<1x32x128xf32, #tpu.memory_space<vmem>> -> memref<32x128xf32, #tpu.memory_space<vmem>>
      %dma_wait3A_601 = arith.constant 0 : i32
      %dma_wait3A_602 = arith.constant 0 : i32
      %dma_wait3A_603 = tpu.memref_slice %arg4[%dma_wait3A_601, %dma_wait3A_602] : memref<32x1000000xf32, #tpu.memory_space<hbm>> -> memref<32x128xf32, #tpu.memory_space<hbm>>
      tpu.wait_dma2 semaphore(%arg15 : memref<!tpu.dma_semaphore, #tpu.memory_space<semaphore_mem>>) src(%dma_wait3A_603 : memref<32x128xf32, #tpu.memory_space<hbm>>) dst(%dma_wait3A_600 : memref<32x128xf32, #tpu.memory_space<vmem>>)
      %get3A_604 = arith.index_cast %add3A_588 : i32 to index
      %get3A_605 = tpu.vector_load %arg7[%get3A_604] {strides = array<i32>} : memref<528xi32, #tpu.memory_space<vmem>>, vector<16xi32>,
      %slice3A_606 = vector.extract_strided_slice %get3A_605 {offsets = [0], sizes = [1], strides = [1]} : vector<16xi32> to vector<1xi32>
      %squeeze3A_607 = vector.extract %slice3A_606[0] : i32 from vector<1xi32>
      %and3A_608 = arith.constant 127 : i32
      %and3A_609 = arith.andi %squeeze3A_607, %and3A_608 : i32
      %broadcast_in_dim3A_610 = vector.broadcast %and3A_609 : i32 to vector<16xi32>
      %broadcast_in_dim3A_611 = vector.broadcast %add3A_588 : i32 to vector<16xi32>
      %add3A_612 = arith.constant 0 : i32
      %add3A_613 = vector.broadcast %add3A_612 : i32 to vector<16xi32>
      %add3A_614 = arith.addi %iota3A, %add3A_613 : vector<16xi32>
      %gather3A_615 = arith.constant 4 : i32
      %gather3A_616 = arith.constant 0 : i32
      %gather3A_617 = arith.constant 0 : i32
      %gather3A_618 = tpu.memref_slice %arg9[%gather3A_615, %gather3A_616, %gather3A_617] : memref<8x32x128xf32, #tpu.memory_space<vmem>> -> memref<1x32x128xf32, #tpu.memory_space<vmem>>
      %gather3A_619 = tpu.memref_squeeze %gather3A_618 : memref<1x32x128xf32, #tpu.memory_space<vmem>> -> memref<32x128xf32, #tpu.memory_space<vmem>>
      %gather3A_620 = tpu.vector_load_idx %gather3A_619[%add3A_614, %broadcast_in_dim3A_610] : memref<32x128xf32, #tpu.memory_space<vmem>>[vector<16xi32>, vector<16xi32>], vector<16xf32>,
      %add3A_621 = arith.constant 0 : i32
      %add3A_622 = vector.broadcast %add3A_621 : i32 to vector<16xi32>
      %add3A_623 = arith.addi %add3A_614, %add3A_622 : vector<16xi32>
      tpu.vector_store_idx %arg10[%add3A_623, %broadcast_in_dim3A_611], %gather3A_620 : memref<64x512xf32, #tpu.memory_space<vmem>>[vector<16xi32>, vector<16xi32>], vector<16xf32>,
      %add3A_624 = arith.constant 16 : i32
      %add3A_625 = vector.broadcast %add3A_624 : i32 to vector<16xi32>
      %add3A_626 = arith.addi %iota3A, %add3A_625 : vector<16xi32>
      %gather3A_627 = arith.constant 4 : i32
      %gather3A_628 = arith.constant 0 : i32
      %gather3A_629 = arith.constant 0 : i32
      %gather3A_630 = tpu.memref_slice %arg9[%gather3A_627, %gather3A_628, %gather3A_629] : memref<8x32x128xf32, #tpu.memory_space<vmem>> -> memref<1x32x128xf32, #tpu.memory_space<vmem>>
      %gather3A_631 = tpu.memref_squeeze %gather3A_630 : memref<1x32x128xf32, #tpu.memory_space<vmem>> -> memref<32x128xf32, #tpu.memory_space<vmem>>
      %gather3A_632 = tpu.vector_load_idx %gather3A_631[%add3A_626, %broadcast_in_dim3A_610] : memref<32x128xf32, #tpu.memory_space<vmem>>[vector<16xi32>, vector<16xi32>], vector<16xf32>,
      %add3A_633 = arith.constant 0 : i32
      %add3A_634 = vector.broadcast %add3A_633 : i32 to vector<16xi32>
      %add3A_635 = arith.addi %add3A_626, %add3A_634 : vector<16xi32>
      tpu.vector_store_idx %arg10[%add3A_635, %broadcast_in_dim3A_611], %gather3A_632 : memref<64x512xf32, #tpu.memory_space<vmem>>[vector<16xi32>, vector<16xi32>], vector<16xf32>,
      %add3A_636 = arith.constant 8 : i32
      %add3A_637 = arith.addi %add3A_588, %add3A_636 : i32
      %lt3A_638 = arith.constant 512 : i32
      %lt3A_639 = arith.cmpi slt, %add3A_637, %lt3A_638 : i32
      %convert_element_type3A_640 = arith.extui %lt3A_639 : i1 to i32
      %cond3A_641 = arith.constant 0 : i32
      %cond3A_642 = arith.cmpi ne, %convert_element_type3A_640, %cond3A_641 : i32
      scf.if %cond3A_642 {
        %get3A_817 = arith.index_cast %add3A_637 : i32 to index
        %get3A_818 = tpu.vector_load %arg7[%get3A_817] {strides = array<i32>} : memref<528xi32, #tpu.memory_space<vmem>>, vector<16xi32>,
        %slice3A_819 = vector.extract_strided_slice %get3A_818 {offsets = [0], sizes = [1], strides = [1]} : vector<16xi32> to vector<1xi32>
        %squeeze3A_820 = vector.extract %slice3A_819[0] : i32 from vector<1xi32>
        %shift_right_logical3A_821 = arith.constant 7 : i32
        %shift_right_logical3A_822 = arith.shrui %squeeze3A_820, %shift_right_logical3A_821 : i32
        %shift_left3A_823 = arith.constant 7 : i32
        %shift_left3A_824 = arith.shli %shift_right_logical3A_822, %shift_left3A_823 : i32
        %multiple_of3A_825 = tpu.assume_multiple %shift_left3A_824, 128 : i32
        %dma_start3A_826 = arith.constant 4 : i32
        %dma_start3A_827 = arith.constant 0 : i32
        %dma_start3A_828 = arith.constant 0 : i32
        %dma_start3A_829 = tpu.memref_slice %arg9[%dma_start3A_826, %dma_start3A_827, %dma_start3A_828] : memref<8x32x128xf32, #tpu.memory_space<vmem>> -> memref<1x32x128xf32, #tpu.memory_space<vmem>>
        %dma_start3A_830 = tpu.memref_squeeze %dma_start3A_829 : memref<1x32x128xf32, #tpu.memory_space<vmem>> -> memref<32x128xf32, #tpu.memory_space<vmem>>
        %dma_start3A_831 = arith.constant 0 : i32
        %dma_start3A_832 = tpu.memref_slice %arg4[%dma_start3A_831, %multiple_of3A_825] : memref<32x1000000xf32, #tpu.memory_space<hbm>> -> memref<32x128xf32, #tpu.memory_space<hbm>>
        %dma_start3A_833 = arith.constant 0 : i32
        %dma_start3A_834 = arith.constant 0 : i32
        %dma_start3A_835 = tpu.memref_slice %arg9[%dma_start3A_826, %dma_start3A_833, %dma_start3A_834] : memref<8x32x128xf32, #tpu.memory_space<vmem>> -> memref<1x32x128xf32, #tpu.memory_space<vmem>>
        %dma_start3A_836 = tpu.memref_squeeze %dma_start3A_835 : memref<1x32x128xf32, #tpu.memory_space<vmem>> -> memref<32x128xf32, #tpu.memory_space<vmem>>
        %dma_start3A_837 = arith.constant 0 : i32
        %dma_start3A_838 = tpu.memref_slice %arg4[%dma_start3A_837, %multiple_of3A_825] : memref<32x1000000xf32, #tpu.memory_space<hbm>> -> memref<32x128xf32, #tpu.memory_space<hbm>>
        tpu.enqueue_dma source(%dma_start3A_838 : memref<32x128xf32, #tpu.memory_space<hbm>>) target(%dma_start3A_836 : memref<32x128xf32, #tpu.memory_space<vmem>>) target_semaphore(%arg15 : memref<!tpu.dma_semaphore, #tpu.memory_space<semaphore_mem>>)
      } else {
      }
      %mul3A_643 = arith.constant 8 : i32
      %mul3A_644 = arith.muli %scan3A_359, %mul3A_643 : i32
      %add3A_645 = arith.constant 5 : i32
      %add3A_646 = arith.addi %mul3A_644, %add3A_645 : i32
      %dma_wait3A_647 = arith.constant 5 : i32
      %dma_wait3A_648 = arith.constant 0 : i32
      %dma_wait3A_649 = arith.constant 0 : i32
      %dma_wait3A_650 = tpu.memref_slice %arg9[%dma_wait3A_647, %dma_wait3A_648, %dma_wait3A_649] : memref<8x32x128xf32, #tpu.memory_space<vmem>> -> memref<1x32x128xf32, #tpu.memory_space<vmem>>
      %dma_wait3A_651 = tpu.memref_squeeze %dma_wait3A_650 : memref<1x32x128xf32, #tpu.memory_space<vmem>> -> memref<32x128xf32, #tpu.memory_space<vmem>>
      %dma_wait3A_652 = arith.constant 0 : i32
      %dma_wait3A_653 = arith.constant 0 : i32
      %dma_wait3A_654 = tpu.memref_slice %arg4[%dma_wait3A_652, %dma_wait3A_653] : memref<32x1000000xf32, #tpu.memory_space<hbm>> -> memref<32x128xf32, #tpu.memory_space<hbm>>
      %dma_wait3A_655 = arith.constant 0 : i32
      %dma_wait3A_656 = arith.constant 0 : i32
      %dma_wait3A_657 = tpu.memref_slice %arg9[%dma_wait3A_647, %dma_wait3A_655, %dma_wait3A_656] : memref<8x32x128xf32, #tpu.memory_space<vmem>> -> memref<1x32x128xf32, #tpu.memory_space<vmem>>
      %dma_wait3A_658 = tpu.memref_squeeze %dma_wait3A_657 : memref<1x32x128xf32, #tpu.memory_space<vmem>> -> memref<32x128xf32, #tpu.memory_space<vmem>>
      %dma_wait3A_659 = arith.constant 0 : i32
      %dma_wait3A_660 = arith.constant 0 : i32
      %dma_wait3A_661 = tpu.memref_slice %arg4[%dma_wait3A_659, %dma_wait3A_660] : memref<32x1000000xf32, #tpu.memory_space<hbm>> -> memref<32x128xf32, #tpu.memory_space<hbm>>
      tpu.wait_dma2 semaphore(%arg16 : memref<!tpu.dma_semaphore, #tpu.memory_space<semaphore_mem>>) src(%dma_wait3A_661 : memref<32x128xf32, #tpu.memory_space<hbm>>) dst(%dma_wait3A_658 : memref<32x128xf32, #tpu.memory_space<vmem>>)
      %get3A_662 = arith.index_cast %add3A_646 : i32 to index
      %get3A_663 = tpu.vector_load %arg7[%get3A_662] {strides = array<i32>} : memref<528xi32, #tpu.memory_space<vmem>>, vector<16xi32>,
      %slice3A_664 = vector.extract_strided_slice %get3A_663 {offsets = [0], sizes = [1], strides = [1]} : vector<16xi32> to vector<1xi32>
      %squeeze3A_665 = vector.extract %slice3A_664[0] : i32 from vector<1xi32>
      %and3A_666 = arith.constant 127 : i32
      %and3A_667 = arith.andi %squeeze3A_665, %and3A_666 : i32
      %broadcast_in_dim3A_668 = vector.broadcast %and3A_667 : i32 to vector<16xi32>
      %broadcast_in_dim3A_669 = vector.broadcast %add3A_646 : i32 to vector<16xi32>
      %add3A_670 = arith.constant 0 : i32
      %add3A_671 = vector.broadcast %add3A_670 : i32 to vector<16xi32>
      %add3A_672 = arith.addi %iota3A, %add3A_671 : vector<16xi32>
      %gather3A_673 = arith.constant 5 : i32
      %gather3A_674 = arith.constant 0 : i32
      %gather3A_675 = arith.constant 0 : i32
      %gather3A_676 = tpu.memref_slice %arg9[%gather3A_673, %gather3A_674, %gather3A_675] : memref<8x32x128xf32, #tpu.memory_space<vmem>> -> memref<1x32x128xf32, #tpu.memory_space<vmem>>
      %gather3A_677 = tpu.memref_squeeze %gather3A_676 : memref<1x32x128xf32, #tpu.memory_space<vmem>> -> memref<32x128xf32, #tpu.memory_space<vmem>>
      %gather3A_678 = tpu.vector_load_idx %gather3A_677[%add3A_672, %broadcast_in_dim3A_668] : memref<32x128xf32, #tpu.memory_space<vmem>>[vector<16xi32>, vector<16xi32>], vector<16xf32>,
      %add3A_679 = arith.constant 0 : i32
      %add3A_680 = vector.broadcast %add3A_679 : i32 to vector<16xi32>
      %add3A_681 = arith.addi %add3A_672, %add3A_680 : vector<16xi32>
      tpu.vector_store_idx %arg10[%add3A_681, %broadcast_in_dim3A_669], %gather3A_678 : memref<64x512xf32, #tpu.memory_space<vmem>>[vector<16xi32>, vector<16xi32>], vector<16xf32>,
      %add3A_682 = arith.constant 16 : i32
      %add3A_683 = vector.broadcast %add3A_682 : i32 to vector<16xi32>
      %add3A_684 = arith.addi %iota3A, %add3A_683 : vector<16xi32>
      %gather3A_685 = arith.constant 5 : i32
      %gather3A_686 = arith.constant 0 : i32
      %gather3A_687 = arith.constant 0 : i32
      %gather3A_688 = tpu.memref_slice %arg9[%gather3A_685, %gather3A_686, %gather3A_687] : memref<8x32x128xf32, #tpu.memory_space<vmem>> -> memref<1x32x128xf32, #tpu.memory_space<vmem>>
      %gather3A_689 = tpu.memref_squeeze %gather3A_688 : memref<1x32x128xf32, #tpu.memory_space<vmem>> -> memref<32x128xf32, #tpu.memory_space<vmem>>
      %gather3A_690 = tpu.vector_load_idx %gather3A_689[%add3A_684, %broadcast_in_dim3A_668] : memref<32x128xf32, #tpu.memory_space<vmem>>[vector<16xi32>, vector<16xi32>], vector<16xf32>,
      %add3A_691 = arith.constant 0 : i32
      %add3A_692 = vector.broadcast %add3A_691 : i32 to vector<16xi32>
      %add3A_693 = arith.addi %add3A_684, %add3A_692 : vector<16xi32>
      tpu.vector_store_idx %arg10[%add3A_693, %broadcast_in_dim3A_669], %gather3A_690 : memref<64x512xf32, #tpu.memory_space<vmem>>[vector<16xi32>, vector<16xi32>], vector<16xf32>,
      %add3A_694 = arith.constant 8 : i32
      %add3A_695 = arith.addi %add3A_646, %add3A_694 : i32
      %lt3A_696 = arith.constant 512 : i32
      %lt3A_697 = arith.cmpi slt, %add3A_695, %lt3A_696 : i32
      %convert_element_type3A_698 = arith.extui %lt3A_697 : i1 to i32
      %cond3A_699 = arith.constant 0 : i32
      %cond3A_700 = arith.cmpi ne, %convert_element_type3A_698, %cond3A_699 : i32
      scf.if %cond3A_700 {
        %get3A_817 = arith.index_cast %add3A_695 : i32 to index
        %get3A_818 = tpu.vector_load %arg7[%get3A_817] {strides = array<i32>} : memref<528xi32, #tpu.memory_space<vmem>>, vector<16xi32>,
        %slice3A_819 = vector.extract_strided_slice %get3A_818 {offsets = [0], sizes = [1], strides = [1]} : vector<16xi32> to vector<1xi32>
        %squeeze3A_820 = vector.extract %slice3A_819[0] : i32 from vector<1xi32>
        %shift_right_logical3A_821 = arith.constant 7 : i32
        %shift_right_logical3A_822 = arith.shrui %squeeze3A_820, %shift_right_logical3A_821 : i32
        %shift_left3A_823 = arith.constant 7 : i32
        %shift_left3A_824 = arith.shli %shift_right_logical3A_822, %shift_left3A_823 : i32
        %multiple_of3A_825 = tpu.assume_multiple %shift_left3A_824, 128 : i32
        %dma_start3A_826 = arith.constant 5 : i32
        %dma_start3A_827 = arith.constant 0 : i32
        %dma_start3A_828 = arith.constant 0 : i32
        %dma_start3A_829 = tpu.memref_slice %arg9[%dma_start3A_826, %dma_start3A_827, %dma_start3A_828] : memref<8x32x128xf32, #tpu.memory_space<vmem>> -> memref<1x32x128xf32, #tpu.memory_space<vmem>>
        %dma_start3A_830 = tpu.memref_squeeze %dma_start3A_829 : memref<1x32x128xf32, #tpu.memory_space<vmem>> -> memref<32x128xf32, #tpu.memory_space<vmem>>
        %dma_start3A_831 = arith.constant 0 : i32
        %dma_start3A_832 = tpu.memref_slice %arg4[%dma_start3A_831, %multiple_of3A_825] : memref<32x1000000xf32, #tpu.memory_space<hbm>> -> memref<32x128xf32, #tpu.memory_space<hbm>>
        %dma_start3A_833 = arith.constant 0 : i32
        %dma_start3A_834 = arith.constant 0 : i32
        %dma_start3A_835 = tpu.memref_slice %arg9[%dma_start3A_826, %dma_start3A_833, %dma_start3A_834] : memref<8x32x128xf32, #tpu.memory_space<vmem>> -> memref<1x32x128xf32, #tpu.memory_space<vmem>>
        %dma_start3A_836 = tpu.memref_squeeze %dma_start3A_835 : memref<1x32x128xf32, #tpu.memory_space<vmem>> -> memref<32x128xf32, #tpu.memory_space<vmem>>
        %dma_start3A_837 = arith.constant 0 : i32
        %dma_start3A_838 = tpu.memref_slice %arg4[%dma_start3A_837, %multiple_of3A_825] : memref<32x1000000xf32, #tpu.memory_space<hbm>> -> memref<32x128xf32, #tpu.memory_space<hbm>>
        tpu.enqueue_dma source(%dma_start3A_838 : memref<32x128xf32, #tpu.memory_space<hbm>>) target(%dma_start3A_836 : memref<32x128xf32, #tpu.memory_space<vmem>>) target_semaphore(%arg16 : memref<!tpu.dma_semaphore, #tpu.memory_space<semaphore_mem>>)
      } else {
      }
      %mul3A_701 = arith.constant 8 : i32
      %mul3A_702 = arith.muli %scan3A_359, %mul3A_701 : i32
      %add3A_703 = arith.constant 6 : i32
      %add3A_704 = arith.addi %mul3A_702, %add3A_703 : i32
      %dma_wait3A_705 = arith.constant 6 : i32
      %dma_wait3A_706 = arith.constant 0 : i32
      %dma_wait3A_707 = arith.constant 0 : i32
      %dma_wait3A_708 = tpu.memref_slice %arg9[%dma_wait3A_705, %dma_wait3A_706, %dma_wait3A_707] : memref<8x32x128xf32, #tpu.memory_space<vmem>> -> memref<1x32x128xf32, #tpu.memory_space<vmem>>
      %dma_wait3A_709 = tpu.memref_squeeze %dma_wait3A_708 : memref<1x32x128xf32, #tpu.memory_space<vmem>> -> memref<32x128xf32, #tpu.memory_space<vmem>>
      %dma_wait3A_710 = arith.constant 0 : i32
      %dma_wait3A_711 = arith.constant 0 : i32
      %dma_wait3A_712 = tpu.memref_slice %arg4[%dma_wait3A_710, %dma_wait3A_711] : memref<32x1000000xf32, #tpu.memory_space<hbm>> -> memref<32x128xf32, #tpu.memory_space<hbm>>
      %dma_wait3A_713 = arith.constant 0 : i32
      %dma_wait3A_714 = arith.constant 0 : i32
      %dma_wait3A_715 = tpu.memref_slice %arg9[%dma_wait3A_705, %dma_wait3A_713, %dma_wait3A_714] : memref<8x32x128xf32, #tpu.memory_space<vmem>> -> memref<1x32x128xf32, #tpu.memory_space<vmem>>
      %dma_wait3A_716 = tpu.memref_squeeze %dma_wait3A_715 : memref<1x32x128xf32, #tpu.memory_space<vmem>> -> memref<32x128xf32, #tpu.memory_space<vmem>>
      %dma_wait3A_717 = arith.constant 0 : i32
      %dma_wait3A_718 = arith.constant 0 : i32
      %dma_wait3A_719 = tpu.memref_slice %arg4[%dma_wait3A_717, %dma_wait3A_718] : memref<32x1000000xf32, #tpu.memory_space<hbm>> -> memref<32x128xf32, #tpu.memory_space<hbm>>
      tpu.wait_dma2 semaphore(%arg17 : memref<!tpu.dma_semaphore, #tpu.memory_space<semaphore_mem>>) src(%dma_wait3A_719 : memref<32x128xf32, #tpu.memory_space<hbm>>) dst(%dma_wait3A_716 : memref<32x128xf32, #tpu.memory_space<vmem>>)
      %get3A_720 = arith.index_cast %add3A_704 : i32 to index
      %get3A_721 = tpu.vector_load %arg7[%get3A_720] {strides = array<i32>} : memref<528xi32, #tpu.memory_space<vmem>>, vector<16xi32>,
      %slice3A_722 = vector.extract_strided_slice %get3A_721 {offsets = [0], sizes = [1], strides = [1]} : vector<16xi32> to vector<1xi32>
      %squeeze3A_723 = vector.extract %slice3A_722[0] : i32 from vector<1xi32>
      %and3A_724 = arith.constant 127 : i32
      %and3A_725 = arith.andi %squeeze3A_723, %and3A_724 : i32
      %broadcast_in_dim3A_726 = vector.broadcast %and3A_725 : i32 to vector<16xi32>
      %broadcast_in_dim3A_727 = vector.broadcast %add3A_704 : i32 to vector<16xi32>
      %add3A_728 = arith.constant 0 : i32
      %add3A_729 = vector.broadcast %add3A_728 : i32 to vector<16xi32>
      %add3A_730 = arith.addi %iota3A, %add3A_729 : vector<16xi32>
      %gather3A_731 = arith.constant 6 : i32
      %gather3A_732 = arith.constant 0 : i32
      %gather3A_733 = arith.constant 0 : i32
      %gather3A_734 = tpu.memref_slice %arg9[%gather3A_731, %gather3A_732, %gather3A_733] : memref<8x32x128xf32, #tpu.memory_space<vmem>> -> memref<1x32x128xf32, #tpu.memory_space<vmem>>
      %gather3A_735 = tpu.memref_squeeze %gather3A_734 : memref<1x32x128xf32, #tpu.memory_space<vmem>> -> memref<32x128xf32, #tpu.memory_space<vmem>>
      %gather3A_736 = tpu.vector_load_idx %gather3A_735[%add3A_730, %broadcast_in_dim3A_726] : memref<32x128xf32, #tpu.memory_space<vmem>>[vector<16xi32>, vector<16xi32>], vector<16xf32>,
      %add3A_737 = arith.constant 0 : i32
      %add3A_738 = vector.broadcast %add3A_737 : i32 to vector<16xi32>
      %add3A_739 = arith.addi %add3A_730, %add3A_738 : vector<16xi32>
      tpu.vector_store_idx %arg10[%add3A_739, %broadcast_in_dim3A_727], %gather3A_736 : memref<64x512xf32, #tpu.memory_space<vmem>>[vector<16xi32>, vector<16xi32>], vector<16xf32>,
      %add3A_740 = arith.constant 16 : i32
      %add3A_741 = vector.broadcast %add3A_740 : i32 to vector<16xi32>
      %add3A_742 = arith.addi %iota3A, %add3A_741 : vector<16xi32>
      %gather3A_743 = arith.constant 6 : i32
      %gather3A_744 = arith.constant 0 : i32
      %gather3A_745 = arith.constant 0 : i32
      %gather3A_746 = tpu.memref_slice %arg9[%gather3A_743, %gather3A_744, %gather3A_745] : memref<8x32x128xf32, #tpu.memory_space<vmem>> -> memref<1x32x128xf32, #tpu.memory_space<vmem>>
      %gather3A_747 = tpu.memref_squeeze %gather3A_746 : memref<1x32x128xf32, #tpu.memory_space<vmem>> -> memref<32x128xf32, #tpu.memory_space<vmem>>
      %gather3A_748 = tpu.vector_load_idx %gather3A_747[%add3A_742, %broadcast_in_dim3A_726] : memref<32x128xf32, #tpu.memory_space<vmem>>[vector<16xi32>, vector<16xi32>], vector<16xf32>,
      %add3A_749 = arith.constant 0 : i32
      %add3A_750 = vector.broadcast %add3A_749 : i32 to vector<16xi32>
      %add3A_751 = arith.addi %add3A_742, %add3A_750 : vector<16xi32>
      tpu.vector_store_idx %arg10[%add3A_751, %broadcast_in_dim3A_727], %gather3A_748 : memref<64x512xf32, #tpu.memory_space<vmem>>[vector<16xi32>, vector<16xi32>], vector<16xf32>,
      %add3A_752 = arith.constant 8 : i32
      %add3A_753 = arith.addi %add3A_704, %add3A_752 : i32
      %lt3A_754 = arith.constant 512 : i32
      %lt3A_755 = arith.cmpi slt, %add3A_753, %lt3A_754 : i32
      %convert_element_type3A_756 = arith.extui %lt3A_755 : i1 to i32
      %cond3A_757 = arith.constant 0 : i32
      %cond3A_758 = arith.cmpi ne, %convert_element_type3A_756, %cond3A_757 : i32
      scf.if %cond3A_758 {
        %get3A_817 = arith.index_cast %add3A_753 : i32 to index
        %get3A_818 = tpu.vector_load %arg7[%get3A_817] {strides = array<i32>} : memref<528xi32, #tpu.memory_space<vmem>>, vector<16xi32>,
        %slice3A_819 = vector.extract_strided_slice %get3A_818 {offsets = [0], sizes = [1], strides = [1]} : vector<16xi32> to vector<1xi32>
        %squeeze3A_820 = vector.extract %slice3A_819[0] : i32 from vector<1xi32>
        %shift_right_logical3A_821 = arith.constant 7 : i32
        %shift_right_logical3A_822 = arith.shrui %squeeze3A_820, %shift_right_logical3A_821 : i32
        %shift_left3A_823 = arith.constant 7 : i32
        %shift_left3A_824 = arith.shli %shift_right_logical3A_822, %shift_left3A_823 : i32
        %multiple_of3A_825 = tpu.assume_multiple %shift_left3A_824, 128 : i32
        %dma_start3A_826 = arith.constant 6 : i32
        %dma_start3A_827 = arith.constant 0 : i32
        %dma_start3A_828 = arith.constant 0 : i32
        %dma_start3A_829 = tpu.memref_slice %arg9[%dma_start3A_826, %dma_start3A_827, %dma_start3A_828] : memref<8x32x128xf32, #tpu.memory_space<vmem>> -> memref<1x32x128xf32, #tpu.memory_space<vmem>>
        %dma_start3A_830 = tpu.memref_squeeze %dma_start3A_829 : memref<1x32x128xf32, #tpu.memory_space<vmem>> -> memref<32x128xf32, #tpu.memory_space<vmem>>
        %dma_start3A_831 = arith.constant 0 : i32
        %dma_start3A_832 = tpu.memref_slice %arg4[%dma_start3A_831, %multiple_of3A_825] : memref<32x1000000xf32, #tpu.memory_space<hbm>> -> memref<32x128xf32, #tpu.memory_space<hbm>>
        %dma_start3A_833 = arith.constant 0 : i32
        %dma_start3A_834 = arith.constant 0 : i32
        %dma_start3A_835 = tpu.memref_slice %arg9[%dma_start3A_826, %dma_start3A_833, %dma_start3A_834] : memref<8x32x128xf32, #tpu.memory_space<vmem>> -> memref<1x32x128xf32, #tpu.memory_space<vmem>>
        %dma_start3A_836 = tpu.memref_squeeze %dma_start3A_835 : memref<1x32x128xf32, #tpu.memory_space<vmem>> -> memref<32x128xf32, #tpu.memory_space<vmem>>
        %dma_start3A_837 = arith.constant 0 : i32
        %dma_start3A_838 = tpu.memref_slice %arg4[%dma_start3A_837, %multiple_of3A_825] : memref<32x1000000xf32, #tpu.memory_space<hbm>> -> memref<32x128xf32, #tpu.memory_space<hbm>>
        tpu.enqueue_dma source(%dma_start3A_838 : memref<32x128xf32, #tpu.memory_space<hbm>>) target(%dma_start3A_836 : memref<32x128xf32, #tpu.memory_space<vmem>>) target_semaphore(%arg17 : memref<!tpu.dma_semaphore, #tpu.memory_space<semaphore_mem>>)
      } else {
      }
      %mul3A_759 = arith.constant 8 : i32
      %mul3A_760 = arith.muli %scan3A_359, %mul3A_759 : i32
      %add3A_761 = arith.constant 7 : i32
      %add3A_762 = arith.addi %mul3A_760, %add3A_761 : i32
      %dma_wait3A_763 = arith.constant 7 : i32
      %dma_wait3A_764 = arith.constant 0 : i32
      %dma_wait3A_765 = arith.constant 0 : i32
      %dma_wait3A_766 = tpu.memref_slice %arg9[%dma_wait3A_763, %dma_wait3A_764, %dma_wait3A_765] : memref<8x32x128xf32, #tpu.memory_space<vmem>> -> memref<1x32x128xf32, #tpu.memory_space<vmem>>
      %dma_wait3A_767 = tpu.memref_squeeze %dma_wait3A_766 : memref<1x32x128xf32, #tpu.memory_space<vmem>> -> memref<32x128xf32, #tpu.memory_space<vmem>>
      %dma_wait3A_768 = arith.constant 0 : i32
      %dma_wait3A_769 = arith.constant 0 : i32
      %dma_wait3A_770 = tpu.memref_slice %arg4[%dma_wait3A_768, %dma_wait3A_769] : memref<32x1000000xf32, #tpu.memory_space<hbm>> -> memref<32x128xf32, #tpu.memory_space<hbm>>
      %dma_wait3A_771 = arith.constant 0 : i32
      %dma_wait3A_772 = arith.constant 0 : i32
      %dma_wait3A_773 = tpu.memref_slice %arg9[%dma_wait3A_763, %dma_wait3A_771, %dma_wait3A_772] : memref<8x32x128xf32, #tpu.memory_space<vmem>> -> memref<1x32x128xf32, #tpu.memory_space<vmem>>
      %dma_wait3A_774 = tpu.memref_squeeze %dma_wait3A_773 : memref<1x32x128xf32, #tpu.memory_space<vmem>> -> memref<32x128xf32, #tpu.memory_space<vmem>>
      %dma_wait3A_775 = arith.constant 0 : i32
      %dma_wait3A_776 = arith.constant 0 : i32
      %dma_wait3A_777 = tpu.memref_slice %arg4[%dma_wait3A_775, %dma_wait3A_776] : memref<32x1000000xf32, #tpu.memory_space<hbm>> -> memref<32x128xf32, #tpu.memory_space<hbm>>
      tpu.wait_dma2 semaphore(%arg18 : memref<!tpu.dma_semaphore, #tpu.memory_space<semaphore_mem>>) src(%dma_wait3A_777 : memref<32x128xf32, #tpu.memory_space<hbm>>) dst(%dma_wait3A_774 : memref<32x128xf32, #tpu.memory_space<vmem>>)
      %get3A_778 = arith.index_cast %add3A_762 : i32 to index
      %get3A_779 = tpu.vector_load %arg7[%get3A_778] {strides = array<i32>} : memref<528xi32, #tpu.memory_space<vmem>>, vector<16xi32>,
      %slice3A_780 = vector.extract_strided_slice %get3A_779 {offsets = [0], sizes = [1], strides = [1]} : vector<16xi32> to vector<1xi32>
      %squeeze3A_781 = vector.extract %slice3A_780[0] : i32 from vector<1xi32>
      %and3A_782 = arith.constant 127 : i32
      %and3A_783 = arith.andi %squeeze3A_781, %and3A_782 : i32
      %broadcast_in_dim3A_784 = vector.broadcast %and3A_783 : i32 to vector<16xi32>
      %broadcast_in_dim3A_785 = vector.broadcast %add3A_762 : i32 to vector<16xi32>
      %add3A_786 = arith.constant 0 : i32
      %add3A_787 = vector.broadcast %add3A_786 : i32 to vector<16xi32>
      %add3A_788 = arith.addi %iota3A, %add3A_787 : vector<16xi32>
      %gather3A_789 = arith.constant 7 : i32
      %gather3A_790 = arith.constant 0 : i32
      %gather3A_791 = arith.constant 0 : i32
      %gather3A_792 = tpu.memref_slice %arg9[%gather3A_789, %gather3A_790, %gather3A_791] : memref<8x32x128xf32, #tpu.memory_space<vmem>> -> memref<1x32x128xf32, #tpu.memory_space<vmem>>
      %gather3A_793 = tpu.memref_squeeze %gather3A_792 : memref<1x32x128xf32, #tpu.memory_space<vmem>> -> memref<32x128xf32, #tpu.memory_space<vmem>>
      %gather3A_794 = tpu.vector_load_idx %gather3A_793[%add3A_788, %broadcast_in_dim3A_784] : memref<32x128xf32, #tpu.memory_space<vmem>>[vector<16xi32>, vector<16xi32>], vector<16xf32>,
      %add3A_795 = arith.constant 0 : i32
      %add3A_796 = vector.broadcast %add3A_795 : i32 to vector<16xi32>
      %add3A_797 = arith.addi %add3A_788, %add3A_796 : vector<16xi32>
      tpu.vector_store_idx %arg10[%add3A_797, %broadcast_in_dim3A_785], %gather3A_794 : memref<64x512xf32, #tpu.memory_space<vmem>>[vector<16xi32>, vector<16xi32>], vector<16xf32>,
      %add3A_798 = arith.constant 16 : i32
      %add3A_799 = vector.broadcast %add3A_798 : i32 to vector<16xi32>
      %add3A_800 = arith.addi %iota3A, %add3A_799 : vector<16xi32>
      %gather3A_801 = arith.constant 7 : i32
      %gather3A_802 = arith.constant 0 : i32
      %gather3A_803 = arith.constant 0 : i32
      %gather3A_804 = tpu.memref_slice %arg9[%gather3A_801, %gather3A_802, %gather3A_803] : memref<8x32x128xf32, #tpu.memory_space<vmem>> -> memref<1x32x128xf32, #tpu.memory_space<vmem>>
      %gather3A_805 = tpu.memref_squeeze %gather3A_804 : memref<1x32x128xf32, #tpu.memory_space<vmem>> -> memref<32x128xf32, #tpu.memory_space<vmem>>
      %gather3A_806 = tpu.vector_load_idx %gather3A_805[%add3A_800, %broadcast_in_dim3A_784] : memref<32x128xf32, #tpu.memory_space<vmem>>[vector<16xi32>, vector<16xi32>], vector<16xf32>,
      %add3A_807 = arith.constant 0 : i32
      %add3A_808 = vector.broadcast %add3A_807 : i32 to vector<16xi32>
      %add3A_809 = arith.addi %add3A_800, %add3A_808 : vector<16xi32>
      tpu.vector_store_idx %arg10[%add3A_809, %broadcast_in_dim3A_785], %gather3A_806 : memref<64x512xf32, #tpu.memory_space<vmem>>[vector<16xi32>, vector<16xi32>], vector<16xf32>,
      %add3A_810 = arith.constant 8 : i32
      %add3A_811 = arith.addi %add3A_762, %add3A_810 : i32
      %lt3A_812 = arith.constant 512 : i32
      %lt3A_813 = arith.cmpi slt, %add3A_811, %lt3A_812 : i32
      %convert_element_type3A_814 = arith.extui %lt3A_813 : i1 to i32
      %cond3A_815 = arith.constant 0 : i32
      %cond3A_816 = arith.cmpi ne, %convert_element_type3A_814, %cond3A_815 : i32
      scf.if %cond3A_816 {
        %get3A_817 = arith.index_cast %add3A_811 : i32 to index
        %get3A_818 = tpu.vector_load %arg7[%get3A_817] {strides = array<i32>} : memref<528xi32, #tpu.memory_space<vmem>>, vector<16xi32>,
        %slice3A_819 = vector.extract_strided_slice %get3A_818 {offsets = [0], sizes = [1], strides = [1]} : vector<16xi32> to vector<1xi32>
        %squeeze3A_820 = vector.extract %slice3A_819[0] : i32 from vector<1xi32>
        %shift_right_logical3A_821 = arith.constant 7 : i32
        %shift_right_logical3A_822 = arith.shrui %squeeze3A_820, %shift_right_logical3A_821 : i32
        %shift_left3A_823 = arith.constant 7 : i32
        %shift_left3A_824 = arith.shli %shift_right_logical3A_822, %shift_left3A_823 : i32
        %multiple_of3A_825 = tpu.assume_multiple %shift_left3A_824, 128 : i32
        %dma_start3A_826 = arith.constant 7 : i32
        %dma_start3A_827 = arith.constant 0 : i32
        %dma_start3A_828 = arith.constant 0 : i32
        %dma_start3A_829 = tpu.memref_slice %arg9[%dma_start3A_826, %dma_start3A_827, %dma_start3A_828] : memref<8x32x128xf32, #tpu.memory_space<vmem>> -> memref<1x32x128xf32, #tpu.memory_space<vmem>>
        %dma_start3A_830 = tpu.memref_squeeze %dma_start3A_829 : memref<1x32x128xf32, #tpu.memory_space<vmem>> -> memref<32x128xf32, #tpu.memory_space<vmem>>
        %dma_start3A_831 = arith.constant 0 : i32
        %dma_start3A_832 = tpu.memref_slice %arg4[%dma_start3A_831, %multiple_of3A_825] : memref<32x1000000xf32, #tpu.memory_space<hbm>> -> memref<32x128xf32, #tpu.memory_space<hbm>>
        %dma_start3A_833 = arith.constant 0 : i32
        %dma_start3A_834 = arith.constant 0 : i32
        %dma_start3A_835 = tpu.memref_slice %arg9[%dma_start3A_826, %dma_start3A_833, %dma_start3A_834] : memref<8x32x128xf32, #tpu.memory_space<vmem>> -> memref<1x32x128xf32, #tpu.memory_space<vmem>>
        %dma_start3A_836 = tpu.memref_squeeze %dma_start3A_835 : memref<1x32x128xf32, #tpu.memory_space<vmem>> -> memref<32x128xf32, #tpu.memory_space<vmem>>
        %dma_start3A_837 = arith.constant 0 : i32
        %dma_start3A_838 = tpu.memref_slice %arg4[%dma_start3A_837, %multiple_of3A_825] : memref<32x1000000xf32, #tpu.memory_space<hbm>> -> memref<32x128xf32, #tpu.memory_space<hbm>>
        tpu.enqueue_dma source(%dma_start3A_838 : memref<32x128xf32, #tpu.memory_space<hbm>>) target(%dma_start3A_836 : memref<32x128xf32, #tpu.memory_space<vmem>>) target_semaphore(%arg18 : memref<!tpu.dma_semaphore, #tpu.memory_space<semaphore_mem>>)
      } else {
      }
    }
    %scan3A_176 = arith.constant 64 : i32
    %get3A_177 = arith.constant 0 : index
    %get3A_178 = tpu.vector_load %arg8[%get3A_177] {strides = array<i32>} : memref<528xi32, #tpu.memory_space<vmem>>, vector<16xi32>,
    %slice3A_179 = vector.extract_strided_slice %get3A_178 {offsets = [0], sizes = [1], strides = [1]} : vector<16xi32> to vector<1xi32>
    %squeeze3A_180 = vector.extract %slice3A_179[0] : i32 from vector<1xi32>
    %shift_right_logical3A_181 = arith.constant 7 : i32
    %shift_right_logical3A_182 = arith.shrui %squeeze3A_180, %shift_right_logical3A_181 : i32
    %shift_left3A_183 = arith.constant 7 : i32
    %shift_left3A_184 = arith.shli %shift_right_logical3A_182, %shift_left3A_183 : i32
    %multiple_of3A_185 = tpu.assume_multiple %shift_left3A_184, 128 : i32
    %dma_start3A_186 = arith.constant 0 : i32
    %dma_start3A_187 = arith.constant 0 : i32
    %dma_start3A_188 = arith.constant 0 : i32
    %dma_start3A_189 = tpu.memref_slice %arg9[%dma_start3A_186, %dma_start3A_187, %dma_start3A_188] : memref<8x32x128xf32, #tpu.memory_space<vmem>> -> memref<1x32x128xf32, #tpu.memory_space<vmem>>
    %dma_start3A_190 = tpu.memref_squeeze %dma_start3A_189 : memref<1x32x128xf32, #tpu.memory_space<vmem>> -> memref<32x128xf32, #tpu.memory_space<vmem>>
    %dma_start3A_191 = arith.constant 0 : i32
    %dma_start3A_192 = tpu.memref_slice %arg5[%dma_start3A_191, %multiple_of3A_185] : memref<32x1000000xf32, #tpu.memory_space<hbm>> -> memref<32x128xf32, #tpu.memory_space<hbm>>
    %dma_start3A_193 = arith.constant 0 : i32
    %dma_start3A_194 = arith.constant 0 : i32
    %dma_start3A_195 = tpu.memref_slice %arg9[%dma_start3A_186, %dma_start3A_193, %dma_start3A_194] : memref<8x32x128xf32, #tpu.memory_space<vmem>> -> memref<1x32x128xf32, #tpu.memory_space<vmem>>
    %dma_start3A_196 = tpu.memref_squeeze %dma_start3A_195 : memref<1x32x128xf32, #tpu.memory_space<vmem>> -> memref<32x128xf32, #tpu.memory_space<vmem>>
    %dma_start3A_197 = arith.constant 0 : i32
    %dma_start3A_198 = tpu.memref_slice %arg5[%dma_start3A_197, %multiple_of3A_185] : memref<32x1000000xf32, #tpu.memory_space<hbm>> -> memref<32x128xf32, #tpu.memory_space<hbm>>
    tpu.enqueue_dma source(%dma_start3A_198 : memref<32x128xf32, #tpu.memory_space<hbm>>) target(%dma_start3A_196 : memref<32x128xf32, #tpu.memory_space<vmem>>) target_semaphore(%arg11 : memref<!tpu.dma_semaphore, #tpu.memory_space<semaphore_mem>>)
    %get3A_199 = arith.constant 1 : index
    %get3A_200 = tpu.vector_load %arg8[%get3A_199] {strides = array<i32>} : memref<528xi32, #tpu.memory_space<vmem>>, vector<16xi32>,
    %slice3A_201 = vector.extract_strided_slice %get3A_200 {offsets = [0], sizes = [1], strides = [1]} : vector<16xi32> to vector<1xi32>
    %squeeze3A_202 = vector.extract %slice3A_201[0] : i32 from vector<1xi32>
    %shift_right_logical3A_203 = arith.constant 7 : i32
    %shift_right_logical3A_204 = arith.shrui %squeeze3A_202, %shift_right_logical3A_203 : i32
    %shift_left3A_205 = arith.constant 7 : i32
    %shift_left3A_206 = arith.shli %shift_right_logical3A_204, %shift_left3A_205 : i32
    %multiple_of3A_207 = tpu.assume_multiple %shift_left3A_206, 128 : i32
    %dma_start3A_208 = arith.constant 1 : i32
    %dma_start3A_209 = arith.constant 0 : i32
    %dma_start3A_210 = arith.constant 0 : i32
    %dma_start3A_211 = tpu.memref_slice %arg9[%dma_start3A_208, %dma_start3A_209, %dma_start3A_210] : memref<8x32x128xf32, #tpu.memory_space<vmem>> -> memref<1x32x128xf32, #tpu.memory_space<vmem>>
    %dma_start3A_212 = tpu.memref_squeeze %dma_start3A_211 : memref<1x32x128xf32, #tpu.memory_space<vmem>> -> memref<32x128xf32, #tpu.memory_space<vmem>>
    %dma_start3A_213 = arith.constant 0 : i32
    %dma_start3A_214 = tpu.memref_slice %arg5[%dma_start3A_213, %multiple_of3A_207] : memref<32x1000000xf32, #tpu.memory_space<hbm>> -> memref<32x128xf32, #tpu.memory_space<hbm>>
    %dma_start3A_215 = arith.constant 0 : i32
    %dma_start3A_216 = arith.constant 0 : i32
    %dma_start3A_217 = tpu.memref_slice %arg9[%dma_start3A_208, %dma_start3A_215, %dma_start3A_216] : memref<8x32x128xf32, #tpu.memory_space<vmem>> -> memref<1x32x128xf32, #tpu.memory_space<vmem>>
    %dma_start3A_218 = tpu.memref_squeeze %dma_start3A_217 : memref<1x32x128xf32, #tpu.memory_space<vmem>> -> memref<32x128xf32, #tpu.memory_space<vmem>>
    %dma_start3A_219 = arith.constant 0 : i32
    %dma_start3A_220 = tpu.memref_slice %arg5[%dma_start3A_219, %multiple_of3A_207] : memref<32x1000000xf32, #tpu.memory_space<hbm>> -> memref<32x128xf32, #tpu.memory_space<hbm>>
    tpu.enqueue_dma source(%dma_start3A_220 : memref<32x128xf32, #tpu.memory_space<hbm>>) target(%dma_start3A_218 : memref<32x128xf32, #tpu.memory_space<vmem>>) target_semaphore(%arg12 : memref<!tpu.dma_semaphore, #tpu.memory_space<semaphore_mem>>)
    %get3A_221 = arith.constant 2 : index
    %get3A_222 = tpu.vector_load %arg8[%get3A_221] {strides = array<i32>} : memref<528xi32, #tpu.memory_space<vmem>>, vector<16xi32>,
    %slice3A_223 = vector.extract_strided_slice %get3A_222 {offsets = [0], sizes = [1], strides = [1]} : vector<16xi32> to vector<1xi32>
    %squeeze3A_224 = vector.extract %slice3A_223[0] : i32 from vector<1xi32>
    %shift_right_logical3A_225 = arith.constant 7 : i32
    %shift_right_logical3A_226 = arith.shrui %squeeze3A_224, %shift_right_logical3A_225 : i32
    %shift_left3A_227 = arith.constant 7 : i32
    %shift_left3A_228 = arith.shli %shift_right_logical3A_226, %shift_left3A_227 : i32
    %multiple_of3A_229 = tpu.assume_multiple %shift_left3A_228, 128 : i32
    %dma_start3A_230 = arith.constant 2 : i32
    %dma_start3A_231 = arith.constant 0 : i32
    %dma_start3A_232 = arith.constant 0 : i32
    %dma_start3A_233 = tpu.memref_slice %arg9[%dma_start3A_230, %dma_start3A_231, %dma_start3A_232] : memref<8x32x128xf32, #tpu.memory_space<vmem>> -> memref<1x32x128xf32, #tpu.memory_space<vmem>>
    %dma_start3A_234 = tpu.memref_squeeze %dma_start3A_233 : memref<1x32x128xf32, #tpu.memory_space<vmem>> -> memref<32x128xf32, #tpu.memory_space<vmem>>
    %dma_start3A_235 = arith.constant 0 : i32
    %dma_start3A_236 = tpu.memref_slice %arg5[%dma_start3A_235, %multiple_of3A_229] : memref<32x1000000xf32, #tpu.memory_space<hbm>> -> memref<32x128xf32, #tpu.memory_space<hbm>>
    %dma_start3A_237 = arith.constant 0 : i32
    %dma_start3A_238 = arith.constant 0 : i32
    %dma_start3A_239 = tpu.memref_slice %arg9[%dma_start3A_230, %dma_start3A_237, %dma_start3A_238] : memref<8x32x128xf32, #tpu.memory_space<vmem>> -> memref<1x32x128xf32, #tpu.memory_space<vmem>>
    %dma_start3A_240 = tpu.memref_squeeze %dma_start3A_239 : memref<1x32x128xf32, #tpu.memory_space<vmem>> -> memref<32x128xf32, #tpu.memory_space<vmem>>
    %dma_start3A_241 = arith.constant 0 : i32
    %dma_start3A_242 = tpu.memref_slice %arg5[%dma_start3A_241, %multiple_of3A_229] : memref<32x1000000xf32, #tpu.memory_space<hbm>> -> memref<32x128xf32, #tpu.memory_space<hbm>>
    tpu.enqueue_dma source(%dma_start3A_242 : memref<32x128xf32, #tpu.memory_space<hbm>>) target(%dma_start3A_240 : memref<32x128xf32, #tpu.memory_space<vmem>>) target_semaphore(%arg13 : memref<!tpu.dma_semaphore, #tpu.memory_space<semaphore_mem>>)
    %get3A_243 = arith.constant 3 : index
    %get3A_244 = tpu.vector_load %arg8[%get3A_243] {strides = array<i32>} : memref<528xi32, #tpu.memory_space<vmem>>, vector<16xi32>,
    %slice3A_245 = vector.extract_strided_slice %get3A_244 {offsets = [0], sizes = [1], strides = [1]} : vector<16xi32> to vector<1xi32>
    %squeeze3A_246 = vector.extract %slice3A_245[0] : i32 from vector<1xi32>
    %shift_right_logical3A_247 = arith.constant 7 : i32
    %shift_right_logical3A_248 = arith.shrui %squeeze3A_246, %shift_right_logical3A_247 : i32
    %shift_left3A_249 = arith.constant 7 : i32
    %shift_left3A_250 = arith.shli %shift_right_logical3A_248, %shift_left3A_249 : i32
    %multiple_of3A_251 = tpu.assume_multiple %shift_left3A_250, 128 : i32
    %dma_start3A_252 = arith.constant 3 : i32
    %dma_start3A_253 = arith.constant 0 : i32
    %dma_start3A_254 = arith.constant 0 : i32
    %dma_start3A_255 = tpu.memref_slice %arg9[%dma_start3A_252, %dma_start3A_253, %dma_start3A_254] : memref<8x32x128xf32, #tpu.memory_space<vmem>> -> memref<1x32x128xf32, #tpu.memory_space<vmem>>
    %dma_start3A_256 = tpu.memref_squeeze %dma_start3A_255 : memref<1x32x128xf32, #tpu.memory_space<vmem>> -> memref<32x128xf32, #tpu.memory_space<vmem>>
    %dma_start3A_257 = arith.constant 0 : i32
    %dma_start3A_258 = tpu.memref_slice %arg5[%dma_start3A_257, %multiple_of3A_251] : memref<32x1000000xf32, #tpu.memory_space<hbm>> -> memref<32x128xf32, #tpu.memory_space<hbm>>
    %dma_start3A_259 = arith.constant 0 : i32
    %dma_start3A_260 = arith.constant 0 : i32
    %dma_start3A_261 = tpu.memref_slice %arg9[%dma_start3A_252, %dma_start3A_259, %dma_start3A_260] : memref<8x32x128xf32, #tpu.memory_space<vmem>> -> memref<1x32x128xf32, #tpu.memory_space<vmem>>
    %dma_start3A_262 = tpu.memref_squeeze %dma_start3A_261 : memref<1x32x128xf32, #tpu.memory_space<vmem>> -> memref<32x128xf32, #tpu.memory_space<vmem>>
    %dma_start3A_263 = arith.constant 0 : i32
    %dma_start3A_264 = tpu.memref_slice %arg5[%dma_start3A_263, %multiple_of3A_251] : memref<32x1000000xf32, #tpu.memory_space<hbm>> -> memref<32x128xf32, #tpu.memory_space<hbm>>
    tpu.enqueue_dma source(%dma_start3A_264 : memref<32x128xf32, #tpu.memory_space<hbm>>) target(%dma_start3A_262 : memref<32x128xf32, #tpu.memory_space<vmem>>) target_semaphore(%arg14 : memref<!tpu.dma_semaphore, #tpu.memory_space<semaphore_mem>>)
    %get3A_265 = arith.constant 4 : index
    %get3A_266 = tpu.vector_load %arg8[%get3A_265] {strides = array<i32>} : memref<528xi32, #tpu.memory_space<vmem>>, vector<16xi32>,
    %slice3A_267 = vector.extract_strided_slice %get3A_266 {offsets = [0], sizes = [1], strides = [1]} : vector<16xi32> to vector<1xi32>
    %squeeze3A_268 = vector.extract %slice3A_267[0] : i32 from vector<1xi32>
    %shift_right_logical3A_269 = arith.constant 7 : i32
    %shift_right_logical3A_270 = arith.shrui %squeeze3A_268, %shift_right_logical3A_269 : i32
    %shift_left3A_271 = arith.constant 7 : i32
    %shift_left3A_272 = arith.shli %shift_right_logical3A_270, %shift_left3A_271 : i32
    %multiple_of3A_273 = tpu.assume_multiple %shift_left3A_272, 128 : i32
    %dma_start3A_274 = arith.constant 4 : i32
    %dma_start3A_275 = arith.constant 0 : i32
    %dma_start3A_276 = arith.constant 0 : i32
    %dma_start3A_277 = tpu.memref_slice %arg9[%dma_start3A_274, %dma_start3A_275, %dma_start3A_276] : memref<8x32x128xf32, #tpu.memory_space<vmem>> -> memref<1x32x128xf32, #tpu.memory_space<vmem>>
    %dma_start3A_278 = tpu.memref_squeeze %dma_start3A_277 : memref<1x32x128xf32, #tpu.memory_space<vmem>> -> memref<32x128xf32, #tpu.memory_space<vmem>>
    %dma_start3A_279 = arith.constant 0 : i32
    %dma_start3A_280 = tpu.memref_slice %arg5[%dma_start3A_279, %multiple_of3A_273] : memref<32x1000000xf32, #tpu.memory_space<hbm>> -> memref<32x128xf32, #tpu.memory_space<hbm>>
    %dma_start3A_281 = arith.constant 0 : i32
    %dma_start3A_282 = arith.constant 0 : i32
    %dma_start3A_283 = tpu.memref_slice %arg9[%dma_start3A_274, %dma_start3A_281, %dma_start3A_282] : memref<8x32x128xf32, #tpu.memory_space<vmem>> -> memref<1x32x128xf32, #tpu.memory_space<vmem>>
    %dma_start3A_284 = tpu.memref_squeeze %dma_start3A_283 : memref<1x32x128xf32, #tpu.memory_space<vmem>> -> memref<32x128xf32, #tpu.memory_space<vmem>>
    %dma_start3A_285 = arith.constant 0 : i32
    %dma_start3A_286 = tpu.memref_slice %arg5[%dma_start3A_285, %multiple_of3A_273] : memref<32x1000000xf32, #tpu.memory_space<hbm>> -> memref<32x128xf32, #tpu.memory_space<hbm>>
    tpu.enqueue_dma source(%dma_start3A_286 : memref<32x128xf32, #tpu.memory_space<hbm>>) target(%dma_start3A_284 : memref<32x128xf32, #tpu.memory_space<vmem>>) target_semaphore(%arg15 : memref<!tpu.dma_semaphore, #tpu.memory_space<semaphore_mem>>)
    %get3A_287 = arith.constant 5 : index
    %get3A_288 = tpu.vector_load %arg8[%get3A_287] {strides = array<i32>} : memref<528xi32, #tpu.memory_space<vmem>>, vector<16xi32>,
    %slice3A_289 = vector.extract_strided_slice %get3A_288 {offsets = [0], sizes = [1], strides = [1]} : vector<16xi32> to vector<1xi32>
    %squeeze3A_290 = vector.extract %slice3A_289[0] : i32 from vector<1xi32>
    %shift_right_logical3A_291 = arith.constant 7 : i32
    %shift_right_logical3A_292 = arith.shrui %squeeze3A_290, %shift_right_logical3A_291 : i32
    %shift_left3A_293 = arith.constant 7 : i32
    %shift_left3A_294 = arith.shli %shift_right_logical3A_292, %shift_left3A_293 : i32
    %multiple_of3A_295 = tpu.assume_multiple %shift_left3A_294, 128 : i32
    %dma_start3A_296 = arith.constant 5 : i32
    %dma_start3A_297 = arith.constant 0 : i32
    %dma_start3A_298 = arith.constant 0 : i32
    %dma_start3A_299 = tpu.memref_slice %arg9[%dma_start3A_296, %dma_start3A_297, %dma_start3A_298] : memref<8x32x128xf32, #tpu.memory_space<vmem>> -> memref<1x32x128xf32, #tpu.memory_space<vmem>>
    %dma_start3A_300 = tpu.memref_squeeze %dma_start3A_299 : memref<1x32x128xf32, #tpu.memory_space<vmem>> -> memref<32x128xf32, #tpu.memory_space<vmem>>
    %dma_start3A_301 = arith.constant 0 : i32
    %dma_start3A_302 = tpu.memref_slice %arg5[%dma_start3A_301, %multiple_of3A_295] : memref<32x1000000xf32, #tpu.memory_space<hbm>> -> memref<32x128xf32, #tpu.memory_space<hbm>>
    %dma_start3A_303 = arith.constant 0 : i32
    %dma_start3A_304 = arith.constant 0 : i32
    %dma_start3A_305 = tpu.memref_slice %arg9[%dma_start3A_296, %dma_start3A_303, %dma_start3A_304] : memref<8x32x128xf32, #tpu.memory_space<vmem>> -> memref<1x32x128xf32, #tpu.memory_space<vmem>>
    %dma_start3A_306 = tpu.memref_squeeze %dma_start3A_305 : memref<1x32x128xf32, #tpu.memory_space<vmem>> -> memref<32x128xf32, #tpu.memory_space<vmem>>
    %dma_start3A_307 = arith.constant 0 : i32
    %dma_start3A_308 = tpu.memref_slice %arg5[%dma_start3A_307, %multiple_of3A_295] : memref<32x1000000xf32, #tpu.memory_space<hbm>> -> memref<32x128xf32, #tpu.memory_space<hbm>>
    tpu.enqueue_dma source(%dma_start3A_308 : memref<32x128xf32, #tpu.memory_space<hbm>>) target(%dma_start3A_306 : memref<32x128xf32, #tpu.memory_space<vmem>>) target_semaphore(%arg16 : memref<!tpu.dma_semaphore, #tpu.memory_space<semaphore_mem>>)
    %get3A_309 = arith.constant 6 : index
    %get3A_310 = tpu.vector_load %arg8[%get3A_309] {strides = array<i32>} : memref<528xi32, #tpu.memory_space<vmem>>, vector<16xi32>,
    %slice3A_311 = vector.extract_strided_slice %get3A_310 {offsets = [0], sizes = [1], strides = [1]} : vector<16xi32> to vector<1xi32>
    %squeeze3A_312 = vector.extract %slice3A_311[0] : i32 from vector<1xi32>
    %shift_right_logical3A_313 = arith.constant 7 : i32
    %shift_right_logical3A_314 = arith.shrui %squeeze3A_312, %shift_right_logical3A_313 : i32
    %shift_left3A_315 = arith.constant 7 : i32
    %shift_left3A_316 = arith.shli %shift_right_logical3A_314, %shift_left3A_315 : i32
    %multiple_of3A_317 = tpu.assume_multiple %shift_left3A_316, 128 : i32
    %dma_start3A_318 = arith.constant 6 : i32
    %dma_start3A_319 = arith.constant 0 : i32
    %dma_start3A_320 = arith.constant 0 : i32
    %dma_start3A_321 = tpu.memref_slice %arg9[%dma_start3A_318, %dma_start3A_319, %dma_start3A_320] : memref<8x32x128xf32, #tpu.memory_space<vmem>> -> memref<1x32x128xf32, #tpu.memory_space<vmem>>
    %dma_start3A_322 = tpu.memref_squeeze %dma_start3A_321 : memref<1x32x128xf32, #tpu.memory_space<vmem>> -> memref<32x128xf32, #tpu.memory_space<vmem>>
    %dma_start3A_323 = arith.constant 0 : i32
    %dma_start3A_324 = tpu.memref_slice %arg5[%dma_start3A_323, %multiple_of3A_317] : memref<32x1000000xf32, #tpu.memory_space<hbm>> -> memref<32x128xf32, #tpu.memory_space<hbm>>
    %dma_start3A_325 = arith.constant 0 : i32
    %dma_start3A_326 = arith.constant 0 : i32
    %dma_start3A_327 = tpu.memref_slice %arg9[%dma_start3A_318, %dma_start3A_325, %dma_start3A_326] : memref<8x32x128xf32, #tpu.memory_space<vmem>> -> memref<1x32x128xf32, #tpu.memory_space<vmem>>
    %dma_start3A_328 = tpu.memref_squeeze %dma_start3A_327 : memref<1x32x128xf32, #tpu.memory_space<vmem>> -> memref<32x128xf32, #tpu.memory_space<vmem>>
    %dma_start3A_329 = arith.constant 0 : i32
    %dma_start3A_330 = tpu.memref_slice %arg5[%dma_start3A_329, %multiple_of3A_317] : memref<32x1000000xf32, #tpu.memory_space<hbm>> -> memref<32x128xf32, #tpu.memory_space<hbm>>
    tpu.enqueue_dma source(%dma_start3A_330 : memref<32x128xf32, #tpu.memory_space<hbm>>) target(%dma_start3A_328 : memref<32x128xf32, #tpu.memory_space<vmem>>) target_semaphore(%arg17 : memref<!tpu.dma_semaphore, #tpu.memory_space<semaphore_mem>>)
    %get3A_331 = arith.constant 7 : index
    %get3A_332 = tpu.vector_load %arg8[%get3A_331] {strides = array<i32>} : memref<528xi32, #tpu.memory_space<vmem>>, vector<16xi32>,
    %slice3A_333 = vector.extract_strided_slice %get3A_332 {offsets = [0], sizes = [1], strides = [1]} : vector<16xi32> to vector<1xi32>
    %squeeze3A_334 = vector.extract %slice3A_333[0] : i32 from vector<1xi32>
    %shift_right_logical3A_335 = arith.constant 7 : i32
    %shift_right_logical3A_336 = arith.shrui %squeeze3A_334, %shift_right_logical3A_335 : i32
    %shift_left3A_337 = arith.constant 7 : i32
    %shift_left3A_338 = arith.shli %shift_right_logical3A_336, %shift_left3A_337 : i32
    %multiple_of3A_339 = tpu.assume_multiple %shift_left3A_338, 128 : i32
    %dma_start3A_340 = arith.constant 7 : i32
    %dma_start3A_341 = arith.constant 0 : i32
    %dma_start3A_342 = arith.constant 0 : i32
    %dma_start3A_343 = tpu.memref_slice %arg9[%dma_start3A_340, %dma_start3A_341, %dma_start3A_342] : memref<8x32x128xf32, #tpu.memory_space<vmem>> -> memref<1x32x128xf32, #tpu.memory_space<vmem>>
    %dma_start3A_344 = tpu.memref_squeeze %dma_start3A_343 : memref<1x32x128xf32, #tpu.memory_space<vmem>> -> memref<32x128xf32, #tpu.memory_space<vmem>>
    %dma_start3A_345 = arith.constant 0 : i32
    %dma_start3A_346 = tpu.memref_slice %arg5[%dma_start3A_345, %multiple_of3A_339] : memref<32x1000000xf32, #tpu.memory_space<hbm>> -> memref<32x128xf32, #tpu.memory_space<hbm>>
    %dma_start3A_347 = arith.constant 0 : i32
    %dma_start3A_348 = arith.constant 0 : i32
    %dma_start3A_349 = tpu.memref_slice %arg9[%dma_start3A_340, %dma_start3A_347, %dma_start3A_348] : memref<8x32x128xf32, #tpu.memory_space<vmem>> -> memref<1x32x128xf32, #tpu.memory_space<vmem>>
    %dma_start3A_350 = tpu.memref_squeeze %dma_start3A_349 : memref<1x32x128xf32, #tpu.memory_space<vmem>> -> memref<32x128xf32, #tpu.memory_space<vmem>>
    %dma_start3A_351 = arith.constant 0 : i32
    %dma_start3A_352 = tpu.memref_slice %arg5[%dma_start3A_351, %multiple_of3A_339] : memref<32x1000000xf32, #tpu.memory_space<hbm>> -> memref<32x128xf32, #tpu.memory_space<hbm>>
    tpu.enqueue_dma source(%dma_start3A_352 : memref<32x128xf32, #tpu.memory_space<hbm>>) target(%dma_start3A_350 : memref<32x128xf32, #tpu.memory_space<vmem>>) target_semaphore(%arg18 : memref<!tpu.dma_semaphore, #tpu.memory_space<semaphore_mem>>)
    %scan3A_353 = arith.constant 0 : i32
    %scan3A_354 = arith.constant 0 : i32
    %scan3A_355 = arith.constant 64 : i32
    %scan3A_356 = arith.addi %scan3A_354, %scan3A_355 : i32
    %scan3A_357 = arith.constant 1 : i32
    scf.for %scan3A_359 = %scan3A_354 to %scan3A_356 step %scan3A_357  : i32 {
      %mul3A_360 = arith.constant 8 : i32
      %mul3A_361 = arith.muli %scan3A_359, %mul3A_360 : i32
      %add3A_362 = arith.constant 0 : i32
      %add3A_363 = arith.addi %mul3A_361, %add3A_362 : i32
      %dma_wait3A = arith.constant 0 : i32
      %dma_wait3A_364 = arith.constant 0 : i32
      %dma_wait3A_365 = arith.constant 0 : i32
      %dma_wait3A_366 = tpu.memref_slice %arg9[%dma_wait3A, %dma_wait3A_364, %dma_wait3A_365] : memref<8x32x128xf32, #tpu.memory_space<vmem>> -> memref<1x32x128xf32, #tpu.memory_space<vmem>>
      %dma_wait3A_367 = tpu.memref_squeeze %dma_wait3A_366 : memref<1x32x128xf32, #tpu.memory_space<vmem>> -> memref<32x128xf32, #tpu.memory_space<vmem>>
      %dma_wait3A_368 = arith.constant 0 : i32
      %dma_wait3A_369 = arith.constant 0 : i32
      %dma_wait3A_370 = tpu.memref_slice %arg5[%dma_wait3A_368, %dma_wait3A_369] : memref<32x1000000xf32, #tpu.memory_space<hbm>> -> memref<32x128xf32, #tpu.memory_space<hbm>>
      %dma_wait3A_371 = arith.constant 0 : i32
      %dma_wait3A_372 = arith.constant 0 : i32
      %dma_wait3A_373 = tpu.memref_slice %arg9[%dma_wait3A, %dma_wait3A_371, %dma_wait3A_372] : memref<8x32x128xf32, #tpu.memory_space<vmem>> -> memref<1x32x128xf32, #tpu.memory_space<vmem>>
      %dma_wait3A_374 = tpu.memref_squeeze %dma_wait3A_373 : memref<1x32x128xf32, #tpu.memory_space<vmem>> -> memref<32x128xf32, #tpu.memory_space<vmem>>
      %dma_wait3A_375 = arith.constant 0 : i32
      %dma_wait3A_376 = arith.constant 0 : i32
      %dma_wait3A_377 = tpu.memref_slice %arg5[%dma_wait3A_375, %dma_wait3A_376] : memref<32x1000000xf32, #tpu.memory_space<hbm>> -> memref<32x128xf32, #tpu.memory_space<hbm>>
      tpu.wait_dma2 semaphore(%arg11 : memref<!tpu.dma_semaphore, #tpu.memory_space<semaphore_mem>>) src(%dma_wait3A_377 : memref<32x128xf32, #tpu.memory_space<hbm>>) dst(%dma_wait3A_374 : memref<32x128xf32, #tpu.memory_space<vmem>>)
      %get3A_378 = arith.index_cast %add3A_363 : i32 to index
      %get3A_379 = tpu.vector_load %arg8[%get3A_378] {strides = array<i32>} : memref<528xi32, #tpu.memory_space<vmem>>, vector<16xi32>,
      %slice3A_380 = vector.extract_strided_slice %get3A_379 {offsets = [0], sizes = [1], strides = [1]} : vector<16xi32> to vector<1xi32>
      %squeeze3A_381 = vector.extract %slice3A_380[0] : i32 from vector<1xi32>
      %and3A = arith.constant 127 : i32
      %and3A_382 = arith.andi %squeeze3A_381, %and3A : i32
      %broadcast_in_dim3A = vector.broadcast %and3A_382 : i32 to vector<16xi32>
      %broadcast_in_dim3A_383 = vector.broadcast %add3A_363 : i32 to vector<16xi32>
      %add3A_384 = arith.constant 0 : i32
      %add3A_385 = vector.broadcast %add3A_384 : i32 to vector<16xi32>
      %add3A_386 = arith.addi %iota3A, %add3A_385 : vector<16xi32>
      %gather3A = arith.constant 0 : i32
      %gather3A_387 = arith.constant 0 : i32
      %gather3A_388 = arith.constant 0 : i32
      %gather3A_389 = tpu.memref_slice %arg9[%gather3A, %gather3A_387, %gather3A_388] : memref<8x32x128xf32, #tpu.memory_space<vmem>> -> memref<1x32x128xf32, #tpu.memory_space<vmem>>
      %gather3A_390 = tpu.memref_squeeze %gather3A_389 : memref<1x32x128xf32, #tpu.memory_space<vmem>> -> memref<32x128xf32, #tpu.memory_space<vmem>>
      %gather3A_391 = tpu.vector_load_idx %gather3A_390[%add3A_386, %broadcast_in_dim3A] : memref<32x128xf32, #tpu.memory_space<vmem>>[vector<16xi32>, vector<16xi32>], vector<16xf32>,
      %add3A_392 = arith.constant 32 : i32
      %add3A_393 = vector.broadcast %add3A_392 : i32 to vector<16xi32>
      %add3A_394 = arith.addi %add3A_386, %add3A_393 : vector<16xi32>
      tpu.vector_store_idx %arg10[%add3A_394, %broadcast_in_dim3A_383], %gather3A_391 : memref<64x512xf32, #tpu.memory_space<vmem>>[vector<16xi32>, vector<16xi32>], vector<16xf32>,
      %add3A_395 = arith.constant 16 : i32
      %add3A_396 = vector.broadcast %add3A_395 : i32 to vector<16xi32>
      %add3A_397 = arith.addi %iota3A, %add3A_396 : vector<16xi32>
      %gather3A_398 = arith.constant 0 : i32
      %gather3A_399 = arith.constant 0 : i32
      %gather3A_400 = arith.constant 0 : i32
      %gather3A_401 = tpu.memref_slice %arg9[%gather3A_398, %gather3A_399, %gather3A_400] : memref<8x32x128xf32, #tpu.memory_space<vmem>> -> memref<1x32x128xf32, #tpu.memory_space<vmem>>
      %gather3A_402 = tpu.memref_squeeze %gather3A_401 : memref<1x32x128xf32, #tpu.memory_space<vmem>> -> memref<32x128xf32, #tpu.memory_space<vmem>>
      %gather3A_403 = tpu.vector_load_idx %gather3A_402[%add3A_397, %broadcast_in_dim3A] : memref<32x128xf32, #tpu.memory_space<vmem>>[vector<16xi32>, vector<16xi32>], vector<16xf32>,
      %add3A_404 = arith.constant 32 : i32
      %add3A_405 = vector.broadcast %add3A_404 : i32 to vector<16xi32>
      %add3A_406 = arith.addi %add3A_397, %add3A_405 : vector<16xi32>
      tpu.vector_store_idx %arg10[%add3A_406, %broadcast_in_dim3A_383], %gather3A_403 : memref<64x512xf32, #tpu.memory_space<vmem>>[vector<16xi32>, vector<16xi32>], vector<16xf32>,
      %add3A_407 = arith.constant 8 : i32
      %add3A_408 = arith.addi %add3A_363, %add3A_407 : i32
      %lt3A = arith.constant 512 : i32
      %lt3A_409 = arith.cmpi slt, %add3A_408, %lt3A : i32
      %convert_element_type3A = arith.extui %lt3A_409 : i1 to i32
      %cond3A = arith.constant 0 : i32
      %cond3A_410 = arith.cmpi ne, %convert_element_type3A, %cond3A : i32
      scf.if %cond3A_410 {
        %get3A_817 = arith.index_cast %add3A_408 : i32 to index
        %get3A_818 = tpu.vector_load %arg8[%get3A_817] {strides = array<i32>} : memref<528xi32, #tpu.memory_space<vmem>>, vector<16xi32>,
        %slice3A_819 = vector.extract_strided_slice %get3A_818 {offsets = [0], sizes = [1], strides = [1]} : vector<16xi32> to vector<1xi32>
        %squeeze3A_820 = vector.extract %slice3A_819[0] : i32 from vector<1xi32>
        %shift_right_logical3A_821 = arith.constant 7 : i32
        %shift_right_logical3A_822 = arith.shrui %squeeze3A_820, %shift_right_logical3A_821 : i32
        %shift_left3A_823 = arith.constant 7 : i32
        %shift_left3A_824 = arith.shli %shift_right_logical3A_822, %shift_left3A_823 : i32
        %multiple_of3A_825 = tpu.assume_multiple %shift_left3A_824, 128 : i32
        %dma_start3A_826 = arith.constant 0 : i32
        %dma_start3A_827 = arith.constant 0 : i32
        %dma_start3A_828 = arith.constant 0 : i32
        %dma_start3A_829 = tpu.memref_slice %arg9[%dma_start3A_826, %dma_start3A_827, %dma_start3A_828] : memref<8x32x128xf32, #tpu.memory_space<vmem>> -> memref<1x32x128xf32, #tpu.memory_space<vmem>>
        %dma_start3A_830 = tpu.memref_squeeze %dma_start3A_829 : memref<1x32x128xf32, #tpu.memory_space<vmem>> -> memref<32x128xf32, #tpu.memory_space<vmem>>
        %dma_start3A_831 = arith.constant 0 : i32
        %dma_start3A_832 = tpu.memref_slice %arg5[%dma_start3A_831, %multiple_of3A_825] : memref<32x1000000xf32, #tpu.memory_space<hbm>> -> memref<32x128xf32, #tpu.memory_space<hbm>>
        %dma_start3A_833 = arith.constant 0 : i32
        %dma_start3A_834 = arith.constant 0 : i32
        %dma_start3A_835 = tpu.memref_slice %arg9[%dma_start3A_826, %dma_start3A_833, %dma_start3A_834] : memref<8x32x128xf32, #tpu.memory_space<vmem>> -> memref<1x32x128xf32, #tpu.memory_space<vmem>>
        %dma_start3A_836 = tpu.memref_squeeze %dma_start3A_835 : memref<1x32x128xf32, #tpu.memory_space<vmem>> -> memref<32x128xf32, #tpu.memory_space<vmem>>
        %dma_start3A_837 = arith.constant 0 : i32
        %dma_start3A_838 = tpu.memref_slice %arg5[%dma_start3A_837, %multiple_of3A_825] : memref<32x1000000xf32, #tpu.memory_space<hbm>> -> memref<32x128xf32, #tpu.memory_space<hbm>>
        tpu.enqueue_dma source(%dma_start3A_838 : memref<32x128xf32, #tpu.memory_space<hbm>>) target(%dma_start3A_836 : memref<32x128xf32, #tpu.memory_space<vmem>>) target_semaphore(%arg11 : memref<!tpu.dma_semaphore, #tpu.memory_space<semaphore_mem>>)
      } else {
      }
      %mul3A_411 = arith.constant 8 : i32
      %mul3A_412 = arith.muli %scan3A_359, %mul3A_411 : i32
      %add3A_413 = arith.constant 1 : i32
      %add3A_414 = arith.addi %mul3A_412, %add3A_413 : i32
      %dma_wait3A_415 = arith.constant 1 : i32
      %dma_wait3A_416 = arith.constant 0 : i32
      %dma_wait3A_417 = arith.constant 0 : i32
      %dma_wait3A_418 = tpu.memref_slice %arg9[%dma_wait3A_415, %dma_wait3A_416, %dma_wait3A_417] : memref<8x32x128xf32, #tpu.memory_space<vmem>> -> memref<1x32x128xf32, #tpu.memory_space<vmem>>
      %dma_wait3A_419 = tpu.memref_squeeze %dma_wait3A_418 : memref<1x32x128xf32, #tpu.memory_space<vmem>> -> memref<32x128xf32, #tpu.memory_space<vmem>>
      %dma_wait3A_420 = arith.constant 0 : i32
      %dma_wait3A_421 = arith.constant 0 : i32
      %dma_wait3A_422 = tpu.memref_slice %arg5[%dma_wait3A_420, %dma_wait3A_421] : memref<32x1000000xf32, #tpu.memory_space<hbm>> -> memref<32x128xf32, #tpu.memory_space<hbm>>
      %dma_wait3A_423 = arith.constant 0 : i32
      %dma_wait3A_424 = arith.constant 0 : i32
      %dma_wait3A_425 = tpu.memref_slice %arg9[%dma_wait3A_415, %dma_wait3A_423, %dma_wait3A_424] : memref<8x32x128xf32, #tpu.memory_space<vmem>> -> memref<1x32x128xf32, #tpu.memory_space<vmem>>
      %dma_wait3A_426 = tpu.memref_squeeze %dma_wait3A_425 : memref<1x32x128xf32, #tpu.memory_space<vmem>> -> memref<32x128xf32, #tpu.memory_space<vmem>>
      %dma_wait3A_427 = arith.constant 0 : i32
      %dma_wait3A_428 = arith.constant 0 : i32
      %dma_wait3A_429 = tpu.memref_slice %arg5[%dma_wait3A_427, %dma_wait3A_428] : memref<32x1000000xf32, #tpu.memory_space<hbm>> -> memref<32x128xf32, #tpu.memory_space<hbm>>
      tpu.wait_dma2 semaphore(%arg12 : memref<!tpu.dma_semaphore, #tpu.memory_space<semaphore_mem>>) src(%dma_wait3A_429 : memref<32x128xf32, #tpu.memory_space<hbm>>) dst(%dma_wait3A_426 : memref<32x128xf32, #tpu.memory_space<vmem>>)
      %get3A_430 = arith.index_cast %add3A_414 : i32 to index
      %get3A_431 = tpu.vector_load %arg8[%get3A_430] {strides = array<i32>} : memref<528xi32, #tpu.memory_space<vmem>>, vector<16xi32>,
      %slice3A_432 = vector.extract_strided_slice %get3A_431 {offsets = [0], sizes = [1], strides = [1]} : vector<16xi32> to vector<1xi32>
      %squeeze3A_433 = vector.extract %slice3A_432[0] : i32 from vector<1xi32>
      %and3A_434 = arith.constant 127 : i32
      %and3A_435 = arith.andi %squeeze3A_433, %and3A_434 : i32
      %broadcast_in_dim3A_436 = vector.broadcast %and3A_435 : i32 to vector<16xi32>
      %broadcast_in_dim3A_437 = vector.broadcast %add3A_414 : i32 to vector<16xi32>
      %add3A_438 = arith.constant 0 : i32
      %add3A_439 = vector.broadcast %add3A_438 : i32 to vector<16xi32>
      %add3A_440 = arith.addi %iota3A, %add3A_439 : vector<16xi32>
      %gather3A_441 = arith.constant 1 : i32
      %gather3A_442 = arith.constant 0 : i32
      %gather3A_443 = arith.constant 0 : i32
      %gather3A_444 = tpu.memref_slice %arg9[%gather3A_441, %gather3A_442, %gather3A_443] : memref<8x32x128xf32, #tpu.memory_space<vmem>> -> memref<1x32x128xf32, #tpu.memory_space<vmem>>
      %gather3A_445 = tpu.memref_squeeze %gather3A_444 : memref<1x32x128xf32, #tpu.memory_space<vmem>> -> memref<32x128xf32, #tpu.memory_space<vmem>>
      %gather3A_446 = tpu.vector_load_idx %gather3A_445[%add3A_440, %broadcast_in_dim3A_436] : memref<32x128xf32, #tpu.memory_space<vmem>>[vector<16xi32>, vector<16xi32>], vector<16xf32>,
      %add3A_447 = arith.constant 32 : i32
      %add3A_448 = vector.broadcast %add3A_447 : i32 to vector<16xi32>
      %add3A_449 = arith.addi %add3A_440, %add3A_448 : vector<16xi32>
      tpu.vector_store_idx %arg10[%add3A_449, %broadcast_in_dim3A_437], %gather3A_446 : memref<64x512xf32, #tpu.memory_space<vmem>>[vector<16xi32>, vector<16xi32>], vector<16xf32>,
      %add3A_450 = arith.constant 16 : i32
      %add3A_451 = vector.broadcast %add3A_450 : i32 to vector<16xi32>
      %add3A_452 = arith.addi %iota3A, %add3A_451 : vector<16xi32>
      %gather3A_453 = arith.constant 1 : i32
      %gather3A_454 = arith.constant 0 : i32
      %gather3A_455 = arith.constant 0 : i32
      %gather3A_456 = tpu.memref_slice %arg9[%gather3A_453, %gather3A_454, %gather3A_455] : memref<8x32x128xf32, #tpu.memory_space<vmem>> -> memref<1x32x128xf32, #tpu.memory_space<vmem>>
      %gather3A_457 = tpu.memref_squeeze %gather3A_456 : memref<1x32x128xf32, #tpu.memory_space<vmem>> -> memref<32x128xf32, #tpu.memory_space<vmem>>
      %gather3A_458 = tpu.vector_load_idx %gather3A_457[%add3A_452, %broadcast_in_dim3A_436] : memref<32x128xf32, #tpu.memory_space<vmem>>[vector<16xi32>, vector<16xi32>], vector<16xf32>,
      %add3A_459 = arith.constant 32 : i32
      %add3A_460 = vector.broadcast %add3A_459 : i32 to vector<16xi32>
      %add3A_461 = arith.addi %add3A_452, %add3A_460 : vector<16xi32>
      tpu.vector_store_idx %arg10[%add3A_461, %broadcast_in_dim3A_437], %gather3A_458 : memref<64x512xf32, #tpu.memory_space<vmem>>[vector<16xi32>, vector<16xi32>], vector<16xf32>,
      %add3A_462 = arith.constant 8 : i32
      %add3A_463 = arith.addi %add3A_414, %add3A_462 : i32
      %lt3A_464 = arith.constant 512 : i32
      %lt3A_465 = arith.cmpi slt, %add3A_463, %lt3A_464 : i32
      %convert_element_type3A_466 = arith.extui %lt3A_465 : i1 to i32
      %cond3A_467 = arith.constant 0 : i32
      %cond3A_468 = arith.cmpi ne, %convert_element_type3A_466, %cond3A_467 : i32
      scf.if %cond3A_468 {
        %get3A_817 = arith.index_cast %add3A_463 : i32 to index
        %get3A_818 = tpu.vector_load %arg8[%get3A_817] {strides = array<i32>} : memref<528xi32, #tpu.memory_space<vmem>>, vector<16xi32>,
        %slice3A_819 = vector.extract_strided_slice %get3A_818 {offsets = [0], sizes = [1], strides = [1]} : vector<16xi32> to vector<1xi32>
        %squeeze3A_820 = vector.extract %slice3A_819[0] : i32 from vector<1xi32>
        %shift_right_logical3A_821 = arith.constant 7 : i32
        %shift_right_logical3A_822 = arith.shrui %squeeze3A_820, %shift_right_logical3A_821 : i32
        %shift_left3A_823 = arith.constant 7 : i32
        %shift_left3A_824 = arith.shli %shift_right_logical3A_822, %shift_left3A_823 : i32
        %multiple_of3A_825 = tpu.assume_multiple %shift_left3A_824, 128 : i32
        %dma_start3A_826 = arith.constant 1 : i32
        %dma_start3A_827 = arith.constant 0 : i32
        %dma_start3A_828 = arith.constant 0 : i32
        %dma_start3A_829 = tpu.memref_slice %arg9[%dma_start3A_826, %dma_start3A_827, %dma_start3A_828] : memref<8x32x128xf32, #tpu.memory_space<vmem>> -> memref<1x32x128xf32, #tpu.memory_space<vmem>>
        %dma_start3A_830 = tpu.memref_squeeze %dma_start3A_829 : memref<1x32x128xf32, #tpu.memory_space<vmem>> -> memref<32x128xf32, #tpu.memory_space<vmem>>
        %dma_start3A_831 = arith.constant 0 : i32
        %dma_start3A_832 = tpu.memref_slice %arg5[%dma_start3A_831, %multiple_of3A_825] : memref<32x1000000xf32, #tpu.memory_space<hbm>> -> memref<32x128xf32, #tpu.memory_space<hbm>>
        %dma_start3A_833 = arith.constant 0 : i32
        %dma_start3A_834 = arith.constant 0 : i32
        %dma_start3A_835 = tpu.memref_slice %arg9[%dma_start3A_826, %dma_start3A_833, %dma_start3A_834] : memref<8x32x128xf32, #tpu.memory_space<vmem>> -> memref<1x32x128xf32, #tpu.memory_space<vmem>>
        %dma_start3A_836 = tpu.memref_squeeze %dma_start3A_835 : memref<1x32x128xf32, #tpu.memory_space<vmem>> -> memref<32x128xf32, #tpu.memory_space<vmem>>
        %dma_start3A_837 = arith.constant 0 : i32
        %dma_start3A_838 = tpu.memref_slice %arg5[%dma_start3A_837, %multiple_of3A_825] : memref<32x1000000xf32, #tpu.memory_space<hbm>> -> memref<32x128xf32, #tpu.memory_space<hbm>>
        tpu.enqueue_dma source(%dma_start3A_838 : memref<32x128xf32, #tpu.memory_space<hbm>>) target(%dma_start3A_836 : memref<32x128xf32, #tpu.memory_space<vmem>>) target_semaphore(%arg12 : memref<!tpu.dma_semaphore, #tpu.memory_space<semaphore_mem>>)
      } else {
      }
      %mul3A_469 = arith.constant 8 : i32
      %mul3A_470 = arith.muli %scan3A_359, %mul3A_469 : i32
      %add3A_471 = arith.constant 2 : i32
      %add3A_472 = arith.addi %mul3A_470, %add3A_471 : i32
      %dma_wait3A_473 = arith.constant 2 : i32
      %dma_wait3A_474 = arith.constant 0 : i32
      %dma_wait3A_475 = arith.constant 0 : i32
      %dma_wait3A_476 = tpu.memref_slice %arg9[%dma_wait3A_473, %dma_wait3A_474, %dma_wait3A_475] : memref<8x32x128xf32, #tpu.memory_space<vmem>> -> memref<1x32x128xf32, #tpu.memory_space<vmem>>
      %dma_wait3A_477 = tpu.memref_squeeze %dma_wait3A_476 : memref<1x32x128xf32, #tpu.memory_space<vmem>> -> memref<32x128xf32, #tpu.memory_space<vmem>>
      %dma_wait3A_478 = arith.constant 0 : i32
      %dma_wait3A_479 = arith.constant 0 : i32
      %dma_wait3A_480 = tpu.memref_slice %arg5[%dma_wait3A_478, %dma_wait3A_479] : memref<32x1000000xf32, #tpu.memory_space<hbm>> -> memref<32x128xf32, #tpu.memory_space<hbm>>
      %dma_wait3A_481 = arith.constant 0 : i32
      %dma_wait3A_482 = arith.constant 0 : i32
      %dma_wait3A_483 = tpu.memref_slice %arg9[%dma_wait3A_473, %dma_wait3A_481, %dma_wait3A_482] : memref<8x32x128xf32, #tpu.memory_space<vmem>> -> memref<1x32x128xf32, #tpu.memory_space<vmem>>
      %dma_wait3A_484 = tpu.memref_squeeze %dma_wait3A_483 : memref<1x32x128xf32, #tpu.memory_space<vmem>> -> memref<32x128xf32, #tpu.memory_space<vmem>>
      %dma_wait3A_485 = arith.constant 0 : i32
      %dma_wait3A_486 = arith.constant 0 : i32
      %dma_wait3A_487 = tpu.memref_slice %arg5[%dma_wait3A_485, %dma_wait3A_486] : memref<32x1000000xf32, #tpu.memory_space<hbm>> -> memref<32x128xf32, #tpu.memory_space<hbm>>
      tpu.wait_dma2 semaphore(%arg13 : memref<!tpu.dma_semaphore, #tpu.memory_space<semaphore_mem>>) src(%dma_wait3A_487 : memref<32x128xf32, #tpu.memory_space<hbm>>) dst(%dma_wait3A_484 : memref<32x128xf32, #tpu.memory_space<vmem>>)
      %get3A_488 = arith.index_cast %add3A_472 : i32 to index
      %get3A_489 = tpu.vector_load %arg8[%get3A_488] {strides = array<i32>} : memref<528xi32, #tpu.memory_space<vmem>>, vector<16xi32>,
      %slice3A_490 = vector.extract_strided_slice %get3A_489 {offsets = [0], sizes = [1], strides = [1]} : vector<16xi32> to vector<1xi32>
      %squeeze3A_491 = vector.extract %slice3A_490[0] : i32 from vector<1xi32>
      %and3A_492 = arith.constant 127 : i32
      %and3A_493 = arith.andi %squeeze3A_491, %and3A_492 : i32
      %broadcast_in_dim3A_494 = vector.broadcast %and3A_493 : i32 to vector<16xi32>
      %broadcast_in_dim3A_495 = vector.broadcast %add3A_472 : i32 to vector<16xi32>
      %add3A_496 = arith.constant 0 : i32
      %add3A_497 = vector.broadcast %add3A_496 : i32 to vector<16xi32>
      %add3A_498 = arith.addi %iota3A, %add3A_497 : vector<16xi32>
      %gather3A_499 = arith.constant 2 : i32
      %gather3A_500 = arith.constant 0 : i32
      %gather3A_501 = arith.constant 0 : i32
      %gather3A_502 = tpu.memref_slice %arg9[%gather3A_499, %gather3A_500, %gather3A_501] : memref<8x32x128xf32, #tpu.memory_space<vmem>> -> memref<1x32x128xf32, #tpu.memory_space<vmem>>
      %gather3A_503 = tpu.memref_squeeze %gather3A_502 : memref<1x32x128xf32, #tpu.memory_space<vmem>> -> memref<32x128xf32, #tpu.memory_space<vmem>>
      %gather3A_504 = tpu.vector_load_idx %gather3A_503[%add3A_498, %broadcast_in_dim3A_494] : memref<32x128xf32, #tpu.memory_space<vmem>>[vector<16xi32>, vector<16xi32>], vector<16xf32>,
      %add3A_505 = arith.constant 32 : i32
      %add3A_506 = vector.broadcast %add3A_505 : i32 to vector<16xi32>
      %add3A_507 = arith.addi %add3A_498, %add3A_506 : vector<16xi32>
      tpu.vector_store_idx %arg10[%add3A_507, %broadcast_in_dim3A_495], %gather3A_504 : memref<64x512xf32, #tpu.memory_space<vmem>>[vector<16xi32>, vector<16xi32>], vector<16xf32>,
      %add3A_508 = arith.constant 16 : i32
      %add3A_509 = vector.broadcast %add3A_508 : i32 to vector<16xi32>
      %add3A_510 = arith.addi %iota3A, %add3A_509 : vector<16xi32>
      %gather3A_511 = arith.constant 2 : i32
      %gather3A_512 = arith.constant 0 : i32
      %gather3A_513 = arith.constant 0 : i32
      %gather3A_514 = tpu.memref_slice %arg9[%gather3A_511, %gather3A_512, %gather3A_513] : memref<8x32x128xf32, #tpu.memory_space<vmem>> -> memref<1x32x128xf32, #tpu.memory_space<vmem>>
      %gather3A_515 = tpu.memref_squeeze %gather3A_514 : memref<1x32x128xf32, #tpu.memory_space<vmem>> -> memref<32x128xf32, #tpu.memory_space<vmem>>
      %gather3A_516 = tpu.vector_load_idx %gather3A_515[%add3A_510, %broadcast_in_dim3A_494] : memref<32x128xf32, #tpu.memory_space<vmem>>[vector<16xi32>, vector<16xi32>], vector<16xf32>,
      %add3A_517 = arith.constant 32 : i32
      %add3A_518 = vector.broadcast %add3A_517 : i32 to vector<16xi32>
      %add3A_519 = arith.addi %add3A_510, %add3A_518 : vector<16xi32>
      tpu.vector_store_idx %arg10[%add3A_519, %broadcast_in_dim3A_495], %gather3A_516 : memref<64x512xf32, #tpu.memory_space<vmem>>[vector<16xi32>, vector<16xi32>], vector<16xf32>,
      %add3A_520 = arith.constant 8 : i32
      %add3A_521 = arith.addi %add3A_472, %add3A_520 : i32
      %lt3A_522 = arith.constant 512 : i32
      %lt3A_523 = arith.cmpi slt, %add3A_521, %lt3A_522 : i32
      %convert_element_type3A_524 = arith.extui %lt3A_523 : i1 to i32
      %cond3A_525 = arith.constant 0 : i32
      %cond3A_526 = arith.cmpi ne, %convert_element_type3A_524, %cond3A_525 : i32
      scf.if %cond3A_526 {
        %get3A_817 = arith.index_cast %add3A_521 : i32 to index
        %get3A_818 = tpu.vector_load %arg8[%get3A_817] {strides = array<i32>} : memref<528xi32, #tpu.memory_space<vmem>>, vector<16xi32>,
        %slice3A_819 = vector.extract_strided_slice %get3A_818 {offsets = [0], sizes = [1], strides = [1]} : vector<16xi32> to vector<1xi32>
        %squeeze3A_820 = vector.extract %slice3A_819[0] : i32 from vector<1xi32>
        %shift_right_logical3A_821 = arith.constant 7 : i32
        %shift_right_logical3A_822 = arith.shrui %squeeze3A_820, %shift_right_logical3A_821 : i32
        %shift_left3A_823 = arith.constant 7 : i32
        %shift_left3A_824 = arith.shli %shift_right_logical3A_822, %shift_left3A_823 : i32
        %multiple_of3A_825 = tpu.assume_multiple %shift_left3A_824, 128 : i32
        %dma_start3A_826 = arith.constant 2 : i32
        %dma_start3A_827 = arith.constant 0 : i32
        %dma_start3A_828 = arith.constant 0 : i32
        %dma_start3A_829 = tpu.memref_slice %arg9[%dma_start3A_826, %dma_start3A_827, %dma_start3A_828] : memref<8x32x128xf32, #tpu.memory_space<vmem>> -> memref<1x32x128xf32, #tpu.memory_space<vmem>>
        %dma_start3A_830 = tpu.memref_squeeze %dma_start3A_829 : memref<1x32x128xf32, #tpu.memory_space<vmem>> -> memref<32x128xf32, #tpu.memory_space<vmem>>
        %dma_start3A_831 = arith.constant 0 : i32
        %dma_start3A_832 = tpu.memref_slice %arg5[%dma_start3A_831, %multiple_of3A_825] : memref<32x1000000xf32, #tpu.memory_space<hbm>> -> memref<32x128xf32, #tpu.memory_space<hbm>>
        %dma_start3A_833 = arith.constant 0 : i32
        %dma_start3A_834 = arith.constant 0 : i32
        %dma_start3A_835 = tpu.memref_slice %arg9[%dma_start3A_826, %dma_start3A_833, %dma_start3A_834] : memref<8x32x128xf32, #tpu.memory_space<vmem>> -> memref<1x32x128xf32, #tpu.memory_space<vmem>>
        %dma_start3A_836 = tpu.memref_squeeze %dma_start3A_835 : memref<1x32x128xf32, #tpu.memory_space<vmem>> -> memref<32x128xf32, #tpu.memory_space<vmem>>
        %dma_start3A_837 = arith.constant 0 : i32
        %dma_start3A_838 = tpu.memref_slice %arg5[%dma_start3A_837, %multiple_of3A_825] : memref<32x1000000xf32, #tpu.memory_space<hbm>> -> memref<32x128xf32, #tpu.memory_space<hbm>>
        tpu.enqueue_dma source(%dma_start3A_838 : memref<32x128xf32, #tpu.memory_space<hbm>>) target(%dma_start3A_836 : memref<32x128xf32, #tpu.memory_space<vmem>>) target_semaphore(%arg13 : memref<!tpu.dma_semaphore, #tpu.memory_space<semaphore_mem>>)
      } else {
      }
      %mul3A_527 = arith.constant 8 : i32
      %mul3A_528 = arith.muli %scan3A_359, %mul3A_527 : i32
      %add3A_529 = arith.constant 3 : i32
      %add3A_530 = arith.addi %mul3A_528, %add3A_529 : i32
      %dma_wait3A_531 = arith.constant 3 : i32
      %dma_wait3A_532 = arith.constant 0 : i32
      %dma_wait3A_533 = arith.constant 0 : i32
      %dma_wait3A_534 = tpu.memref_slice %arg9[%dma_wait3A_531, %dma_wait3A_532, %dma_wait3A_533] : memref<8x32x128xf32, #tpu.memory_space<vmem>> -> memref<1x32x128xf32, #tpu.memory_space<vmem>>
      %dma_wait3A_535 = tpu.memref_squeeze %dma_wait3A_534 : memref<1x32x128xf32, #tpu.memory_space<vmem>> -> memref<32x128xf32, #tpu.memory_space<vmem>>
      %dma_wait3A_536 = arith.constant 0 : i32
      %dma_wait3A_537 = arith.constant 0 : i32
      %dma_wait3A_538 = tpu.memref_slice %arg5[%dma_wait3A_536, %dma_wait3A_537] : memref<32x1000000xf32, #tpu.memory_space<hbm>> -> memref<32x128xf32, #tpu.memory_space<hbm>>
      %dma_wait3A_539 = arith.constant 0 : i32
      %dma_wait3A_540 = arith.constant 0 : i32
      %dma_wait3A_541 = tpu.memref_slice %arg9[%dma_wait3A_531, %dma_wait3A_539, %dma_wait3A_540] : memref<8x32x128xf32, #tpu.memory_space<vmem>> -> memref<1x32x128xf32, #tpu.memory_space<vmem>>
      %dma_wait3A_542 = tpu.memref_squeeze %dma_wait3A_541 : memref<1x32x128xf32, #tpu.memory_space<vmem>> -> memref<32x128xf32, #tpu.memory_space<vmem>>
      %dma_wait3A_543 = arith.constant 0 : i32
      %dma_wait3A_544 = arith.constant 0 : i32
      %dma_wait3A_545 = tpu.memref_slice %arg5[%dma_wait3A_543, %dma_wait3A_544] : memref<32x1000000xf32, #tpu.memory_space<hbm>> -> memref<32x128xf32, #tpu.memory_space<hbm>>
      tpu.wait_dma2 semaphore(%arg14 : memref<!tpu.dma_semaphore, #tpu.memory_space<semaphore_mem>>) src(%dma_wait3A_545 : memref<32x128xf32, #tpu.memory_space<hbm>>) dst(%dma_wait3A_542 : memref<32x128xf32, #tpu.memory_space<vmem>>)
      %get3A_546 = arith.index_cast %add3A_530 : i32 to index
      %get3A_547 = tpu.vector_load %arg8[%get3A_546] {strides = array<i32>} : memref<528xi32, #tpu.memory_space<vmem>>, vector<16xi32>,
      %slice3A_548 = vector.extract_strided_slice %get3A_547 {offsets = [0], sizes = [1], strides = [1]} : vector<16xi32> to vector<1xi32>
      %squeeze3A_549 = vector.extract %slice3A_548[0] : i32 from vector<1xi32>
      %and3A_550 = arith.constant 127 : i32
      %and3A_551 = arith.andi %squeeze3A_549, %and3A_550 : i32
      %broadcast_in_dim3A_552 = vector.broadcast %and3A_551 : i32 to vector<16xi32>
      %broadcast_in_dim3A_553 = vector.broadcast %add3A_530 : i32 to vector<16xi32>
      %add3A_554 = arith.constant 0 : i32
      %add3A_555 = vector.broadcast %add3A_554 : i32 to vector<16xi32>
      %add3A_556 = arith.addi %iota3A, %add3A_555 : vector<16xi32>
      %gather3A_557 = arith.constant 3 : i32
      %gather3A_558 = arith.constant 0 : i32
      %gather3A_559 = arith.constant 0 : i32
      %gather3A_560 = tpu.memref_slice %arg9[%gather3A_557, %gather3A_558, %gather3A_559] : memref<8x32x128xf32, #tpu.memory_space<vmem>> -> memref<1x32x128xf32, #tpu.memory_space<vmem>>
      %gather3A_561 = tpu.memref_squeeze %gather3A_560 : memref<1x32x128xf32, #tpu.memory_space<vmem>> -> memref<32x128xf32, #tpu.memory_space<vmem>>
      %gather3A_562 = tpu.vector_load_idx %gather3A_561[%add3A_556, %broadcast_in_dim3A_552] : memref<32x128xf32, #tpu.memory_space<vmem>>[vector<16xi32>, vector<16xi32>], vector<16xf32>,
      %add3A_563 = arith.constant 32 : i32
      %add3A_564 = vector.broadcast %add3A_563 : i32 to vector<16xi32>
      %add3A_565 = arith.addi %add3A_556, %add3A_564 : vector<16xi32>
      tpu.vector_store_idx %arg10[%add3A_565, %broadcast_in_dim3A_553], %gather3A_562 : memref<64x512xf32, #tpu.memory_space<vmem>>[vector<16xi32>, vector<16xi32>], vector<16xf32>,
      %add3A_566 = arith.constant 16 : i32
      %add3A_567 = vector.broadcast %add3A_566 : i32 to vector<16xi32>
      %add3A_568 = arith.addi %iota3A, %add3A_567 : vector<16xi32>
      %gather3A_569 = arith.constant 3 : i32
      %gather3A_570 = arith.constant 0 : i32
      %gather3A_571 = arith.constant 0 : i32
      %gather3A_572 = tpu.memref_slice %arg9[%gather3A_569, %gather3A_570, %gather3A_571] : memref<8x32x128xf32, #tpu.memory_space<vmem>> -> memref<1x32x128xf32, #tpu.memory_space<vmem>>
      %gather3A_573 = tpu.memref_squeeze %gather3A_572 : memref<1x32x128xf32, #tpu.memory_space<vmem>> -> memref<32x128xf32, #tpu.memory_space<vmem>>
      %gather3A_574 = tpu.vector_load_idx %gather3A_573[%add3A_568, %broadcast_in_dim3A_552] : memref<32x128xf32, #tpu.memory_space<vmem>>[vector<16xi32>, vector<16xi32>], vector<16xf32>,
      %add3A_575 = arith.constant 32 : i32
      %add3A_576 = vector.broadcast %add3A_575 : i32 to vector<16xi32>
      %add3A_577 = arith.addi %add3A_568, %add3A_576 : vector<16xi32>
      tpu.vector_store_idx %arg10[%add3A_577, %broadcast_in_dim3A_553], %gather3A_574 : memref<64x512xf32, #tpu.memory_space<vmem>>[vector<16xi32>, vector<16xi32>], vector<16xf32>,
      %add3A_578 = arith.constant 8 : i32
      %add3A_579 = arith.addi %add3A_530, %add3A_578 : i32
      %lt3A_580 = arith.constant 512 : i32
      %lt3A_581 = arith.cmpi slt, %add3A_579, %lt3A_580 : i32
      %convert_element_type3A_582 = arith.extui %lt3A_581 : i1 to i32
      %cond3A_583 = arith.constant 0 : i32
      %cond3A_584 = arith.cmpi ne, %convert_element_type3A_582, %cond3A_583 : i32
      scf.if %cond3A_584 {
        %get3A_817 = arith.index_cast %add3A_579 : i32 to index
        %get3A_818 = tpu.vector_load %arg8[%get3A_817] {strides = array<i32>} : memref<528xi32, #tpu.memory_space<vmem>>, vector<16xi32>,
        %slice3A_819 = vector.extract_strided_slice %get3A_818 {offsets = [0], sizes = [1], strides = [1]} : vector<16xi32> to vector<1xi32>
        %squeeze3A_820 = vector.extract %slice3A_819[0] : i32 from vector<1xi32>
        %shift_right_logical3A_821 = arith.constant 7 : i32
        %shift_right_logical3A_822 = arith.shrui %squeeze3A_820, %shift_right_logical3A_821 : i32
        %shift_left3A_823 = arith.constant 7 : i32
        %shift_left3A_824 = arith.shli %shift_right_logical3A_822, %shift_left3A_823 : i32
        %multiple_of3A_825 = tpu.assume_multiple %shift_left3A_824, 128 : i32
        %dma_start3A_826 = arith.constant 3 : i32
        %dma_start3A_827 = arith.constant 0 : i32
        %dma_start3A_828 = arith.constant 0 : i32
        %dma_start3A_829 = tpu.memref_slice %arg9[%dma_start3A_826, %dma_start3A_827, %dma_start3A_828] : memref<8x32x128xf32, #tpu.memory_space<vmem>> -> memref<1x32x128xf32, #tpu.memory_space<vmem>>
        %dma_start3A_830 = tpu.memref_squeeze %dma_start3A_829 : memref<1x32x128xf32, #tpu.memory_space<vmem>> -> memref<32x128xf32, #tpu.memory_space<vmem>>
        %dma_start3A_831 = arith.constant 0 : i32
        %dma_start3A_832 = tpu.memref_slice %arg5[%dma_start3A_831, %multiple_of3A_825] : memref<32x1000000xf32, #tpu.memory_space<hbm>> -> memref<32x128xf32, #tpu.memory_space<hbm>>
        %dma_start3A_833 = arith.constant 0 : i32
        %dma_start3A_834 = arith.constant 0 : i32
        %dma_start3A_835 = tpu.memref_slice %arg9[%dma_start3A_826, %dma_start3A_833, %dma_start3A_834] : memref<8x32x128xf32, #tpu.memory_space<vmem>> -> memref<1x32x128xf32, #tpu.memory_space<vmem>>
        %dma_start3A_836 = tpu.memref_squeeze %dma_start3A_835 : memref<1x32x128xf32, #tpu.memory_space<vmem>> -> memref<32x128xf32, #tpu.memory_space<vmem>>
        %dma_start3A_837 = arith.constant 0 : i32
        %dma_start3A_838 = tpu.memref_slice %arg5[%dma_start3A_837, %multiple_of3A_825] : memref<32x1000000xf32, #tpu.memory_space<hbm>> -> memref<32x128xf32, #tpu.memory_space<hbm>>
        tpu.enqueue_dma source(%dma_start3A_838 : memref<32x128xf32, #tpu.memory_space<hbm>>) target(%dma_start3A_836 : memref<32x128xf32, #tpu.memory_space<vmem>>) target_semaphore(%arg14 : memref<!tpu.dma_semaphore, #tpu.memory_space<semaphore_mem>>)
      } else {
      }
      %mul3A_585 = arith.constant 8 : i32
      %mul3A_586 = arith.muli %scan3A_359, %mul3A_585 : i32
      %add3A_587 = arith.constant 4 : i32
      %add3A_588 = arith.addi %mul3A_586, %add3A_587 : i32
      %dma_wait3A_589 = arith.constant 4 : i32
      %dma_wait3A_590 = arith.constant 0 : i32
      %dma_wait3A_591 = arith.constant 0 : i32
      %dma_wait3A_592 = tpu.memref_slice %arg9[%dma_wait3A_589, %dma_wait3A_590, %dma_wait3A_591] : memref<8x32x128xf32, #tpu.memory_space<vmem>> -> memref<1x32x128xf32, #tpu.memory_space<vmem>>
      %dma_wait3A_593 = tpu.memref_squeeze %dma_wait3A_592 : memref<1x32x128xf32, #tpu.memory_space<vmem>> -> memref<32x128xf32, #tpu.memory_space<vmem>>
      %dma_wait3A_594 = arith.constant 0 : i32
      %dma_wait3A_595 = arith.constant 0 : i32
      %dma_wait3A_596 = tpu.memref_slice %arg5[%dma_wait3A_594, %dma_wait3A_595] : memref<32x1000000xf32, #tpu.memory_space<hbm>> -> memref<32x128xf32, #tpu.memory_space<hbm>>
      %dma_wait3A_597 = arith.constant 0 : i32
      %dma_wait3A_598 = arith.constant 0 : i32
      %dma_wait3A_599 = tpu.memref_slice %arg9[%dma_wait3A_589, %dma_wait3A_597, %dma_wait3A_598] : memref<8x32x128xf32, #tpu.memory_space<vmem>> -> memref<1x32x128xf32, #tpu.memory_space<vmem>>
      %dma_wait3A_600 = tpu.memref_squeeze %dma_wait3A_599 : memref<1x32x128xf32, #tpu.memory_space<vmem>> -> memref<32x128xf32, #tpu.memory_space<vmem>>
      %dma_wait3A_601 = arith.constant 0 : i32
      %dma_wait3A_602 = arith.constant 0 : i32
      %dma_wait3A_603 = tpu.memref_slice %arg5[%dma_wait3A_601, %dma_wait3A_602] : memref<32x1000000xf32, #tpu.memory_space<hbm>> -> memref<32x128xf32, #tpu.memory_space<hbm>>
      tpu.wait_dma2 semaphore(%arg15 : memref<!tpu.dma_semaphore, #tpu.memory_space<semaphore_mem>>) src(%dma_wait3A_603 : memref<32x128xf32, #tpu.memory_space<hbm>>) dst(%dma_wait3A_600 : memref<32x128xf32, #tpu.memory_space<vmem>>)
      %get3A_604 = arith.index_cast %add3A_588 : i32 to index
      %get3A_605 = tpu.vector_load %arg8[%get3A_604] {strides = array<i32>} : memref<528xi32, #tpu.memory_space<vmem>>, vector<16xi32>,
      %slice3A_606 = vector.extract_strided_slice %get3A_605 {offsets = [0], sizes = [1], strides = [1]} : vector<16xi32> to vector<1xi32>
      %squeeze3A_607 = vector.extract %slice3A_606[0] : i32 from vector<1xi32>
      %and3A_608 = arith.constant 127 : i32
      %and3A_609 = arith.andi %squeeze3A_607, %and3A_608 : i32
      %broadcast_in_dim3A_610 = vector.broadcast %and3A_609 : i32 to vector<16xi32>
      %broadcast_in_dim3A_611 = vector.broadcast %add3A_588 : i32 to vector<16xi32>
      %add3A_612 = arith.constant 0 : i32
      %add3A_613 = vector.broadcast %add3A_612 : i32 to vector<16xi32>
      %add3A_614 = arith.addi %iota3A, %add3A_613 : vector<16xi32>
      %gather3A_615 = arith.constant 4 : i32
      %gather3A_616 = arith.constant 0 : i32
      %gather3A_617 = arith.constant 0 : i32
      %gather3A_618 = tpu.memref_slice %arg9[%gather3A_615, %gather3A_616, %gather3A_617] : memref<8x32x128xf32, #tpu.memory_space<vmem>> -> memref<1x32x128xf32, #tpu.memory_space<vmem>>
      %gather3A_619 = tpu.memref_squeeze %gather3A_618 : memref<1x32x128xf32, #tpu.memory_space<vmem>> -> memref<32x128xf32, #tpu.memory_space<vmem>>
      %gather3A_620 = tpu.vector_load_idx %gather3A_619[%add3A_614, %broadcast_in_dim3A_610] : memref<32x128xf32, #tpu.memory_space<vmem>>[vector<16xi32>, vector<16xi32>], vector<16xf32>,
      %add3A_621 = arith.constant 32 : i32
      %add3A_622 = vector.broadcast %add3A_621 : i32 to vector<16xi32>
      %add3A_623 = arith.addi %add3A_614, %add3A_622 : vector<16xi32>
      tpu.vector_store_idx %arg10[%add3A_623, %broadcast_in_dim3A_611], %gather3A_620 : memref<64x512xf32, #tpu.memory_space<vmem>>[vector<16xi32>, vector<16xi32>], vector<16xf32>,
      %add3A_624 = arith.constant 16 : i32
      %add3A_625 = vector.broadcast %add3A_624 : i32 to vector<16xi32>
      %add3A_626 = arith.addi %iota3A, %add3A_625 : vector<16xi32>
      %gather3A_627 = arith.constant 4 : i32
      %gather3A_628 = arith.constant 0 : i32
      %gather3A_629 = arith.constant 0 : i32
      %gather3A_630 = tpu.memref_slice %arg9[%gather3A_627, %gather3A_628, %gather3A_629] : memref<8x32x128xf32, #tpu.memory_space<vmem>> -> memref<1x32x128xf32, #tpu.memory_space<vmem>>
      %gather3A_631 = tpu.memref_squeeze %gather3A_630 : memref<1x32x128xf32, #tpu.memory_space<vmem>> -> memref<32x128xf32, #tpu.memory_space<vmem>>
      %gather3A_632 = tpu.vector_load_idx %gather3A_631[%add3A_626, %broadcast_in_dim3A_610] : memref<32x128xf32, #tpu.memory_space<vmem>>[vector<16xi32>, vector<16xi32>], vector<16xf32>,
      %add3A_633 = arith.constant 32 : i32
      %add3A_634 = vector.broadcast %add3A_633 : i32 to vector<16xi32>
      %add3A_635 = arith.addi %add3A_626, %add3A_634 : vector<16xi32>
      tpu.vector_store_idx %arg10[%add3A_635, %broadcast_in_dim3A_611], %gather3A_632 : memref<64x512xf32, #tpu.memory_space<vmem>>[vector<16xi32>, vector<16xi32>], vector<16xf32>,
      %add3A_636 = arith.constant 8 : i32
      %add3A_637 = arith.addi %add3A_588, %add3A_636 : i32
      %lt3A_638 = arith.constant 512 : i32
      %lt3A_639 = arith.cmpi slt, %add3A_637, %lt3A_638 : i32
      %convert_element_type3A_640 = arith.extui %lt3A_639 : i1 to i32
      %cond3A_641 = arith.constant 0 : i32
      %cond3A_642 = arith.cmpi ne, %convert_element_type3A_640, %cond3A_641 : i32
      scf.if %cond3A_642 {
        %get3A_817 = arith.index_cast %add3A_637 : i32 to index
        %get3A_818 = tpu.vector_load %arg8[%get3A_817] {strides = array<i32>} : memref<528xi32, #tpu.memory_space<vmem>>, vector<16xi32>,
        %slice3A_819 = vector.extract_strided_slice %get3A_818 {offsets = [0], sizes = [1], strides = [1]} : vector<16xi32> to vector<1xi32>
        %squeeze3A_820 = vector.extract %slice3A_819[0] : i32 from vector<1xi32>
        %shift_right_logical3A_821 = arith.constant 7 : i32
        %shift_right_logical3A_822 = arith.shrui %squeeze3A_820, %shift_right_logical3A_821 : i32
        %shift_left3A_823 = arith.constant 7 : i32
        %shift_left3A_824 = arith.shli %shift_right_logical3A_822, %shift_left3A_823 : i32
        %multiple_of3A_825 = tpu.assume_multiple %shift_left3A_824, 128 : i32
        %dma_start3A_826 = arith.constant 4 : i32
        %dma_start3A_827 = arith.constant 0 : i32
        %dma_start3A_828 = arith.constant 0 : i32
        %dma_start3A_829 = tpu.memref_slice %arg9[%dma_start3A_826, %dma_start3A_827, %dma_start3A_828] : memref<8x32x128xf32, #tpu.memory_space<vmem>> -> memref<1x32x128xf32, #tpu.memory_space<vmem>>
        %dma_start3A_830 = tpu.memref_squeeze %dma_start3A_829 : memref<1x32x128xf32, #tpu.memory_space<vmem>> -> memref<32x128xf32, #tpu.memory_space<vmem>>
        %dma_start3A_831 = arith.constant 0 : i32
        %dma_start3A_832 = tpu.memref_slice %arg5[%dma_start3A_831, %multiple_of3A_825] : memref<32x1000000xf32, #tpu.memory_space<hbm>> -> memref<32x128xf32, #tpu.memory_space<hbm>>
        %dma_start3A_833 = arith.constant 0 : i32
        %dma_start3A_834 = arith.constant 0 : i32
        %dma_start3A_835 = tpu.memref_slice %arg9[%dma_start3A_826, %dma_start3A_833, %dma_start3A_834] : memref<8x32x128xf32, #tpu.memory_space<vmem>> -> memref<1x32x128xf32, #tpu.memory_space<vmem>>
        %dma_start3A_836 = tpu.memref_squeeze %dma_start3A_835 : memref<1x32x128xf32, #tpu.memory_space<vmem>> -> memref<32x128xf32, #tpu.memory_space<vmem>>
        %dma_start3A_837 = arith.constant 0 : i32
        %dma_start3A_838 = tpu.memref_slice %arg5[%dma_start3A_837, %multiple_of3A_825] : memref<32x1000000xf32, #tpu.memory_space<hbm>> -> memref<32x128xf32, #tpu.memory_space<hbm>>
        tpu.enqueue_dma source(%dma_start3A_838 : memref<32x128xf32, #tpu.memory_space<hbm>>) target(%dma_start3A_836 : memref<32x128xf32, #tpu.memory_space<vmem>>) target_semaphore(%arg15 : memref<!tpu.dma_semaphore, #tpu.memory_space<semaphore_mem>>)
      } else {
      }
      %mul3A_643 = arith.constant 8 : i32
      %mul3A_644 = arith.muli %scan3A_359, %mul3A_643 : i32
      %add3A_645 = arith.constant 5 : i32
      %add3A_646 = arith.addi %mul3A_644, %add3A_645 : i32
      %dma_wait3A_647 = arith.constant 5 : i32
      %dma_wait3A_648 = arith.constant 0 : i32
      %dma_wait3A_649 = arith.constant 0 : i32
      %dma_wait3A_650 = tpu.memref_slice %arg9[%dma_wait3A_647, %dma_wait3A_648, %dma_wait3A_649] : memref<8x32x128xf32, #tpu.memory_space<vmem>> -> memref<1x32x128xf32, #tpu.memory_space<vmem>>
      %dma_wait3A_651 = tpu.memref_squeeze %dma_wait3A_650 : memref<1x32x128xf32, #tpu.memory_space<vmem>> -> memref<32x128xf32, #tpu.memory_space<vmem>>
      %dma_wait3A_652 = arith.constant 0 : i32
      %dma_wait3A_653 = arith.constant 0 : i32
      %dma_wait3A_654 = tpu.memref_slice %arg5[%dma_wait3A_652, %dma_wait3A_653] : memref<32x1000000xf32, #tpu.memory_space<hbm>> -> memref<32x128xf32, #tpu.memory_space<hbm>>
      %dma_wait3A_655 = arith.constant 0 : i32
      %dma_wait3A_656 = arith.constant 0 : i32
      %dma_wait3A_657 = tpu.memref_slice %arg9[%dma_wait3A_647, %dma_wait3A_655, %dma_wait3A_656] : memref<8x32x128xf32, #tpu.memory_space<vmem>> -> memref<1x32x128xf32, #tpu.memory_space<vmem>>
      %dma_wait3A_658 = tpu.memref_squeeze %dma_wait3A_657 : memref<1x32x128xf32, #tpu.memory_space<vmem>> -> memref<32x128xf32, #tpu.memory_space<vmem>>
      %dma_wait3A_659 = arith.constant 0 : i32
      %dma_wait3A_660 = arith.constant 0 : i32
      %dma_wait3A_661 = tpu.memref_slice %arg5[%dma_wait3A_659, %dma_wait3A_660] : memref<32x1000000xf32, #tpu.memory_space<hbm>> -> memref<32x128xf32, #tpu.memory_space<hbm>>
      tpu.wait_dma2 semaphore(%arg16 : memref<!tpu.dma_semaphore, #tpu.memory_space<semaphore_mem>>) src(%dma_wait3A_661 : memref<32x128xf32, #tpu.memory_space<hbm>>) dst(%dma_wait3A_658 : memref<32x128xf32, #tpu.memory_space<vmem>>)
      %get3A_662 = arith.index_cast %add3A_646 : i32 to index
      %get3A_663 = tpu.vector_load %arg8[%get3A_662] {strides = array<i32>} : memref<528xi32, #tpu.memory_space<vmem>>, vector<16xi32>,
      %slice3A_664 = vector.extract_strided_slice %get3A_663 {offsets = [0], sizes = [1], strides = [1]} : vector<16xi32> to vector<1xi32>
      %squeeze3A_665 = vector.extract %slice3A_664[0] : i32 from vector<1xi32>
      %and3A_666 = arith.constant 127 : i32
      %and3A_667 = arith.andi %squeeze3A_665, %and3A_666 : i32
      %broadcast_in_dim3A_668 = vector.broadcast %and3A_667 : i32 to vector<16xi32>
      %broadcast_in_dim3A_669 = vector.broadcast %add3A_646 : i32 to vector<16xi32>
      %add3A_670 = arith.constant 0 : i32
      %add3A_671 = vector.broadcast %add3A_670 : i32 to vector<16xi32>
      %add3A_672 = arith.addi %iota3A, %add3A_671 : vector<16xi32>
      %gather3A_673 = arith.constant 5 : i32
      %gather3A_674 = arith.constant 0 : i32
      %gather3A_675 = arith.constant 0 : i32
      %gather3A_676 = tpu.memref_slice %arg9[%gather3A_673, %gather3A_674, %gather3A_675] : memref<8x32x128xf32, #tpu.memory_space<vmem>> -> memref<1x32x128xf32, #tpu.memory_space<vmem>>
      %gather3A_677 = tpu.memref_squeeze %gather3A_676 : memref<1x32x128xf32, #tpu.memory_space<vmem>> -> memref<32x128xf32, #tpu.memory_space<vmem>>
      %gather3A_678 = tpu.vector_load_idx %gather3A_677[%add3A_672, %broadcast_in_dim3A_668] : memref<32x128xf32, #tpu.memory_space<vmem>>[vector<16xi32>, vector<16xi32>], vector<16xf32>,
      %add3A_679 = arith.constant 32 : i32
      %add3A_680 = vector.broadcast %add3A_679 : i32 to vector<16xi32>
      %add3A_681 = arith.addi %add3A_672, %add3A_680 : vector<16xi32>
      tpu.vector_store_idx %arg10[%add3A_681, %broadcast_in_dim3A_669], %gather3A_678 : memref<64x512xf32, #tpu.memory_space<vmem>>[vector<16xi32>, vector<16xi32>], vector<16xf32>,
      %add3A_682 = arith.constant 16 : i32
      %add3A_683 = vector.broadcast %add3A_682 : i32 to vector<16xi32>
      %add3A_684 = arith.addi %iota3A, %add3A_683 : vector<16xi32>
      %gather3A_685 = arith.constant 5 : i32
      %gather3A_686 = arith.constant 0 : i32
      %gather3A_687 = arith.constant 0 : i32
      %gather3A_688 = tpu.memref_slice %arg9[%gather3A_685, %gather3A_686, %gather3A_687] : memref<8x32x128xf32, #tpu.memory_space<vmem>> -> memref<1x32x128xf32, #tpu.memory_space<vmem>>
      %gather3A_689 = tpu.memref_squeeze %gather3A_688 : memref<1x32x128xf32, #tpu.memory_space<vmem>> -> memref<32x128xf32, #tpu.memory_space<vmem>>
      %gather3A_690 = tpu.vector_load_idx %gather3A_689[%add3A_684, %broadcast_in_dim3A_668] : memref<32x128xf32, #tpu.memory_space<vmem>>[vector<16xi32>, vector<16xi32>], vector<16xf32>,
      %add3A_691 = arith.constant 32 : i32
      %add3A_692 = vector.broadcast %add3A_691 : i32 to vector<16xi32>
      %add3A_693 = arith.addi %add3A_684, %add3A_692 : vector<16xi32>
      tpu.vector_store_idx %arg10[%add3A_693, %broadcast_in_dim3A_669], %gather3A_690 : memref<64x512xf32, #tpu.memory_space<vmem>>[vector<16xi32>, vector<16xi32>], vector<16xf32>,
      %add3A_694 = arith.constant 8 : i32
      %add3A_695 = arith.addi %add3A_646, %add3A_694 : i32
      %lt3A_696 = arith.constant 512 : i32
      %lt3A_697 = arith.cmpi slt, %add3A_695, %lt3A_696 : i32
      %convert_element_type3A_698 = arith.extui %lt3A_697 : i1 to i32
      %cond3A_699 = arith.constant 0 : i32
      %cond3A_700 = arith.cmpi ne, %convert_element_type3A_698, %cond3A_699 : i32
      scf.if %cond3A_700 {
        %get3A_817 = arith.index_cast %add3A_695 : i32 to index
        %get3A_818 = tpu.vector_load %arg8[%get3A_817] {strides = array<i32>} : memref<528xi32, #tpu.memory_space<vmem>>, vector<16xi32>,
        %slice3A_819 = vector.extract_strided_slice %get3A_818 {offsets = [0], sizes = [1], strides = [1]} : vector<16xi32> to vector<1xi32>
        %squeeze3A_820 = vector.extract %slice3A_819[0] : i32 from vector<1xi32>
        %shift_right_logical3A_821 = arith.constant 7 : i32
        %shift_right_logical3A_822 = arith.shrui %squeeze3A_820, %shift_right_logical3A_821 : i32
        %shift_left3A_823 = arith.constant 7 : i32
        %shift_left3A_824 = arith.shli %shift_right_logical3A_822, %shift_left3A_823 : i32
        %multiple_of3A_825 = tpu.assume_multiple %shift_left3A_824, 128 : i32
        %dma_start3A_826 = arith.constant 5 : i32
        %dma_start3A_827 = arith.constant 0 : i32
        %dma_start3A_828 = arith.constant 0 : i32
        %dma_start3A_829 = tpu.memref_slice %arg9[%dma_start3A_826, %dma_start3A_827, %dma_start3A_828] : memref<8x32x128xf32, #tpu.memory_space<vmem>> -> memref<1x32x128xf32, #tpu.memory_space<vmem>>
        %dma_start3A_830 = tpu.memref_squeeze %dma_start3A_829 : memref<1x32x128xf32, #tpu.memory_space<vmem>> -> memref<32x128xf32, #tpu.memory_space<vmem>>
        %dma_start3A_831 = arith.constant 0 : i32
        %dma_start3A_832 = tpu.memref_slice %arg5[%dma_start3A_831, %multiple_of3A_825] : memref<32x1000000xf32, #tpu.memory_space<hbm>> -> memref<32x128xf32, #tpu.memory_space<hbm>>
        %dma_start3A_833 = arith.constant 0 : i32
        %dma_start3A_834 = arith.constant 0 : i32
        %dma_start3A_835 = tpu.memref_slice %arg9[%dma_start3A_826, %dma_start3A_833, %dma_start3A_834] : memref<8x32x128xf32, #tpu.memory_space<vmem>> -> memref<1x32x128xf32, #tpu.memory_space<vmem>>
        %dma_start3A_836 = tpu.memref_squeeze %dma_start3A_835 : memref<1x32x128xf32, #tpu.memory_space<vmem>> -> memref<32x128xf32, #tpu.memory_space<vmem>>
        %dma_start3A_837 = arith.constant 0 : i32
        %dma_start3A_838 = tpu.memref_slice %arg5[%dma_start3A_837, %multiple_of3A_825] : memref<32x1000000xf32, #tpu.memory_space<hbm>> -> memref<32x128xf32, #tpu.memory_space<hbm>>
        tpu.enqueue_dma source(%dma_start3A_838 : memref<32x128xf32, #tpu.memory_space<hbm>>) target(%dma_start3A_836 : memref<32x128xf32, #tpu.memory_space<vmem>>) target_semaphore(%arg16 : memref<!tpu.dma_semaphore, #tpu.memory_space<semaphore_mem>>)
      } else {
      }
      %mul3A_701 = arith.constant 8 : i32
      %mul3A_702 = arith.muli %scan3A_359, %mul3A_701 : i32
      %add3A_703 = arith.constant 6 : i32
      %add3A_704 = arith.addi %mul3A_702, %add3A_703 : i32
      %dma_wait3A_705 = arith.constant 6 : i32
      %dma_wait3A_706 = arith.constant 0 : i32
      %dma_wait3A_707 = arith.constant 0 : i32
      %dma_wait3A_708 = tpu.memref_slice %arg9[%dma_wait3A_705, %dma_wait3A_706, %dma_wait3A_707] : memref<8x32x128xf32, #tpu.memory_space<vmem>> -> memref<1x32x128xf32, #tpu.memory_space<vmem>>
      %dma_wait3A_709 = tpu.memref_squeeze %dma_wait3A_708 : memref<1x32x128xf32, #tpu.memory_space<vmem>> -> memref<32x128xf32, #tpu.memory_space<vmem>>
      %dma_wait3A_710 = arith.constant 0 : i32
      %dma_wait3A_711 = arith.constant 0 : i32
      %dma_wait3A_712 = tpu.memref_slice %arg5[%dma_wait3A_710, %dma_wait3A_711] : memref<32x1000000xf32, #tpu.memory_space<hbm>> -> memref<32x128xf32, #tpu.memory_space<hbm>>
      %dma_wait3A_713 = arith.constant 0 : i32
      %dma_wait3A_714 = arith.constant 0 : i32
      %dma_wait3A_715 = tpu.memref_slice %arg9[%dma_wait3A_705, %dma_wait3A_713, %dma_wait3A_714] : memref<8x32x128xf32, #tpu.memory_space<vmem>> -> memref<1x32x128xf32, #tpu.memory_space<vmem>>
      %dma_wait3A_716 = tpu.memref_squeeze %dma_wait3A_715 : memref<1x32x128xf32, #tpu.memory_space<vmem>> -> memref<32x128xf32, #tpu.memory_space<vmem>>
      %dma_wait3A_717 = arith.constant 0 : i32
      %dma_wait3A_718 = arith.constant 0 : i32
      %dma_wait3A_719 = tpu.memref_slice %arg5[%dma_wait3A_717, %dma_wait3A_718] : memref<32x1000000xf32, #tpu.memory_space<hbm>> -> memref<32x128xf32, #tpu.memory_space<hbm>>
      tpu.wait_dma2 semaphore(%arg17 : memref<!tpu.dma_semaphore, #tpu.memory_space<semaphore_mem>>) src(%dma_wait3A_719 : memref<32x128xf32, #tpu.memory_space<hbm>>) dst(%dma_wait3A_716 : memref<32x128xf32, #tpu.memory_space<vmem>>)
      %get3A_720 = arith.index_cast %add3A_704 : i32 to index
      %get3A_721 = tpu.vector_load %arg8[%get3A_720] {strides = array<i32>} : memref<528xi32, #tpu.memory_space<vmem>>, vector<16xi32>,
      %slice3A_722 = vector.extract_strided_slice %get3A_721 {offsets = [0], sizes = [1], strides = [1]} : vector<16xi32> to vector<1xi32>
      %squeeze3A_723 = vector.extract %slice3A_722[0] : i32 from vector<1xi32>
      %and3A_724 = arith.constant 127 : i32
      %and3A_725 = arith.andi %squeeze3A_723, %and3A_724 : i32
      %broadcast_in_dim3A_726 = vector.broadcast %and3A_725 : i32 to vector<16xi32>
      %broadcast_in_dim3A_727 = vector.broadcast %add3A_704 : i32 to vector<16xi32>
      %add3A_728 = arith.constant 0 : i32
      %add3A_729 = vector.broadcast %add3A_728 : i32 to vector<16xi32>
      %add3A_730 = arith.addi %iota3A, %add3A_729 : vector<16xi32>
      %gather3A_731 = arith.constant 6 : i32
      %gather3A_732 = arith.constant 0 : i32
      %gather3A_733 = arith.constant 0 : i32
      %gather3A_734 = tpu.memref_slice %arg9[%gather3A_731, %gather3A_732, %gather3A_733] : memref<8x32x128xf32, #tpu.memory_space<vmem>> -> memref<1x32x128xf32, #tpu.memory_space<vmem>>
      %gather3A_735 = tpu.memref_squeeze %gather3A_734 : memref<1x32x128xf32, #tpu.memory_space<vmem>> -> memref<32x128xf32, #tpu.memory_space<vmem>>
      %gather3A_736 = tpu.vector_load_idx %gather3A_735[%add3A_730, %broadcast_in_dim3A_726] : memref<32x128xf32, #tpu.memory_space<vmem>>[vector<16xi32>, vector<16xi32>], vector<16xf32>,
      %add3A_737 = arith.constant 32 : i32
      %add3A_738 = vector.broadcast %add3A_737 : i32 to vector<16xi32>
      %add3A_739 = arith.addi %add3A_730, %add3A_738 : vector<16xi32>
      tpu.vector_store_idx %arg10[%add3A_739, %broadcast_in_dim3A_727], %gather3A_736 : memref<64x512xf32, #tpu.memory_space<vmem>>[vector<16xi32>, vector<16xi32>], vector<16xf32>,
      %add3A_740 = arith.constant 16 : i32
      %add3A_741 = vector.broadcast %add3A_740 : i32 to vector<16xi32>
      %add3A_742 = arith.addi %iota3A, %add3A_741 : vector<16xi32>
      %gather3A_743 = arith.constant 6 : i32
      %gather3A_744 = arith.constant 0 : i32
      %gather3A_745 = arith.constant 0 : i32
      %gather3A_746 = tpu.memref_slice %arg9[%gather3A_743, %gather3A_744, %gather3A_745] : memref<8x32x128xf32, #tpu.memory_space<vmem>> -> memref<1x32x128xf32, #tpu.memory_space<vmem>>
      %gather3A_747 = tpu.memref_squeeze %gather3A_746 : memref<1x32x128xf32, #tpu.memory_space<vmem>> -> memref<32x128xf32, #tpu.memory_space<vmem>>
      %gather3A_748 = tpu.vector_load_idx %gather3A_747[%add3A_742, %broadcast_in_dim3A_726] : memref<32x128xf32, #tpu.memory_space<vmem>>[vector<16xi32>, vector<16xi32>], vector<16xf32>,
      %add3A_749 = arith.constant 32 : i32
      %add3A_750 = vector.broadcast %add3A_749 : i32 to vector<16xi32>
      %add3A_751 = arith.addi %add3A_742, %add3A_750 : vector<16xi32>
      tpu.vector_store_idx %arg10[%add3A_751, %broadcast_in_dim3A_727], %gather3A_748 : memref<64x512xf32, #tpu.memory_space<vmem>>[vector<16xi32>, vector<16xi32>], vector<16xf32>,
      %add3A_752 = arith.constant 8 : i32
      %add3A_753 = arith.addi %add3A_704, %add3A_752 : i32
      %lt3A_754 = arith.constant 512 : i32
      %lt3A_755 = arith.cmpi slt, %add3A_753, %lt3A_754 : i32
      %convert_element_type3A_756 = arith.extui %lt3A_755 : i1 to i32
      %cond3A_757 = arith.constant 0 : i32
      %cond3A_758 = arith.cmpi ne, %convert_element_type3A_756, %cond3A_757 : i32
      scf.if %cond3A_758 {
        %get3A_817 = arith.index_cast %add3A_753 : i32 to index
        %get3A_818 = tpu.vector_load %arg8[%get3A_817] {strides = array<i32>} : memref<528xi32, #tpu.memory_space<vmem>>, vector<16xi32>,
        %slice3A_819 = vector.extract_strided_slice %get3A_818 {offsets = [0], sizes = [1], strides = [1]} : vector<16xi32> to vector<1xi32>
        %squeeze3A_820 = vector.extract %slice3A_819[0] : i32 from vector<1xi32>
        %shift_right_logical3A_821 = arith.constant 7 : i32
        %shift_right_logical3A_822 = arith.shrui %squeeze3A_820, %shift_right_logical3A_821 : i32
        %shift_left3A_823 = arith.constant 7 : i32
        %shift_left3A_824 = arith.shli %shift_right_logical3A_822, %shift_left3A_823 : i32
        %multiple_of3A_825 = tpu.assume_multiple %shift_left3A_824, 128 : i32
        %dma_start3A_826 = arith.constant 6 : i32
        %dma_start3A_827 = arith.constant 0 : i32
        %dma_start3A_828 = arith.constant 0 : i32
        %dma_start3A_829 = tpu.memref_slice %arg9[%dma_start3A_826, %dma_start3A_827, %dma_start3A_828] : memref<8x32x128xf32, #tpu.memory_space<vmem>> -> memref<1x32x128xf32, #tpu.memory_space<vmem>>
        %dma_start3A_830 = tpu.memref_squeeze %dma_start3A_829 : memref<1x32x128xf32, #tpu.memory_space<vmem>> -> memref<32x128xf32, #tpu.memory_space<vmem>>
        %dma_start3A_831 = arith.constant 0 : i32
        %dma_start3A_832 = tpu.memref_slice %arg5[%dma_start3A_831, %multiple_of3A_825] : memref<32x1000000xf32, #tpu.memory_space<hbm>> -> memref<32x128xf32, #tpu.memory_space<hbm>>
        %dma_start3A_833 = arith.constant 0 : i32
        %dma_start3A_834 = arith.constant 0 : i32
        %dma_start3A_835 = tpu.memref_slice %arg9[%dma_start3A_826, %dma_start3A_833, %dma_start3A_834] : memref<8x32x128xf32, #tpu.memory_space<vmem>> -> memref<1x32x128xf32, #tpu.memory_space<vmem>>
        %dma_start3A_836 = tpu.memref_squeeze %dma_start3A_835 : memref<1x32x128xf32, #tpu.memory_space<vmem>> -> memref<32x128xf32, #tpu.memory_space<vmem>>
        %dma_start3A_837 = arith.constant 0 : i32
        %dma_start3A_838 = tpu.memref_slice %arg5[%dma_start3A_837, %multiple_of3A_825] : memref<32x1000000xf32, #tpu.memory_space<hbm>> -> memref<32x128xf32, #tpu.memory_space<hbm>>
        tpu.enqueue_dma source(%dma_start3A_838 : memref<32x128xf32, #tpu.memory_space<hbm>>) target(%dma_start3A_836 : memref<32x128xf32, #tpu.memory_space<vmem>>) target_semaphore(%arg17 : memref<!tpu.dma_semaphore, #tpu.memory_space<semaphore_mem>>)
      } else {
      }
      %mul3A_759 = arith.constant 8 : i32
      %mul3A_760 = arith.muli %scan3A_359, %mul3A_759 : i32
      %add3A_761 = arith.constant 7 : i32
      %add3A_762 = arith.addi %mul3A_760, %add3A_761 : i32
      %dma_wait3A_763 = arith.constant 7 : i32
      %dma_wait3A_764 = arith.constant 0 : i32
      %dma_wait3A_765 = arith.constant 0 : i32
      %dma_wait3A_766 = tpu.memref_slice %arg9[%dma_wait3A_763, %dma_wait3A_764, %dma_wait3A_765] : memref<8x32x128xf32, #tpu.memory_space<vmem>> -> memref<1x32x128xf32, #tpu.memory_space<vmem>>
      %dma_wait3A_767 = tpu.memref_squeeze %dma_wait3A_766 : memref<1x32x128xf32, #tpu.memory_space<vmem>> -> memref<32x128xf32, #tpu.memory_space<vmem>>
      %dma_wait3A_768 = arith.constant 0 : i32
      %dma_wait3A_769 = arith.constant 0 : i32
      %dma_wait3A_770 = tpu.memref_slice %arg5[%dma_wait3A_768, %dma_wait3A_769] : memref<32x1000000xf32, #tpu.memory_space<hbm>> -> memref<32x128xf32, #tpu.memory_space<hbm>>
      %dma_wait3A_771 = arith.constant 0 : i32
      %dma_wait3A_772 = arith.constant 0 : i32
      %dma_wait3A_773 = tpu.memref_slice %arg9[%dma_wait3A_763, %dma_wait3A_771, %dma_wait3A_772] : memref<8x32x128xf32, #tpu.memory_space<vmem>> -> memref<1x32x128xf32, #tpu.memory_space<vmem>>
      %dma_wait3A_774 = tpu.memref_squeeze %dma_wait3A_773 : memref<1x32x128xf32, #tpu.memory_space<vmem>> -> memref<32x128xf32, #tpu.memory_space<vmem>>
      %dma_wait3A_775 = arith.constant 0 : i32
      %dma_wait3A_776 = arith.constant 0 : i32
      %dma_wait3A_777 = tpu.memref_slice %arg5[%dma_wait3A_775, %dma_wait3A_776] : memref<32x1000000xf32, #tpu.memory_space<hbm>> -> memref<32x128xf32, #tpu.memory_space<hbm>>
      tpu.wait_dma2 semaphore(%arg18 : memref<!tpu.dma_semaphore, #tpu.memory_space<semaphore_mem>>) src(%dma_wait3A_777 : memref<32x128xf32, #tpu.memory_space<hbm>>) dst(%dma_wait3A_774 : memref<32x128xf32, #tpu.memory_space<vmem>>)
      %get3A_778 = arith.index_cast %add3A_762 : i32 to index
      %get3A_779 = tpu.vector_load %arg8[%get3A_778] {strides = array<i32>} : memref<528xi32, #tpu.memory_space<vmem>>, vector<16xi32>,
      %slice3A_780 = vector.extract_strided_slice %get3A_779 {offsets = [0], sizes = [1], strides = [1]} : vector<16xi32> to vector<1xi32>
      %squeeze3A_781 = vector.extract %slice3A_780[0] : i32 from vector<1xi32>
      %and3A_782 = arith.constant 127 : i32
      %and3A_783 = arith.andi %squeeze3A_781, %and3A_782 : i32
      %broadcast_in_dim3A_784 = vector.broadcast %and3A_783 : i32 to vector<16xi32>
      %broadcast_in_dim3A_785 = vector.broadcast %add3A_762 : i32 to vector<16xi32>
      %add3A_786 = arith.constant 0 : i32
      %add3A_787 = vector.broadcast %add3A_786 : i32 to vector<16xi32>
      %add3A_788 = arith.addi %iota3A, %add3A_787 : vector<16xi32>
      %gather3A_789 = arith.constant 7 : i32
      %gather3A_790 = arith.constant 0 : i32
      %gather3A_791 = arith.constant 0 : i32
      %gather3A_792 = tpu.memref_slice %arg9[%gather3A_789, %gather3A_790, %gather3A_791] : memref<8x32x128xf32, #tpu.memory_space<vmem>> -> memref<1x32x128xf32, #tpu.memory_space<vmem>>
      %gather3A_793 = tpu.memref_squeeze %gather3A_792 : memref<1x32x128xf32, #tpu.memory_space<vmem>> -> memref<32x128xf32, #tpu.memory_space<vmem>>
      %gather3A_794 = tpu.vector_load_idx %gather3A_793[%add3A_788, %broadcast_in_dim3A_784] : memref<32x128xf32, #tpu.memory_space<vmem>>[vector<16xi32>, vector<16xi32>], vector<16xf32>,
      %add3A_795 = arith.constant 32 : i32
      %add3A_796 = vector.broadcast %add3A_795 : i32 to vector<16xi32>
      %add3A_797 = arith.addi %add3A_788, %add3A_796 : vector<16xi32>
      tpu.vector_store_idx %arg10[%add3A_797, %broadcast_in_dim3A_785], %gather3A_794 : memref<64x512xf32, #tpu.memory_space<vmem>>[vector<16xi32>, vector<16xi32>], vector<16xf32>,
      %add3A_798 = arith.constant 16 : i32
      %add3A_799 = vector.broadcast %add3A_798 : i32 to vector<16xi32>
      %add3A_800 = arith.addi %iota3A, %add3A_799 : vector<16xi32>
      %gather3A_801 = arith.constant 7 : i32
      %gather3A_802 = arith.constant 0 : i32
      %gather3A_803 = arith.constant 0 : i32
      %gather3A_804 = tpu.memref_slice %arg9[%gather3A_801, %gather3A_802, %gather3A_803] : memref<8x32x128xf32, #tpu.memory_space<vmem>> -> memref<1x32x128xf32, #tpu.memory_space<vmem>>
      %gather3A_805 = tpu.memref_squeeze %gather3A_804 : memref<1x32x128xf32, #tpu.memory_space<vmem>> -> memref<32x128xf32, #tpu.memory_space<vmem>>
      %gather3A_806 = tpu.vector_load_idx %gather3A_805[%add3A_800, %broadcast_in_dim3A_784] : memref<32x128xf32, #tpu.memory_space<vmem>>[vector<16xi32>, vector<16xi32>], vector<16xf32>,
      %add3A_807 = arith.constant 32 : i32
      %add3A_808 = vector.broadcast %add3A_807 : i32 to vector<16xi32>
      %add3A_809 = arith.addi %add3A_800, %add3A_808 : vector<16xi32>
      tpu.vector_store_idx %arg10[%add3A_809, %broadcast_in_dim3A_785], %gather3A_806 : memref<64x512xf32, #tpu.memory_space<vmem>>[vector<16xi32>, vector<16xi32>], vector<16xf32>,
      %add3A_810 = arith.constant 8 : i32
      %add3A_811 = arith.addi %add3A_762, %add3A_810 : i32
      %lt3A_812 = arith.constant 512 : i32
      %lt3A_813 = arith.cmpi slt, %add3A_811, %lt3A_812 : i32
      %convert_element_type3A_814 = arith.extui %lt3A_813 : i1 to i32
      %cond3A_815 = arith.constant 0 : i32
      %cond3A_816 = arith.cmpi ne, %convert_element_type3A_814, %cond3A_815 : i32
      scf.if %cond3A_816 {
        %get3A_817 = arith.index_cast %add3A_811 : i32 to index
        %get3A_818 = tpu.vector_load %arg8[%get3A_817] {strides = array<i32>} : memref<528xi32, #tpu.memory_space<vmem>>, vector<16xi32>,
        %slice3A_819 = vector.extract_strided_slice %get3A_818 {offsets = [0], sizes = [1], strides = [1]} : vector<16xi32> to vector<1xi32>
        %squeeze3A_820 = vector.extract %slice3A_819[0] : i32 from vector<1xi32>
        %shift_right_logical3A_821 = arith.constant 7 : i32
        %shift_right_logical3A_822 = arith.shrui %squeeze3A_820, %shift_right_logical3A_821 : i32
        %shift_left3A_823 = arith.constant 7 : i32
        %shift_left3A_824 = arith.shli %shift_right_logical3A_822, %shift_left3A_823 : i32
        %multiple_of3A_825 = tpu.assume_multiple %shift_left3A_824, 128 : i32
        %dma_start3A_826 = arith.constant 7 : i32
        %dma_start3A_827 = arith.constant 0 : i32
        %dma_start3A_828 = arith.constant 0 : i32
        %dma_start3A_829 = tpu.memref_slice %arg9[%dma_start3A_826, %dma_start3A_827, %dma_start3A_828] : memref<8x32x128xf32, #tpu.memory_space<vmem>> -> memref<1x32x128xf32, #tpu.memory_space<vmem>>
        %dma_start3A_830 = tpu.memref_squeeze %dma_start3A_829 : memref<1x32x128xf32, #tpu.memory_space<vmem>> -> memref<32x128xf32, #tpu.memory_space<vmem>>
        %dma_start3A_831 = arith.constant 0 : i32
        %dma_start3A_832 = tpu.memref_slice %arg5[%dma_start3A_831, %multiple_of3A_825] : memref<32x1000000xf32, #tpu.memory_space<hbm>> -> memref<32x128xf32, #tpu.memory_space<hbm>>
        %dma_start3A_833 = arith.constant 0 : i32
        %dma_start3A_834 = arith.constant 0 : i32
        %dma_start3A_835 = tpu.memref_slice %arg9[%dma_start3A_826, %dma_start3A_833, %dma_start3A_834] : memref<8x32x128xf32, #tpu.memory_space<vmem>> -> memref<1x32x128xf32, #tpu.memory_space<vmem>>
        %dma_start3A_836 = tpu.memref_squeeze %dma_start3A_835 : memref<1x32x128xf32, #tpu.memory_space<vmem>> -> memref<32x128xf32, #tpu.memory_space<vmem>>
        %dma_start3A_837 = arith.constant 0 : i32
        %dma_start3A_838 = tpu.memref_slice %arg5[%dma_start3A_837, %multiple_of3A_825] : memref<32x1000000xf32, #tpu.memory_space<hbm>> -> memref<32x128xf32, #tpu.memory_space<hbm>>
        tpu.enqueue_dma source(%dma_start3A_838 : memref<32x128xf32, #tpu.memory_space<hbm>>) target(%dma_start3A_836 : memref<32x128xf32, #tpu.memory_space<vmem>>) target_semaphore(%arg18 : memref<!tpu.dma_semaphore, #tpu.memory_space<semaphore_mem>>)
      } else {
      }
    }
    %scan3A_358 = arith.constant 64 : i32
    "tpu.region"() ({
      %run_scoped3A = tpu.sem_alloc : memref<!tpu.dma_semaphore, #tpu.memory_space<semaphore_mem>>
      %dma_start3A_359 = arith.constant 0 : i32
      %dma_start3A_360 = tpu.memref_slice %arg6[%dma_start3A_359, %mul3A_2] : memref<64x16384xf32, #tpu.memory_space<hbm>> -> memref<64x512xf32, #tpu.memory_space<hbm>>
      %dma_start3A_361 = arith.constant 0 : i32
      %dma_start3A_362 = tpu.memref_slice %arg6[%dma_start3A_361, %mul3A_2] : memref<64x16384xf32, #tpu.memory_space<hbm>> -> memref<64x512xf32, #tpu.memory_space<hbm>>
      tpu.enqueue_dma source(%arg10 : memref<64x512xf32, #tpu.memory_space<vmem>>) target(%dma_start3A_362 : memref<64x512xf32, #tpu.memory_space<hbm>>) target_semaphore(%run_scoped3A : memref<!tpu.dma_semaphore, #tpu.memory_space<semaphore_mem>>)
      %dma_wait3A = arith.constant 0 : i32
      %dma_wait3A_363 = tpu.memref_slice %arg6[%dma_wait3A, %mul3A_2] : memref<64x16384xf32, #tpu.memory_space<hbm>> -> memref<64x512xf32, #tpu.memory_space<hbm>>
      %dma_wait3A_364 = arith.constant 0 : i32
      %dma_wait3A_365 = tpu.memref_slice %arg6[%dma_wait3A_364, %mul3A_2] : memref<64x16384xf32, #tpu.memory_space<hbm>> -> memref<64x512xf32, #tpu.memory_space<hbm>>
      tpu.wait_dma2 semaphore(%run_scoped3A : memref<!tpu.dma_semaphore, #tpu.memory_space<semaphore_mem>>) src(%arg10 : memref<64x512xf32, #tpu.memory_space<vmem>>) dst(%dma_wait3A_365 : memref<64x512xf32, #tpu.memory_space<hbm>>)
      tpu.yield
    }) : () -> ()
    return
  }
}

</mosaic_0001>

<sc_bundles>
// kernel: kernel.3.cloned.1.call-start
scs
__scs_entry_jumppad:
0x0: {  	(pc) =	sbr.rel $0x88, $3  }
0x1: {  	(tag) =	ssettag $0x0;
	lr =	simm.s32 $0x1  }
0x2: {  	[smem:$0x3F9D] =	sst lr;
	_ =	strace $0xD0000000  }
0x3: {  	_ = 	snop  }
0x4: {  	_ = 	snop  }
0x5: {  	_ = 	snop  }
0x6: {  	_ = 	snop  }
0x7: {  	_ = 	snop  }
__scs_overlays_trampoline_lowered:
0x8: {  	[smem:$0x3FAC] =	sst s0  }
0x9: {  	[smem:$0x3FAD] =	sst s1  }
0xa: {  	[smem:$0x3FAE] =	sst s2  }
0xb: {  	[smem:$0x3FAF] =	sst s3  }
0xc: {  	[smem:$0x3FB0] =	sst s4  }
0xd: {  	[smem:$0x3FB1] =	sst s5  }
0xe: {  	[smem:$0x3FB2] =	sst s6  }
0xf: {  	[smem:$0x3FB3] =	sst s7  }
0x10: {  	[smem:$0x3FB4] =	sst s8  }
0x11: {  	[smem:$0x3FB5] =	sst s9;
	s0 =	simm.s32 @!p0 $0x0  }
0x12: {  	s1 =	sld [smem:$0x3F9B];
	s0 =	simm.s32 @p0 $0x1  }
0x13: {  	[smem:$0x3FB6] =	sst s0;
	s0 =	simm.s32 @!p1 $0x0  }
0x14: {  	s2 =	sld [smem:$0x3F9A];
	s0 =	simm.s32 @p1 $0x1  }
0x15: {  	[smem:$0x3FB7] =	sst s0;
	s0 =	simm.s32 @!p2 $0x0  }
0x16: {  	s3 =	sld [smem:$0x3FDB];
	s0 =	simm.s32 @p2 $0x1  }
0x17: {  	s4 =	simm.s32 $0x1BF5;
	[smem:$0x3FB9] =	sst s0  }
0x18: {  	s0 =	sld [smem:$0x3F9C];
	_ =	swait.ge [sflag:s4], $0x0  }
0x19: {  	s7 =	sld [smem:$0x3F9D]  }
0x1a: {  	s8 =	sadd.s32 $0xFFFFE003, lr  }
0x1b: {  	s9 =	sadd.s32 $0xFFFFFEF7, lr;
	s5 =	simm.s32 $0xFFFFFFFF;
	p2 =	slt.u32 s8, $0xFFFFF086  }
0x1c: {  	p1 =	slt.u32 s9, $0xF7A;
	s5 =	simm.s32 @!p2 $0x0  }
0x1d: {  	s5 =	simm.s32 @p1 $0x1;
	p0 =	seq.s32 s7, s2  }
0x1e: {  	s7 =	smul.u32 @!p0 $0xF7A, s2;
	p2 =	seq.s32 @!p0 s5, $0x0  }
0x1f: {  	s9 =	smul.u32 $0xF7A, s1;
	s8 =	simm.s32 @!p0 $0x1BF5;
	p2 =	por !p2, p0  }
0x20: {  	[sflag:s8] =	ssyncset.s32 @!p0 $0xFFFFF086;
	s6 =	sadd.s32 @!p0 s3, s7;
	s7 =	simm.s32 @!p0 $0x108  }
0x21: {  	s3 =	sadd.s32 s3, s9;
	s6 =	sadd.s32 @!p0 $0x88, s6;
	s7 =	simm.s32 @p2 $0x1082  }
0x22: {  	[simem:s7], [sflag:s8] =	dma.local @!p0 [hbm:s6], $0xF7A  }
0x23: {  	s9 =	sor.u32 $0xD0000000, s2;
	s6 =	simm.s32 $0x108;
	_ =	swait.ge @!p0 [sflag:s8], $0x0  }
0x24: {  	s3 =	sadd.s32 $0x88, s3;
	s6 =	simm.s32 @!p1 $0x1082;
	[sflag:s4] =	ssyncset.s32 $0xFFFFF086  }
0x25: {  	[simem:s6], [sflag:s4] =	dma.local [hbm:s3], $0xF7A  }
0x26: {  	[smem:$0x3F9D] =	sst s1;
	(tag) =	ssettag s2;
	_ =	strace s9  }
0x27: {  	s1 =	sld [smem:$0x3FAD]  }
0x28: {  	s2 =	sld [smem:$0x3FAE]  }
0x29: {  	s4 =	sld [smem:$0x3FB0]  }
0x2a: {  	p0 =	seq.s32 s5, $0x0;
	s5 =	sld [smem:$0x3FB1]  }
0x2b: {  	s6 =	sld [smem:$0x3FB2]  }
0x2c: {  	s7 =	sld [smem:$0x3FB3]  }
0x2d: {  	s3 =	simm.s32 $0x108;
	s8 =	sld [smem:$0x3FB4]  }
0x2e: {  	s3 =	simm.s32 @!p0 $0x1082;
	s9 =	sld [smem:$0x3FB5]  }
0x2f: {  	lr =	sadd.s32 s0, s3;
	s0 =	sld [smem:$0x3FAC]  }
0x30: {  	s3 =	sld [smem:$0x3FAF]  }
0x31: {  	[smem:$0x3FB8] =	sst s10  }
0x32: {  	s10 =	sld [smem:$0x3FB6];
	_ =	sdelay $0x3  }
0x33: {  	p0 =	seq.s32 s10, $0x1;
	s10 =	sld [smem:$0x3FB8];
	_ =	sdelay $0x3  }
0x34: {  	[smem:$0x3FB8] =	sst s10  }
0x35: {  	s10 =	sld [smem:$0x3FB7];
	_ =	sdelay $0x3  }
0x36: {  	p1 =	seq.s32 s10, $0x1;
	s10 =	sld [smem:$0x3FB8];
	_ =	sdelay $0x3  }
0x37: {  	[smem:$0x3FB8] =	sst s10  }
0x38: {  	s10 =	sld [smem:$0x3FB9]  }
0x39: {  	_ = 	snop;
	(pc) =	sbr.ind lr, $3  }
0x3a: {  	_ = 	snop  }
0x3b: {  	_ = 	snop  }
0x3c: {  	p2 =	seq.s32 s10, $0x1;
	s10 =	sld [smem:$0x3FB8]  }
0x3d: {  	_ =	shalt  }
0x3e: {  	_ =	shalt  }
0x3f: {  	_ =	shalt  }
0x40: {  	_ =	shalt  }
0x41: {  	_ =	shalt  }
0x42: {  	_ =	shalt  }
0x43: {  	_ =	shalt  }
0x44: {  	_ =	shalt  }
0x45: {  	_ =	shalt  }
0x46: {  	_ =	shalt  }
0x47: {  	_ =	shalt  }
0x48: {  	_ =	shalt  }
0x49: {  	_ =	shalt  }
0x4a: {  	_ =	shalt  }
0x4b: {  	_ =	shalt  }
0x4c: {  	_ =	shalt  }
0x4d: {  	_ =	shalt  }
0x4e: {  	_ =	shalt  }
0x4f: {  	_ =	shalt  }
0x50: {  	_ =	shalt  }
0x51: {  	_ =	shalt  }
0x52: {  	_ =	shalt  }
0x53: {  	_ =	shalt  }
0x54: {  	_ =	shalt  }
0x55: {  	_ =	shalt  }
0x56: {  	_ =	shalt  }
0x57: {  	_ =	shalt  }
0x58: {  	_ =	shalt  }
0x59: {  	_ =	shalt  }
0x5a: {  	_ =	shalt  }
0x5b: {  	_ =	shalt  }
0x5c: {  	_ =	shalt  }
0x5d: {  	_ =	shalt  }
0x5e: {  	_ =	shalt  }
0x5f: {  	_ =	shalt  }
0x60: {  	_ =	shalt  }
0x61: {  	_ =	shalt  }
0x62: {  	_ =	shalt  }
0x63: {  	_ =	shalt  }
0x64: {  	_ =	shalt  }
0x65: {  	_ =	shalt  }
0x66: {  	_ =	shalt  }
0x67: {  	_ =	shalt  }
0x68: {  	_ =	shalt  }
0x69: {  	_ =	shalt  }
0x6a: {  	_ =	shalt  }
0x6b: {  	_ =	shalt  }
0x6c: {  	_ =	shalt  }
0x6d: {  	_ =	shalt  }
0x6e: {  	_ =	shalt  }
0x6f: {  	_ =	shalt  }
0x70: {  	_ =	shalt  }
0x71: {  	_ =	shalt  }
0x72: {  	_ =	shalt  }
0x73: {  	_ =	shalt  }
0x74: {  	_ =	shalt  }
0x75: {  	_ =	shalt  }
0x76: {  	_ =	shalt  }
0x77: {  	_ =	shalt  }
0x78: {  	_ =	shalt  }
0x79: {  	_ =	shalt  }
0x7a: {  	_ =	shalt  }
0x7b: {  	_ =	shalt  }
0x7c: {  	_ =	shalt  }
0x7d: {  	_ =	shalt  }
0x7e: {  	_ =	shalt  }
0x7f: {  	_ =	shalt  }
0x80: {  	_ =	shalt  }
0x81: {  	_ =	shalt  }
0x82: {  	_ =	shalt  }
0x83: {  	_ =	shalt  }
0x84: {  	_ =	shalt  }
0x85: {  	_ =	shalt  }
0x86: {  	_ =	shalt  }
0x87: {  	_ =	shalt  }
.Lfunc_end0:
.L_simem_size_0:
called_computation_lowered:
.L_overlay_start_0:
0x88: {  	s2 =	sld [smem:$0x3FD9]  }
0x89: {  	s3 =	sld [smem:$0x3FFE];
	_ =	sdelay $0x1  }
0x8a: {  	s1 =	srdreg.scid  }
0x8b: {  	s0 =	sand.u32 $0x1, s1  }
0x8c: {  	s18 =	sshll.u32 s0, $0xA;
	s2 =	sadd.s32 s3, s2  }
0x8d: {  	s2 =	sadd.s32 s2, s18  }
0x8e: {  	[smem:$0x3FC4] =	sst s2  }
0x8f: {  	_ = 	snop  }
0x90: {  	s2 =	sld [smem:$0x3FC9]  }
0x91: {  	s19 =	sld [smem:$0x3FC8]  }
0x92: {  	s4 =	sld [smem:$0x3FC7]  }
0x93: {  	s5 =	sld [smem:$0x3FC6]  }
0x94: {  	s6 =	sld [smem:$0x3FD0];
	(tm) =	ssettm $0x1  }
0x95: {  	s7 =	sld [smem:$0x3FFB];
	_ =	sdelay $0x3  }
0x96: {  	_ =	strace s7  }
0x97: {  	s7 =	sld [smem:$0x3FFC];
	_ =	sdelay $0x3  }
0x98: {  	_ =	strace s7  }
0x99: {  	s7 =	sld [smem:$0x3FFD];
	_ =	sdelay $0x3  }
0x9a: {  	_ =	strace s7  }
0x9b: {  	_ =	strace $0x8FFFFFFF  }
0x9c: {  	s20 =	sld [smem:$0x3FDB];
	_ =	sdelay $0x1  }
0x9d: {  	s8 =	simm.s32 $_scs_section_size  }
0x9e: {  	s9 =	simm.s32 $_size__tile_overlayer_lowered;
	s10 =	simm.s32 $_tile_overlayer_lowered  }
0x9f: {  	s23 =	simm.s32 $0x1BFF;
	s22 =	sshll.u32 s10, $0x1;
	s7 =	sadd.s32 s8, s20  }
0xa0: {  	s11 =	simm.s32 $0x0;
	s21 =	sshll.u32 s9, $0x1;
	s9 =	sadd.s32 s22, s7  }
0xa1: {  	[timem:s11], [sflag:s23] =	dma.local [hbm:s9], s21  }
0xa2: {  	_ =	swait.ge [sflag:s23], s21  }
0xa3: {  	s8 =	ssub.s32 $0x0, s21;
	[sflag:s23] =	ssyncset.done $0x0  }
0xa4: {  	[sflag:s23] =	ssyncadd.s32 s8;
	_ =	sdelay $0x1  }
0xa5: {  	s24 =	simm.s32 $0x1B8B  }
0xa6: {  	_ =	swait.ge [sflag:s24], $0x1  }
0xa7: {  	[sflag:s24] =	ssyncset.done $0x0  }
0xa8: {  	s25 =	simm.s32 $0x1B8E;
	[sflag:s24] =	ssyncadd.s32 $0xFFFFFFFF  }
0xa9: {  	s26 =	simm.s32 $execute0_lowered;
	[smem:$0x3FD2] =	sst s25  }
0xaa: {  	s8 =	sshll.u32 s26, $0x1;
	_ =	strace $0x80000046;
	[dreg:$0x1] =	wrdreg $0xFFFFFFFF  }
0xab: {  	s28 =	simm.s32 $_size_execute0_lowered;
	s7 =	sadd.s32 s7, s8;
	[dreg:$0x0] =	wrdreg $0x0  }
0xac: {  	s8 =	sshll.u32 s28, $0x1;
	[dreg:$0x2] =	wrdreg s7  }
0xad: {  	[dreg:$0x3] =	wrdreg s8  }
0xae: {  	[dreg:$0x4] =	wrdreg $0xC0  }
0xaf: {  	_ =	task [dreg:s11], $0x5FFFF  }
0xb0: {  	[dreg:$0x1] =	wrdreg $0xFFFFFFFF  }
0xb1: {  	[dreg:$0x0] =	wrdreg $0x60  }
0xb2: {  	[dreg:$0x2] =	wrdreg s2  }
0xb3: {  	[dreg:$0x3] =	wrdreg s19  }
0xb4: {  	[dreg:$0x4] =	wrdreg s4  }
0xb5: {  	[dreg:$0x5] =	wrdreg s5  }
0xb6: {  	[dreg:$0x6] =	wrdreg s6  }
0xb7: {  	[dreg:$0x7] =	wrdreg $0x9  }
0xb8: {  	_ =	task.clear_ibuf [dreg:s11], $0x8FFFF;
	_ =	strace $0x90000046  }
0xb9: {  	s29 =	simm.s32 $0x9;
	_ =	strace $0x80000048  }
0xba: {  	_ =	swait.ge [sflag:s29], $0x1  }
0xbb: {  	[sflag:s29] =	ssyncadd.s32 $0xFFFFFFFF  }
0xbc: {  	_ =	strace $0x90000048  }
0xbd: {  	_ =	sfence  }
0xbe: {  	s30 =	sld [smem:$0x0];
	_ =	sdelay $0x2  }
0xbf: {  	s31 =	sshll.u32 s1, $0xD;
	s1 =	sshrl.u32 s1, $0x2  }
0xc0: {  	s3 =	sand.u32 $0x4000, s31;
	s1 =	sadd.s32 s1, s30  }
0xc1: {  	s0 =	sor.u32 s3, s0;
	s1 =	sshll.u32 s1, $0x11  }
0xc2: {  	s0 =	sor.u32 s1, s0  }
0xc3: {  	s0 =	sadd.s32 $0x8F2B, s0  }
0xc4: {  	[sflag:s0] =	ssyncadd.remote.s32 $0x1  }
0xc5: {  	_ =	sfence.sel $0xFFFF  }
0xc6: {  	[dreg:$0x0] =	wrdreg $0xFFFFFFFF;
	(pc) =	sbr.abs _section_cstart, $3  }
0xc7: {  	[dreg:$0x1] =	wrdreg $0xFFFFFFFF  }
0xc8: {  	_ =	task.clear_ibuf [dreg:s11], $0x2FFFF;
	_ =	strace $0x9FFFFFFF  }
0xc9: {  	(tm) =	ssettm $0x7FFFFFFF  }
tec
execute0_lowered:
.L_overlay_start_1:
0x0: {  	(tag) =	ssettag $0x1  }
0x1: {  	v0 =	vimm.s32 $0x1380  }
0x2: {  	vm14 =	vcmask $0x300;
	vm13 =	vcmask $0x704;
	vm12 =	vcmask $0xB08  }
0x3: {  	vm11 =	vcmask $0xF0C;
	vm10 =	vcmask $0x1310;
	vm9 =	vcmask $0x1714  }
0x4: {  	vm8 =	vcmask $0x1B18;
	vm7 =	vcmask $0x1F1C;
	vm6 =	vcmask $0x2320  }
0x5: {  	vm5 =	vcmask $0x2724;
	vm4 =	vcmask $0x2B28;
	vm3 =	vcmask $0x2F2C  }
0x6: {  	v1 =	vlaneseq.u32;
	vm2 =	vcmask $0x3330;
	vm1 =	vcmask $0x3734  }
0x7: {  	vm0 =	vcmask $0x3B38;
	v3 =	vimm.s32 $0x3380;
	v4 =	vimm.s32 $0x5380  }
0x8: {  	v5 =	vimm.s32 $0x7380;
	v0 =	vsel vm14, $0x0, v0;
	v3 =	vsel vm14, $0x2000, v3  }
0x9: {  	v4 =	vsel vm14, $0x4000, v4;
	v5 =	vsel vm14, $0x6000, v5;
	v0 =	vsel vm13, $0x80, v0  }
0xa: {  	v3 =	vsel vm13, $0x2080, v3;
	v4 =	vsel vm13, $0x4080, v4;
	v5 =	vsel vm13, $0x6080, v5  }
0xb: {  	s2 =	rddreg [dreg:$0x0];
	v0 =	vsel vm12, $0x100, v0;
	v3 =	vsel vm12, $0x2100, v3;
	v4 =	vsel vm12, $0x4100, v4  }
0xc: {  	s3 =	rddreg [dreg:$0x1];
	v5 =	vsel vm12, $0x6100, v5;
	v0 =	vsel vm11, $0x180, v0;
	v3 =	vsel vm11, $0x2180, v3  }
0xd: {  	s0 =	rddreg [dreg:$0x2];
	v4 =	vsel vm11, $0x4180, v4;
	v5 =	vsel vm11, $0x6180, v5;
	v0 =	vsel vm10, $0x200, v0  }
0xe: {  	s1 =	rddreg [dreg:$0x3];
	s4 =	srdreg.scid;
	v3 =	vsel vm10, $0x2200, v3;
	v4 =	vsel vm10, $0x4200, v4;
	v5 =	vsel vm10, $0x6200, v5  }
0xf: {  	s7 =	rddreg [dreg:$0x4];
	s5 =	stileid.u32;
	v0 =	vsel vm9, $0x280, v0;
	v3 =	vsel vm9, $0x2280, v3;
	v4 =	vsel vm9, $0x4280, v4  }
0x10: {  	s9 =	simm.s32 $0x0;
	s11 =	simm.s32 $0x7A1400;
	s12 =	simm.s32 $0x400;
	v5 =	vsel vm9, $0x6280, v5;
	v0 =	vsel vm8, $0x300, v0;
	v3 =	vsel vm8, $0x2300, v3  }
0x11: {  	s13 =	simm.s32 $0x500;
	s14 =	simm.s32 $0x1500;
	s15 =	simm.s32 $0x2500;
	v4 =	vsel vm8, $0x4300, v4;
	v5 =	vsel vm8, $0x6300, v5;
	v0 =	vsel vm7, $0x380, v0  }
0x12: {  	s16 =	simm.s32 $0x3500;
	s17 =	simm.s32 $0x4500;
	s18 =	simm.s32 $0x5500;
	v3 =	vsel vm7, $0x2380, v3;
	v4 =	vsel vm7, $0x4380, v4;
	v5 =	vsel vm7, $0x6380, v5  }
0x13: {  	s19 =	simm.s32 $0x6500;
	s20 =	simm.s32 $0x7500;
	s21 =	simm.s32 $0x1;
	v0 =	vsel vm6, $0x1000, v0;
	v3 =	vsel vm6, $0x3000, v3;
	v4 =	vsel vm6, $0x5000, v4  }
0x14: {  	s22 =	simm.s32 $0x8500;
	s23 =	simm.s32 $0x2;
	s24 =	simm.s32 $0x3;
	v5 =	vsel vm6, $0x7000, v5;
	v0 =	vsel vm5, $0x1080, v0;
	v3 =	vsel vm5, $0x3080, v3  }
0x15: {  	s25 =	simm.s32 $0x4;
	s28 =	simm.s32 $0x6;
	s29 =	simm.s32 $0x7;
	v4 =	vsel vm5, $0x5080, v4;
	v5 =	vsel vm5, $0x7080, v5;
	v0 =	vsel vm4, $0x1100, v0  }
0x16: {  	s30 =	simm.s32 $0x8;
	s4 =	sand.u32 $0x1, s4;
	s5 =	sshll.u32 s5, $0xA;
	v3 =	vsel vm4, $0x3100, v3;
	v4 =	vsel vm4, $0x5100, v4;
	v5 =	vsel vm4, $0x7100, v5  }
0x17: {  	[smem:$0x7FF] =	sst s9;
	s6 =	sshll.u32 s4, $0x9;
	s4 =	ssub.s32 $0x2, s4;
	v2 =	vsel vm3, $0x1180, v0;
	v0 =	vmul.u32 $0x80, v1;
	v3 =	vsel vm3, $0x3180, v3  }
.Ltmp0:
0x18: {  	s8 =	sor.u32 s6, s5;
	s26 =	sshrl.u32 s4, $0x1;
	v4 =	vsel vm3, $0x5180, v4;
	v5 =	vsel vm3, $0x7180, v5;
	v1 =	vsel vm2, $0x1200, v2;
	(pc) =	sbr.rel .LBB2_1-.Ltmp0, $4  }
0x19: {  	_ =	strace $0x80000047;
	s6 =	sshrl.u32 s8, $0x3;
	s4 =	ssub.s32 s4, s26;
	v3 =	vsel vm2, $0x3200, v3;
	v4 =	vsel vm2, $0x5200, v4;
	v5 =	vsel vm2, $0x7200, v5  }
0x1a: {  	s7 =	sadd.s32 s7, s8;
	s8 =	simm.s32 $0x9;
	s2 =	sadd.s32 s2, s6;
	v1 =	vsel vm1, $0x1280, v1;
	v2 =	vor.u32 $0x800, v0;
	v3 =	vsel vm1, $0x3280, v3  }
0x1b: {  	s26 =	simm.s32 $0x5;
	s31 =	sadd.s32 s3, s6;
	[dreg:$0x6] =	wrdreg s2;
	v4 =	vsel vm1, $0x5280, v4;
	v5 =	vsel vm1, $0x7280, v5;
	v1 =	vsel vm0, $0x1300, v1  }
0x1c: {  	s9 =	smax.u32 s4, $0x1;
	[dreg:$0x7] =	wrdreg s31;
	s2 =	simm.s32 $0x0;
	v3 =	vsel vm0, $0x3300, v3;
	v4 =	vsel vm0, $0x5300, v4;
	v5 =	vsel vm0, $0x7300, v5  }
.LBB2_7:
0x1d: {  	s2 =	sadd.s32 $0x1, s2  }
0x1e: {  	p0 =	sne.s32 s2, s9  }
.Ltmp1:
0x1f: {  	s3 =	simm.s32 $0x1000;
	s4 =	simm.s32 $0x20000;
	(pc) =	sbr.rel @!p0 .LBB2_8-.Ltmp1, $4  }
0x20: {  	[hbm4b:s7+s3] =	stream.strided.scatter [tilespmem:s22], [sflag:$0x9], $0x8000, s4, s3, $0x38;
	[tilespmem:$0x10500] =	vst v63  }
0x21: {  	_ =	swait.ge [sflag:s8], $0x8000  }
0x22: {  	[sflag:s8] =	ssyncset.done $0x0  }
0x23: {  	[sflag:s8] =	ssyncadd.s32 $0xFFFF8000  }
.LBB2_1:
0x24: {  	s3 =	simm.s32 $0x0;
	s4 =	rddreg [dreg:$0x6]  }
0x25: {  	[tilespmem:s3], [sflag:$0x9] =	stream.linear.gather [hbm4b:s4+s3], $0x200, $0x38;
	[tilespmem:$0x10500] =	vst v63  }
0x26: {  	_ =	swait.ge [sflag:s8], $0x200  }
0x27: {  	[sflag:s8] =	ssyncset.done $0x0  }
0x28: {  	s5 =	simm.s32 $0x280;
	s10 =	rddreg [dreg:$0x7];
	[sflag:s8] =	ssyncadd.s32 $0xFFFFFE00  }
0x29: {  	[tilespmem:s5], [sflag:$0x9] =	stream.linear.gather [hbm4b:s10+s3], $0x200, $0x38;
	[tilespmem:$0x10500] =	vst v63  }
0x2a: {  	_ =	swait.ge [sflag:s8], $0x200  }
0x2b: {  	[sflag:s8] =	ssyncset.done $0x0  }
0x2c: {  	[sflag:s8] =	ssyncadd.s32 $0xFFFFFE00  }
0x2d: {  	v6 =	vld [tilespmem:$0x0];
	_ =	sdelay $0x4  }
0x2e: {  	(v2sf) =	vpush v6, $0x0;
	_ =	sdelay $0xe  }
0x2f: {  	s4 =	spop (v2sf)  }
0x30: {  	s3 =	sand.u32 $0xFFFFF80, s4  }
0x31: {  	s3 =	sadd.s32 s0, s3  }
0x32: {  	[tilespmem:s13], [sflag:$0x1] =	stream.strided.gather [hbm4b:s3+s12], $0x1000, s11, s12, $0x38;
	[tilespmem:$0x10500] =	vst v63  }
0x33: {  	v6 =	vld [tilespmem:$0x1];
	_ =	sdelay $0x4  }
0x34: {  	(v2sf) =	vpush v6, $0x0;
	_ =	sdelay $0xe  }
0x35: {  	s5 =	spop (v2sf)  }
0x36: {  	s3 =	sand.u32 $0xFFFFF80, s5  }
0x37: {  	s3 =	sadd.s32 s0, s3  }
0x38: {  	[tilespmem:s14], [sflag:$0x2] =	stream.strided.gather [hbm4b:s3+s12], $0x1000, s11, s12, $0x38;
	[tilespmem:$0x10500] =	vst v63  }
0x39: {  	v6 =	vld [tilespmem:$0x2];
	_ =	sdelay $0x4  }
0x3a: {  	(v2sf) =	vpush v6, $0x0;
	_ =	sdelay $0xe  }
0x3b: {  	s6 =	spop (v2sf)  }
0x3c: {  	s3 =	sand.u32 $0xFFFFF80, s6  }
0x3d: {  	s3 =	sadd.s32 s0, s3  }
0x3e: {  	[tilespmem:s15], [sflag:$0x3] =	stream.strided.gather [hbm4b:s3+s12], $0x1000, s11, s12, $0x38;
	[tilespmem:$0x10500] =	vst v63  }
0x3f: {  	v6 =	vld [tilespmem:$0x3];
	_ =	sdelay $0x4  }
0x40: {  	(v2sf) =	vpush v6, $0x0;
	_ =	sdelay $0xe  }
0x41: {  	s10 =	spop (v2sf)  }
0x42: {  	s3 =	sand.u32 $0xFFFFF80, s10  }
0x43: {  	s3 =	sadd.s32 s0, s3  }
0x44: {  	[tilespmem:s16], [sflag:$0x4] =	stream.strided.gather [hbm4b:s3+s12], $0x1000, s11, s12, $0x38;
	[tilespmem:$0x10500] =	vst v63  }
0x45: {  	v6 =	vld [tilespmem:$0x4];
	_ =	sdelay $0x4  }
0x46: {  	(v2sf) =	vpush v6, $0x0;
	_ =	sdelay $0xe  }
0x47: {  	s4 =	spop (v2sf)  }
0x48: {  	s3 =	sand.u32 $0xFFFFF80, s4  }
0x49: {  	s3 =	sadd.s32 s0, s3  }
0x4a: {  	[tilespmem:s17], [sflag:$0x5] =	stream.strided.gather [hbm4b:s3+s12], $0x1000, s11, s12, $0x38;
	[tilespmem:$0x10500] =	vst v63  }
0x4b: {  	v6 =	vld [tilespmem:$0x5];
	_ =	sdelay $0x4  }
0x4c: {  	(v2sf) =	vpush v6, $0x0;
	_ =	sdelay $0xe  }
0x4d: {  	s5 =	spop (v2sf)  }
0x4e: {  	s3 =	sand.u32 $0xFFFFF80, s5  }
0x4f: {  	s3 =	sadd.s32 s0, s3  }
0x50: {  	[tilespmem:s18], [sflag:$0x6] =	stream.strided.gather [hbm4b:s3+s12], $0x1000, s11, s12, $0x38;
	[tilespmem:$0x10500] =	vst v63  }
0x51: {  	v6 =	vld [tilespmem:$0x6];
	_ =	sdelay $0x4  }
0x52: {  	(v2sf) =	vpush v6, $0x0;
	_ =	sdelay $0xe  }
0x53: {  	s6 =	spop (v2sf)  }
0x54: {  	s3 =	sand.u32 $0xFFFFF80, s6  }
0x55: {  	s3 =	sadd.s32 s0, s3  }
0x56: {  	[tilespmem:s19], [sflag:$0x7] =	stream.strided.gather [hbm4b:s3+s12], $0x1000, s11, s12, $0x38;
	[tilespmem:$0x10500] =	vst v63  }
0x57: {  	v6 =	vld [tilespmem:$0x7];
	_ =	sdelay $0x4  }
0x58: {  	(v2sf) =	vpush v6, $0x0;
	_ =	sdelay $0xe  }
0x59: {  	s10 =	spop (v2sf)  }
0x5a: {  	s3 =	sand.u32 $0xFFFFF80, s10  }
0x5b: {  	s31 =	simm.s32 $0x7;
	s10 =	simm.s32 $0x8;
	s3 =	sadd.s32 s0, s3  }
0x5c: {  	[tilespmem:s20], [sflag:$0x8] =	stream.strided.gather [hbm4b:s3+s12], $0x1000, s11, s12, $0x38;
	[tilespmem:$0x10500] =	vst v63  }
.LBB2_2:
0x5d: {  	_ =	swait.ge [sflag:s21], $0x1000  }
0x5e: {  	[sflag:s21] =	ssyncset.done $0x0  }
0x5f: {  	[sflag:s21] =	ssyncadd.s32 $0xFFFFF000  }
0x60: {  	v6 =	vld [tilespmem:s10+$0xFFFFFFF8];
	_ =	sdelay $0x4  }
0x61: {  	(v2sf) =	vpush v6, $0x0;
	_ =	sdelay $0xe  }
0x62: {  	s3 =	spop (v2sf)  }
0x63: {  	s3 =	sand.u32 $0x7F, s3  }
0x64: {  	s4 =	sadd.s32 $0xFFFFFFF9, s31;
	v6 =	vor.u32 s3, v0  }
0x65: {  	v7 =	vmov s4  }
0x66: {  	v8 =	vshll.u32 v7, $0x3  }
0x67: {  	v7 =	vand.u32 $0x78, v7;
	v8 =	vand.u32 $0xC00, v8  }
0x68: {  	v7 =	vor.u32 v7, v8  }
0x69: {  	v8 =	vor.u32 v1, v7;
	v6 =	vld.idx.msk [tilespmem:v6+s13+$0x0], $0xffff  }
0x6a: {  	v9 =	vor.u32 s3, v2;
	_ =	sdelay $0x3  }
0x6b: {  	[tilespmem:v8+s22+$0x0] =	vst.idx.msk $0xffff, v6  }
0x6c: {  	v7 =	vor.u32 v3, v7;
	v6 =	vld.idx.msk [tilespmem:v9+s13+$0x0], $0xffff;
	_ =	sdelay $0x4  }
0x6d: {  	p0 =	seq.s32 s31, $0x1FF;
	[tilespmem:v7+s22+$0x0] =	vst.idx.msk $0xffff, v6  }
0x6e: {  	v6 =	vld @!p0 [tilespmem:s10+$0x0];
	_ =	sdelay $0x4  }
0x6f: {  	(v2sf) =	vpush @!p0 v6, $0x0;
	_ =	sdelay $0xe  }
0x70: {  	s3 =	spop @!p0 (v2sf)  }
0x71: {  	s4 =	simm.s32 @!p0 $0x7A1400;
	s3 =	sand.u32 @!p0 $0xFFFFF80, s3  }
0x72: {  	s6 =	simm.s32 @!p0 $0x500;
	s5 =	sadd.s32 @!p0 s0, s3;
	s3 =	simm.s32 @!p0 $0x400  }
0x73: {  	[tilespmem:s6], [sflag:$0x1] =	stream.strided.gather @!p0 [hbm4b:s5+s3], $0x1000, s4, s3, $0x38;
	[tilespmem:$0x10500] =	vst v63  }
0x74: {  	_ =	swait.ge [sflag:s23], $0x1000  }
0x75: {  	[sflag:s23] =	ssyncset.done $0x0  }
0x76: {  	[sflag:s23] =	ssyncadd.s32 $0xFFFFF000  }
0x77: {  	v6 =	vld [tilespmem:s10+$0xFFFFFFF9];
	_ =	sdelay $0x4  }
0x78: {  	(v2sf) =	vpush v6, $0x0;
	_ =	sdelay $0xe  }
0x79: {  	s6 =	spop (v2sf)  }
0x7a: {  	s5 =	sand.u32 $0x7F, s6  }
0x7b: {  	s6 =	sadd.s32 $0xFFFFFFFA, s31;
	v6 =	vor.u32 s5, v0  }
0x7c: {  	v7 =	vmov s6  }
0x7d: {  	v50 =	vshll.u32 v7, $0x3  }
0x7e: {  	v7 =	vand.u32 $0x79, v7;
	v8 =	vand.u32 $0xC00, v50  }
0x7f: {  	v7 =	vor.u32 v7, v8  }
0x80: {  	v8 =	vor.u32 v1, v7;
	v6 =	vld.idx.msk [tilespmem:v6+s14+$0x0], $0xffff  }
0x81: {  	v51 =	vor.u32 s5, v2;
	_ =	sdelay $0x3  }
0x82: {  	[tilespmem:v8+s22+$0x0] =	vst.idx.msk $0xffff, v6  }
0x83: {  	v7 =	vor.u32 v3, v7;
	v6 =	vld.idx.msk [tilespmem:v51+s14+$0x0], $0xffff;
	_ =	sdelay $0x4  }
0x84: {  	[tilespmem:v7+s22+$0x0] =	vst.idx.msk $0xffff, v6  }
0x85: {  	v6 =	vld @!p0 [tilespmem:s10+$0x1];
	_ =	sdelay $0x4  }
0x86: {  	(v2sf) =	vpush @!p0 v6, $0x0;
	_ =	sdelay $0xe  }
0x87: {  	s5 =	spop @!p0 (v2sf)  }
0x88: {  	s5 =	sand.u32 @!p0 $0xFFFFF80, s5  }
0x89: {  	s6 =	simm.s32 @!p0 $0x1500;
	s5 =	sadd.s32 @!p0 s0, s5  }
0x8a: {  	[tilespmem:s6], [sflag:$0x2] =	stream.strided.gather @!p0 [hbm4b:s5+s3], $0x1000, s4, s3, $0x38;
	[tilespmem:$0x10500] =	vst v63  }
0x8b: {  	_ =	swait.ge [sflag:s24], $0x1000  }
0x8c: {  	[sflag:s24] =	ssyncset.done $0x0  }
0x8d: {  	[sflag:s24] =	ssyncadd.s32 $0xFFFFF000  }
0x8e: {  	v6 =	vld [tilespmem:s10+$0xFFFFFFFA];
	_ =	sdelay $0x4  }
0x8f: {  	(v2sf) =	vpush v6, $0x0;
	_ =	sdelay $0xe  }
0x90: {  	s6 =	spop (v2sf)  }
0x91: {  	s5 =	sand.u32 $0x7F, s6  }
0x92: {  	s6 =	sadd.s32 $0xFFFFFFFB, s31;
	v6 =	vor.u32 s5, v0  }
0x93: {  	v7 =	vmov s6  }
0x94: {  	v52 =	vshll.u32 v7, $0x3  }
0x95: {  	v7 =	vand.u32 $0x7A, v7;
	v8 =	vand.u32 $0xC00, v52  }
0x96: {  	v7 =	vor.u32 v7, v8  }
0x97: {  	v8 =	vor.u32 v1, v7;
	v6 =	vld.idx.msk [tilespmem:v6+s15+$0x0], $0xffff  }
0x98: {  	v53 =	vor.u32 s5, v2;
	_ =	sdelay $0x3  }
0x99: {  	[tilespmem:v8+s22+$0x0] =	vst.idx.msk $0xffff, v6  }
0x9a: {  	v7 =	vor.u32 v3, v7;
	v6 =	vld.idx.msk [tilespmem:v53+s15+$0x0], $0xffff;
	_ =	sdelay $0x4  }
0x9b: {  	[tilespmem:v7+s22+$0x0] =	vst.idx.msk $0xffff, v6  }
0x9c: {  	v6 =	vld @!p0 [tilespmem:s10+$0x2];
	_ =	sdelay $0x4  }
0x9d: {  	(v2sf) =	vpush @!p0 v6, $0x0;
	_ =	sdelay $0xe  }
0x9e: {  	s5 =	spop @!p0 (v2sf)  }
0x9f: {  	s5 =	sand.u32 @!p0 $0xFFFFF80, s5  }
0xa0: {  	s6 =	simm.s32 @!p0 $0x2500;
	s5 =	sadd.s32 @!p0 s0, s5  }
0xa1: {  	[tilespmem:s6], [sflag:$0x3] =	stream.strided.gather @!p0 [hbm4b:s5+s3], $0x1000, s4, s3, $0x38;
	[tilespmem:$0x10500] =	vst v63  }
0xa2: {  	_ =	swait.ge [sflag:s25], $0x1000  }
0xa3: {  	[sflag:s25] =	ssyncset.done $0x0  }
0xa4: {  	[sflag:s25] =	ssyncadd.s32 $0xFFFFF000  }
0xa5: {  	v6 =	vld [tilespmem:s10+$0xFFFFFFFB];
	_ =	sdelay $0x4  }
0xa6: {  	(v2sf) =	vpush v6, $0x0;
	_ =	sdelay $0xe  }
0xa7: {  	s6 =	spop (v2sf)  }
0xa8: {  	s5 =	sand.u32 $0x7F, s6  }
0xa9: {  	s6 =	sadd.s32 $0xFFFFFFFC, s31;
	v6 =	vor.u32 s5, v0  }
0xaa: {  	v7 =	vmov s6  }
0xab: {  	v54 =	vshll.u32 v7, $0x3  }
0xac: {  	v7 =	vand.u32 $0x7B, v7;
	v8 =	vand.u32 $0xC00, v54  }
0xad: {  	v7 =	vor.u32 v7, v8  }
0xae: {  	v8 =	vor.u32 v1, v7;
	v6 =	vld.idx.msk [tilespmem:v6+s16+$0x0], $0xffff  }
0xaf: {  	v55 =	vor.u32 s5, v2;
	_ =	sdelay $0x3  }
0xb0: {  	[tilespmem:v8+s22+$0x0] =	vst.idx.msk $0xffff, v6  }
0xb1: {  	v7 =	vor.u32 v3, v7;
	v6 =	vld.idx.msk [tilespmem:v55+s16+$0x0], $0xffff;
	_ =	sdelay $0x4  }
0xb2: {  	[tilespmem:v7+s22+$0x0] =	vst.idx.msk $0xffff, v6  }
0xb3: {  	v6 =	vld @!p0 [tilespmem:s10+$0x3];
	_ =	sdelay $0x4  }
0xb4: {  	(v2sf) =	vpush @!p0 v6, $0x0;
	_ =	sdelay $0xe  }
0xb5: {  	s5 =	spop @!p0 (v2sf)  }
0xb6: {  	s5 =	sand.u32 @!p0 $0xFFFFF80, s5  }
0xb7: {  	s6 =	simm.s32 @!p0 $0x3500;
	s5 =	sadd.s32 @!p0 s0, s5  }
0xb8: {  	[tilespmem:s6], [sflag:$0x4] =	stream.strided.gather @!p0 [hbm4b:s5+s3], $0x1000, s4, s3, $0x38;
	[tilespmem:$0x10500] =	vst v63  }
0xb9: {  	_ =	swait.ge [sflag:s26], $0x1000  }
0xba: {  	[sflag:s26] =	ssyncset.done $0x0  }
0xbb: {  	[sflag:s26] =	ssyncadd.s32 $0xFFFFF000  }
0xbc: {  	v6 =	vld [tilespmem:s10+$0xFFFFFFFC];
	_ =	sdelay $0x4  }
0xbd: {  	(v2sf) =	vpush v6, $0x0;
	_ =	sdelay $0xe  }
0xbe: {  	s6 =	spop (v2sf)  }
0xbf: {  	s5 =	sand.u32 $0x7F, s6  }
0xc0: {  	s6 =	sadd.s32 $0xFFFFFFFD, s31;
	v6 =	vor.u32 s5, v0  }
0xc1: {  	v7 =	vmov s6  }
0xc2: {  	v56 =	vshll.u32 v7, $0x3  }
0xc3: {  	v7 =	vand.u32 $0x7C, v7;
	v8 =	vand.u32 $0xC00, v56  }
0xc4: {  	v7 =	vor.u32 v7, v8  }
0xc5: {  	v8 =	vor.u32 v1, v7;
	v6 =	vld.idx.msk [tilespmem:v6+s17+$0x0], $0xffff  }
0xc6: {  	v57 =	vor.u32 s5, v2;
	_ =	sdelay $0x3  }
0xc7: {  	[tilespmem:v8+s22+$0x0] =	vst.idx.msk $0xffff, v6  }
0xc8: {  	v7 =	vor.u32 v3, v7;
	v6 =	vld.idx.msk [tilespmem:v57+s17+$0x0], $0xffff;
	_ =	sdelay $0x4  }
0xc9: {  	[tilespmem:v7+s22+$0x0] =	vst.idx.msk $0xffff, v6  }
0xca: {  	v6 =	vld @!p0 [tilespmem:s10+$0x4];
	_ =	sdelay $0x4  }
0xcb: {  	(v2sf) =	vpush @!p0 v6, $0x0;
	_ =	sdelay $0xe  }
0xcc: {  	s5 =	spop @!p0 (v2sf)  }
0xcd: {  	s5 =	sand.u32 @!p0 $0xFFFFF80, s5  }
0xce: {  	s6 =	simm.s32 @!p0 $0x4500;
	s5 =	sadd.s32 @!p0 s0, s5  }
0xcf: {  	[tilespmem:s6], [sflag:$0x5] =	stream.strided.gather @!p0 [hbm4b:s5+s3], $0x1000, s4, s3, $0x38;
	[tilespmem:$0x10500] =	vst v63  }
0xd0: {  	_ =	swait.ge [sflag:s28], $0x1000  }
0xd1: {  	[sflag:s28] =	ssyncset.done $0x0  }
0xd2: {  	[sflag:s28] =	ssyncadd.s32 $0xFFFFF000  }
0xd3: {  	v6 =	vld [tilespmem:s10+$0xFFFFFFFD];
	_ =	sdelay $0x4  }
0xd4: {  	(v2sf) =	vpush v6, $0x0;
	_ =	sdelay $0xe  }
0xd5: {  	s6 =	spop (v2sf)  }
0xd6: {  	s5 =	sand.u32 $0x7F, s6  }
0xd7: {  	s6 =	sadd.s32 $0xFFFFFFFE, s31;
	v6 =	vor.u32 s5, v0  }
0xd8: {  	v7 =	vmov s6  }
0xd9: {  	v58 =	vshll.u32 v7, $0x3  }
0xda: {  	v7 =	vand.u32 $0x7D, v7;
	v8 =	vand.u32 $0xC00, v58  }
0xdb: {  	v7 =	vor.u32 v7, v8  }
0xdc: {  	v8 =	vor.u32 v1, v7;
	v6 =	vld.idx.msk [tilespmem:v6+s18+$0x0], $0xffff  }
0xdd: {  	v59 =	vor.u32 s5, v2;
	_ =	sdelay $0x3  }
0xde: {  	[tilespmem:v8+s22+$0x0] =	vst.idx.msk $0xffff, v6  }
0xdf: {  	v7 =	vor.u32 v3, v7;
	v6 =	vld.idx.msk [tilespmem:v59+s18+$0x0], $0xffff;
	_ =	sdelay $0x4  }
0xe0: {  	[tilespmem:v7+s22+$0x0] =	vst.idx.msk $0xffff, v6  }
0xe1: {  	v6 =	vld @!p0 [tilespmem:s10+$0x5];
	_ =	sdelay $0x4  }
0xe2: {  	(v2sf) =	vpush @!p0 v6, $0x0;
	_ =	sdelay $0xe  }
0xe3: {  	s5 =	spop @!p0 (v2sf)  }
0xe4: {  	s5 =	sand.u32 @!p0 $0xFFFFF80, s5  }
0xe5: {  	s6 =	simm.s32 @!p0 $0x5500;
	s5 =	sadd.s32 @!p0 s0, s5  }
0xe6: {  	[tilespmem:s6], [sflag:$0x6] =	stream.strided.gather @!p0 [hbm4b:s5+s3], $0x1000, s4, s3, $0x38;
	[tilespmem:$0x10500] =	vst v63  }
0xe7: {  	_ =	swait.ge [sflag:s29], $0x1000  }
0xe8: {  	[sflag:s29] =	ssyncset.done $0x0  }
0xe9: {  	[sflag:s29] =	ssyncadd.s32 $0xFFFFF000  }
0xea: {  	v6 =	vld [tilespmem:s10+$0xFFFFFFFE];
	_ =	sdelay $0x4  }
0xeb: {  	(v2sf) =	vpush v6, $0x0;
	_ =	sdelay $0xe  }
0xec: {  	s6 =	spop (v2sf)  }
0xed: {  	s5 =	sand.u32 $0x7F, s6  }
0xee: {  	s6 =	sadd.s32 $0xFFFFFFFF, s31;
	v6 =	vor.u32 s5, v0  }
0xef: {  	v7 =	vmov s6  }
0xf0: {  	v60 =	vshll.u32 v7, $0x3  }
0xf1: {  	v7 =	vand.u32 $0x7E, v7;
	v8 =	vand.u32 $0xC00, v60  }
0xf2: {  	v7 =	vor.u32 v7, v8  }
0xf3: {  	v8 =	vor.u32 v1, v7;
	v6 =	vld.idx.msk [tilespmem:v6+s19+$0x0], $0xffff  }
0xf4: {  	v61 =	vor.u32 s5, v2;
	_ =	sdelay $0x3  }
0xf5: {  	[tilespmem:v8+s22+$0x0] =	vst.idx.msk $0xffff, v6  }
0xf6: {  	v7 =	vor.u32 v3, v7;
	v6 =	vld.idx.msk [tilespmem:v61+s19+$0x0], $0xffff;
	_ =	sdelay $0x4  }
0xf7: {  	[tilespmem:v7+s22+$0x0] =	vst.idx.msk $0xffff, v6  }
0xf8: {  	v6 =	vld @!p0 [tilespmem:s10+$0x6];
	_ =	sdelay $0x4  }
0xf9: {  	(v2sf) =	vpush @!p0 v6, $0x0;
	_ =	sdelay $0xe  }
0xfa: {  	s5 =	spop @!p0 (v2sf)  }
0xfb: {  	s5 =	sand.u32 @!p0 $0xFFFFF80, s5  }
0xfc: {  	s6 =	simm.s32 @!p0 $0x6500;
	s5 =	sadd.s32 @!p0 s0, s5  }
0xfd: {  	[tilespmem:s6], [sflag:$0x7] =	stream.strided.gather @!p0 [hbm4b:s5+s3], $0x1000, s4, s3, $0x38;
	[tilespmem:$0x10500] =	vst v63  }
0xfe: {  	_ =	swait.ge [sflag:s30], $0x1000  }
0xff: {  	[sflag:s30] =	ssyncset.done $0x0  }
0x100: {  	[sflag:s30] =	ssyncadd.s32 $0xFFFFF000  }
0x101: {  	v6 =	vld [tilespmem:s10+$0xFFFFFFFF];
	_ =	sdelay $0x4  }
0x102: {  	(v2sf) =	vpush v6, $0x0;
	_ =	sdelay $0xe  }
0x103: {  	s6 =	spop (v2sf)  }
0x104: {  	s3 =	sand.u32 $0x7F, s6  }
0x105: {  	v6 =	vor.u32 s3, v0  }
0x106: {  	v7 =	vmov s31  }
0x107: {  	v62 =	vshll.u32 v7, $0x3  }
0x108: {  	v7 =	vand.u32 $0x7F, v7;
	v8 =	vand.u32 $0xC00, v62  }
0x109: {  	v7 =	vor.u32 v7, v8  }
0x10a: {  	v8 =	vor.u32 v1, v7;
	v6 =	vld.idx.msk [tilespmem:v6+s20+$0x0], $0xffff  }
0x10b: {  	v63 =	vor.u32 s3, v2;
	_ =	sdelay $0x3  }
0x10c: {  	[tilespmem:v8+s22+$0x0] =	vst.idx.msk $0xffff, v6  }
0x10d: {  	v7 =	vor.u32 v3, v7;
	v6 =	vld.idx.msk [tilespmem:v63+s20+$0x0], $0xffff  }
.Ltmp2:
0x10e: {  	_ = 	snop;
	(pc) =	sbr.rel @p0 .LBB2_4-.Ltmp2, $2  }
0x10f: {  	_ =	sdelay $0x2  }
0x110: {  	[tilespmem:v7+s22+$0x0] =	vst.idx.msk $0xffff, v6  }
0x111: {  	v6 =	vld [tilespmem:s10+$0x7];
	_ =	sdelay $0x4  }
0x112: {  	(v2sf) =	vpush v6, $0x0;
	_ =	sdelay $0xd  }
.Ltmp3:
0x113: {  	_ = 	snop;
	(pc) =	sbr.rel .LBB2_2-.Ltmp3, $4  }
0x114: {  	s3 =	spop (v2sf)  }
0x115: {  	s3 =	sand.u32 $0xFFFFF80, s3  }
0x116: {  	s31 =	sadd.s32 $0x8, s31;
	s10 =	sadd.s32 $0x8, s10;
	s3 =	sadd.s32 s0, s3  }
0x117: {  	[tilespmem:s20], [sflag:$0x8] =	stream.strided.gather [hbm4b:s3+s12], $0x1000, s11, s12, $0x38;
	[tilespmem:$0x10500] =	vst v63  }
.LBB2_4:
0x118: {  	v6 =	vld [tilespmem:$0x280];
	_ =	sdelay $0x4  }
0x119: {  	(v2sf) =	vpush v6, $0x0;
	_ =	sdelay $0xe  }
0x11a: {  	s3 =	spop (v2sf)  }
0x11b: {  	s3 =	sand.u32 $0xFFFFF80, s3  }
0x11c: {  	s3 =	sadd.s32 s1, s3  }
0x11d: {  	[tilespmem:s13], [sflag:$0x1] =	stream.strided.gather [hbm4b:s3+s12], $0x1000, s11, s12, $0x38;
	[tilespmem:$0x10500] =	vst v63  }
0x11e: {  	v6 =	vld [tilespmem:$0x281];
	_ =	sdelay $0x4  }
0x11f: {  	(v2sf) =	vpush v6, $0x0;
	_ =	sdelay $0xe  }
0x120: {  	s5 =	spop (v2sf)  }
0x121: {  	s3 =	sand.u32 $0xFFFFF80, s5  }
0x122: {  	s3 =	sadd.s32 s1, s3  }
0x123: {  	[tilespmem:s14], [sflag:$0x2] =	stream.strided.gather [hbm4b:s3+s12], $0x1000, s11, s12, $0x38;
	[tilespmem:$0x10500] =	vst v63  }
0x124: {  	v6 =	vld [tilespmem:$0x282];
	_ =	sdelay $0x4  }
0x125: {  	(v2sf) =	vpush v6, $0x0;
	_ =	sdelay $0xe  }
0x126: {  	s6 =	spop (v2sf)  }
0x127: {  	s3 =	sand.u32 $0xFFFFF80, s6  }
0x128: {  	s3 =	sadd.s32 s1, s3  }
0x129: {  	[tilespmem:s15], [sflag:$0x3] =	stream.strided.gather [hbm4b:s3+s12], $0x1000, s11, s12, $0x38;
	[tilespmem:$0x10500] =	vst v63  }
0x12a: {  	v6 =	vld [tilespmem:$0x283];
	_ =	sdelay $0x4  }
0x12b: {  	(v2sf) =	vpush v6, $0x0;
	_ =	sdelay $0xe  }
0x12c: {  	s10 =	spop (v2sf)  }
0x12d: {  	s3 =	sand.u32 $0xFFFFF80, s10  }
0x12e: {  	s3 =	sadd.s32 s1, s3  }
0x12f: {  	[tilespmem:s16], [sflag:$0x4] =	stream.strided.gather [hbm4b:s3+s12], $0x1000, s11, s12, $0x38;
	[tilespmem:$0x10500] =	vst v63  }
0x130: {  	v6 =	vld [tilespmem:$0x284];
	_ =	sdelay $0x4  }
0x131: {  	(v2sf) =	vpush v6, $0x0;
	_ =	sdelay $0xe  }
0x132: {  	s4 =	spop (v2sf)  }
0x133: {  	s3 =	sand.u32 $0xFFFFF80, s4  }
0x134: {  	s3 =	sadd.s32 s1, s3  }
0x135: {  	[tilespmem:s17], [sflag:$0x5] =	stream.strided.gather [hbm4b:s3+s12], $0x1000, s11, s12, $0x38;
	[tilespmem:$0x10500] =	vst v63  }
0x136: {  	v6 =	vld [tilespmem:$0x285];
	_ =	sdelay $0x4  }
0x137: {  	(v2sf) =	vpush v6, $0x0;
	_ =	sdelay $0xe  }
0x138: {  	s5 =	spop (v2sf)  }
0x139: {  	s3 =	sand.u32 $0xFFFFF80, s5  }
0x13a: {  	s3 =	sadd.s32 s1, s3  }
0x13b: {  	[tilespmem:s18], [sflag:$0x6] =	stream.strided.gather [hbm4b:s3+s12], $0x1000, s11, s12, $0x38;
	[tilespmem:$0x10500] =	vst v63  }
0x13c: {  	v6 =	vld [tilespmem:$0x286];
	_ =	sdelay $0x4  }
0x13d: {  	(v2sf) =	vpush v6, $0x0;
	_ =	sdelay $0xe  }
0x13e: {  	s6 =	spop (v2sf)  }
0x13f: {  	s3 =	sand.u32 $0xFFFFF80, s6  }
0x140: {  	s3 =	sadd.s32 s1, s3  }
0x141: {  	[tilespmem:s19], [sflag:$0x7] =	stream.strided.gather [hbm4b:s3+s12], $0x1000, s11, s12, $0x38;
	[tilespmem:$0x10500] =	vst v63  }
0x142: {  	v6 =	vld [tilespmem:$0x287];
	_ =	sdelay $0x4  }
0x143: {  	(v2sf) =	vpush v6, $0x0;
	_ =	sdelay $0xe  }
0x144: {  	s10 =	spop (v2sf)  }
0x145: {  	s3 =	sand.u32 $0xFFFFF80, s10  }
0x146: {  	s31 =	simm.s32 $0x288;
	s10 =	simm.s32 $0x7;
	s3 =	sadd.s32 s1, s3  }
0x147: {  	[tilespmem:s20], [sflag:$0x8] =	stream.strided.gather [hbm4b:s3+s12], $0x1000, s11, s12, $0x38;
	[tilespmem:$0x10500] =	vst v63  }
.LBB2_5:
0x148: {  	_ =	swait.ge [sflag:s21], $0x1000  }
0x149: {  	[sflag:s21] =	ssyncset.done $0x0  }
0x14a: {  	[sflag:s21] =	ssyncadd.s32 $0xFFFFF000  }
0x14b: {  	v6 =	vld [tilespmem:s31+$0xFFFFFFF8];
	_ =	sdelay $0x4  }
0x14c: {  	(v2sf) =	vpush v6, $0x0;
	_ =	sdelay $0xe  }
0x14d: {  	s3 =	spop (v2sf)  }
0x14e: {  	s3 =	sand.u32 $0x7F, s3  }
0x14f: {  	s4 =	sadd.s32 $0xFFFFFFF9, s10;
	v6 =	vor.u32 s3, v0  }
0x150: {  	v7 =	vmov s4  }
0x151: {  	v8 =	vshll.u32 v7, $0x3  }
0x152: {  	v7 =	vand.u32 $0x78, v7;
	v8 =	vand.u32 $0xC00, v8  }
0x153: {  	v7 =	vor.u32 v7, v8  }
0x154: {  	v8 =	vor.u32 v4, v7;
	v6 =	vld.idx.msk [tilespmem:v6+s13+$0x0], $0xffff  }
0x155: {  	v9 =	vor.u32 s3, v2;
	_ =	sdelay $0x3  }
0x156: {  	[tilespmem:v8+s22+$0x0] =	vst.idx.msk $0xffff, v6  }
0x157: {  	v7 =	vor.u32 v5, v7;
	v6 =	vld.idx.msk [tilespmem:v9+s13+$0x0], $0xffff;
	_ =	sdelay $0x4  }
0x158: {  	p0 =	seq.s32 s10, $0x1FF;
	[tilespmem:v7+s22+$0x0] =	vst.idx.msk $0xffff, v6  }
0x159: {  	v6 =	vld @!p0 [tilespmem:s31+$0x0];
	_ =	sdelay $0x4  }
0x15a: {  	(v2sf) =	vpush @!p0 v6, $0x0;
	_ =	sdelay $0xe  }
0x15b: {  	s3 =	spop @!p0 (v2sf)  }
0x15c: {  	s4 =	simm.s32 @!p0 $0x7A1400;
	s3 =	sand.u32 @!p0 $0xFFFFF80, s3  }
0x15d: {  	s6 =	simm.s32 @!p0 $0x500;
	s5 =	sadd.s32 @!p0 s1, s3;
	s3 =	simm.s32 @!p0 $0x400  }
0x15e: {  	[tilespmem:s6], [sflag:$0x1] =	stream.strided.gather @!p0 [hbm4b:s5+s3], $0x1000, s4, s3, $0x38;
	[tilespmem:$0x10500] =	vst v63  }
0x15f: {  	_ =	swait.ge [sflag:s23], $0x1000  }
0x160: {  	[sflag:s23] =	ssyncset.done $0x0  }
0x161: {  	[sflag:s23] =	ssyncadd.s32 $0xFFFFF000  }
0x162: {  	v6 =	vld [tilespmem:s31+$0xFFFFFFF9];
	_ =	sdelay $0x4  }
0x163: {  	(v2sf) =	vpush v6, $0x0;
	_ =	sdelay $0xe  }
0x164: {  	s6 =	spop (v2sf)  }
0x165: {  	s5 =	sand.u32 $0x7F, s6  }
0x166: {  	s6 =	sadd.s32 $0xFFFFFFFA, s10;
	v6 =	vor.u32 s5, v0  }
0x167: {  	v7 =	vmov s6  }
0x168: {  	v50 =	vshll.u32 v7, $0x3  }
0x169: {  	v7 =	vand.u32 $0x79, v7;
	v8 =	vand.u32 $0xC00, v50  }
0x16a: {  	v7 =	vor.u32 v7, v8  }
0x16b: {  	v8 =	vor.u32 v4, v7;
	v6 =	vld.idx.msk [tilespmem:v6+s14+$0x0], $0xffff  }
0x16c: {  	v51 =	vor.u32 s5, v2;
	_ =	sdelay $0x3  }
0x16d: {  	[tilespmem:v8+s22+$0x0] =	vst.idx.msk $0xffff, v6  }
0x16e: {  	v7 =	vor.u32 v5, v7;
	v6 =	vld.idx.msk [tilespmem:v51+s14+$0x0], $0xffff;
	_ =	sdelay $0x4  }
0x16f: {  	[tilespmem:v7+s22+$0x0] =	vst.idx.msk $0xffff, v6  }
0x170: {  	v6 =	vld @!p0 [tilespmem:s31+$0x1];
	_ =	sdelay $0x4  }
0x171: {  	(v2sf) =	vpush @!p0 v6, $0x0;
	_ =	sdelay $0xe  }
0x172: {  	s5 =	spop @!p0 (v2sf)  }
0x173: {  	s5 =	sand.u32 @!p0 $0xFFFFF80, s5  }
0x174: {  	s6 =	simm.s32 @!p0 $0x1500;
	s5 =	sadd.s32 @!p0 s1, s5  }
0x175: {  	[tilespmem:s6], [sflag:$0x2] =	stream.strided.gather @!p0 [hbm4b:s5+s3], $0x1000, s4, s3, $0x38;
	[tilespmem:$0x10500] =	vst v63  }
0x176: {  	_ =	swait.ge [sflag:s24], $0x1000  }
0x177: {  	[sflag:s24] =	ssyncset.done $0x0  }
0x178: {  	[sflag:s24] =	ssyncadd.s32 $0xFFFFF000  }
0x179: {  	v6 =	vld [tilespmem:s31+$0xFFFFFFFA];
	_ =	sdelay $0x4  }
0x17a: {  	(v2sf) =	vpush v6, $0x0;
	_ =	sdelay $0xe  }
0x17b: {  	s6 =	spop (v2sf)  }
0x17c: {  	s5 =	sand.u32 $0x7F, s6  }
0x17d: {  	s6 =	sadd.s32 $0xFFFFFFFB, s10;
	v6 =	vor.u32 s5, v0  }
0x17e: {  	v7 =	vmov s6  }
0x17f: {  	v52 =	vshll.u32 v7, $0x3  }
0x180: {  	v7 =	vand.u32 $0x7A, v7;
	v8 =	vand.u32 $0xC00, v52  }
0x181: {  	v7 =	vor.u32 v7, v8  }
0x182: {  	v8 =	vor.u32 v4, v7;
	v6 =	vld.idx.msk [tilespmem:v6+s15+$0x0], $0xffff  }
0x183: {  	v53 =	vor.u32 s5, v2;
	_ =	sdelay $0x3  }
0x184: {  	[tilespmem:v8+s22+$0x0] =	vst.idx.msk $0xffff, v6  }
0x185: {  	v7 =	vor.u32 v5, v7;
	v6 =	vld.idx.msk [tilespmem:v53+s15+$0x0], $0xffff;
	_ =	sdelay $0x4  }
0x186: {  	[tilespmem:v7+s22+$0x0] =	vst.idx.msk $0xffff, v6  }
0x187: {  	v6 =	vld @!p0 [tilespmem:s31+$0x2];
	_ =	sdelay $0x4  }
0x188: {  	(v2sf) =	vpush @!p0 v6, $0x0;
	_ =	sdelay $0xe  }
0x189: {  	s5 =	spop @!p0 (v2sf)  }
0x18a: {  	s5 =	sand.u32 @!p0 $0xFFFFF80, s5  }
0x18b: {  	s6 =	simm.s32 @!p0 $0x2500;
	s5 =	sadd.s32 @!p0 s1, s5  }
0x18c: {  	[tilespmem:s6], [sflag:$0x3] =	stream.strided.gather @!p0 [hbm4b:s5+s3], $0x1000, s4, s3, $0x38;
	[tilespmem:$0x10500] =	vst v63  }
0x18d: {  	_ =	swait.ge [sflag:s25], $0x1000  }
0x18e: {  	[sflag:s25] =	ssyncset.done $0x0  }
0x18f: {  	[sflag:s25] =	ssyncadd.s32 $0xFFFFF000  }
0x190: {  	v6 =	vld [tilespmem:s31+$0xFFFFFFFB];
	_ =	sdelay $0x4  }
0x191: {  	(v2sf) =	vpush v6, $0x0;
	_ =	sdelay $0xe  }
0x192: {  	s6 =	spop (v2sf)  }
0x193: {  	s5 =	sand.u32 $0x7F, s6  }
0x194: {  	s6 =	sadd.s32 $0xFFFFFFFC, s10;
	v6 =	vor.u32 s5, v0  }
0x195: {  	v7 =	vmov s6  }
0x196: {  	v54 =	vshll.u32 v7, $0x3  }
0x197: {  	v7 =	vand.u32 $0x7B, v7;
	v8 =	vand.u32 $0xC00, v54  }
0x198: {  	v7 =	vor.u32 v7, v8  }
0x199: {  	v8 =	vor.u32 v4, v7;
	v6 =	vld.idx.msk [tilespmem:v6+s16+$0x0], $0xffff  }
0x19a: {  	v55 =	vor.u32 s5, v2;
	_ =	sdelay $0x3  }
0x19b: {  	[tilespmem:v8+s22+$0x0] =	vst.idx.msk $0xffff, v6  }
0x19c: {  	v7 =	vor.u32 v5, v7;
	v6 =	vld.idx.msk [tilespmem:v55+s16+$0x0], $0xffff;
	_ =	sdelay $0x4  }
0x19d: {  	[tilespmem:v7+s22+$0x0] =	vst.idx.msk $0xffff, v6  }
0x19e: {  	v6 =	vld @!p0 [tilespmem:s31+$0x3];
	_ =	sdelay $0x4  }
0x19f: {  	(v2sf) =	vpush @!p0 v6, $0x0;
	_ =	sdelay $0xe  }
0x1a0: {  	s5 =	spop @!p0 (v2sf)  }
0x1a1: {  	s5 =	sand.u32 @!p0 $0xFFFFF80, s5  }
0x1a2: {  	s6 =	simm.s32 @!p0 $0x3500;
	s5 =	sadd.s32 @!p0 s1, s5  }
0x1a3: {  	[tilespmem:s6], [sflag:$0x4] =	stream.strided.gather @!p0 [hbm4b:s5+s3], $0x1000, s4, s3, $0x38;
	[tilespmem:$0x10500] =	vst v63  }
0x1a4: {  	_ =	swait.ge [sflag:s26], $0x1000  }
0x1a5: {  	[sflag:s26] =	ssyncset.done $0x0  }
0x1a6: {  	[sflag:s26] =	ssyncadd.s32 $0xFFFFF000  }
0x1a7: {  	v6 =	vld [tilespmem:s31+$0xFFFFFFFC];
	_ =	sdelay $0x4  }
0x1a8: {  	(v2sf) =	vpush v6, $0x0;
	_ =	sdelay $0xe  }
0x1a9: {  	s6 =	spop (v2sf)  }
0x1aa: {  	s5 =	sand.u32 $0x7F, s6  }
0x1ab: {  	s6 =	sadd.s32 $0xFFFFFFFD, s10;
	v6 =	vor.u32 s5, v0  }
0x1ac: {  	v7 =	vmov s6  }
0x1ad: {  	v56 =	vshll.u32 v7, $0x3  }
0x1ae: {  	v7 =	vand.u32 $0x7C, v7;
	v8 =	vand.u32 $0xC00, v56  }
0x1af: {  	v7 =	vor.u32 v7, v8  }
0x1b0: {  	v8 =	vor.u32 v4, v7;
	v6 =	vld.idx.msk [tilespmem:v6+s17+$0x0], $0xffff  }
0x1b1: {  	v57 =	vor.u32 s5, v2;
	_ =	sdelay $0x3  }
0x1b2: {  	[tilespmem:v8+s22+$0x0] =	vst.idx.msk $0xffff, v6  }
0x1b3: {  	v7 =	vor.u32 v5, v7;
	v6 =	vld.idx.msk [tilespmem:v57+s17+$0x0], $0xffff;
	_ =	sdelay $0x4  }
0x1b4: {  	[tilespmem:v7+s22+$0x0] =	vst.idx.msk $0xffff, v6  }
0x1b5: {  	v6 =	vld @!p0 [tilespmem:s31+$0x4];
	_ =	sdelay $0x4  }
0x1b6: {  	(v2sf) =	vpush @!p0 v6, $0x0;
	_ =	sdelay $0xe  }
0x1b7: {  	s5 =	spop @!p0 (v2sf)  }
0x1b8: {  	s5 =	sand.u32 @!p0 $0xFFFFF80, s5  }
0x1b9: {  	s6 =	simm.s32 @!p0 $0x4500;
	s5 =	sadd.s32 @!p0 s1, s5  }
0x1ba: {  	[tilespmem:s6], [sflag:$0x5] =	stream.strided.gather @!p0 [hbm4b:s5+s3], $0x1000, s4, s3, $0x38;
	[tilespmem:$0x10500] =	vst v63  }
0x1bb: {  	_ =	swait.ge [sflag:s28], $0x1000  }
0x1bc: {  	[sflag:s28] =	ssyncset.done $0x0  }
0x1bd: {  	[sflag:s28] =	ssyncadd.s32 $0xFFFFF000  }
0x1be: {  	v6 =	vld [tilespmem:s31+$0xFFFFFFFD];
	_ =	sdelay $0x4  }
0x1bf: {  	(v2sf) =	vpush v6, $0x0;
	_ =	sdelay $0xe  }
0x1c0: {  	s6 =	spop (v2sf)  }
0x1c1: {  	s5 =	sand.u32 $0x7F, s6  }
0x1c2: {  	s6 =	sadd.s32 $0xFFFFFFFE, s10;
	v6 =	vor.u32 s5, v0  }
0x1c3: {  	v7 =	vmov s6  }
0x1c4: {  	v58 =	vshll.u32 v7, $0x3  }
0x1c5: {  	v7 =	vand.u32 $0x7D, v7;
	v8 =	vand.u32 $0xC00, v58  }
0x1c6: {  	v7 =	vor.u32 v7, v8  }
0x1c7: {  	v8 =	vor.u32 v4, v7;
	v6 =	vld.idx.msk [tilespmem:v6+s18+$0x0], $0xffff  }
0x1c8: {  	v59 =	vor.u32 s5, v2;
	_ =	sdelay $0x3  }
0x1c9: {  	[tilespmem:v8+s22+$0x0] =	vst.idx.msk $0xffff, v6  }
0x1ca: {  	v7 =	vor.u32 v5, v7;
	v6 =	vld.idx.msk [tilespmem:v59+s18+$0x0], $0xffff;
	_ =	sdelay $0x4  }
0x1cb: {  	[tilespmem:v7+s22+$0x0] =	vst.idx.msk $0xffff, v6  }
0x1cc: {  	v6 =	vld @!p0 [tilespmem:s31+$0x5];
	_ =	sdelay $0x4  }
0x1cd: {  	(v2sf) =	vpush @!p0 v6, $0x0;
	_ =	sdelay $0xe  }
0x1ce: {  	s5 =	spop @!p0 (v2sf)  }
0x1cf: {  	s5 =	sand.u32 @!p0 $0xFFFFF80, s5  }
0x1d0: {  	s6 =	simm.s32 @!p0 $0x5500;
	s5 =	sadd.s32 @!p0 s1, s5  }
0x1d1: {  	[tilespmem:s6], [sflag:$0x6] =	stream.strided.gather @!p0 [hbm4b:s5+s3], $0x1000, s4, s3, $0x38;
	[tilespmem:$0x10500] =	vst v63  }
0x1d2: {  	_ =	swait.ge [sflag:s29], $0x1000  }
0x1d3: {  	[sflag:s29] =	ssyncset.done $0x0  }
0x1d4: {  	[sflag:s29] =	ssyncadd.s32 $0xFFFFF000  }
0x1d5: {  	v6 =	vld [tilespmem:s31+$0xFFFFFFFE];
	_ =	sdelay $0x4  }
0x1d6: {  	(v2sf) =	vpush v6, $0x0;
	_ =	sdelay $0xe  }
0x1d7: {  	s6 =	spop (v2sf)  }
0x1d8: {  	s5 =	sand.u32 $0x7F, s6  }
0x1d9: {  	s6 =	sadd.s32 $0xFFFFFFFF, s10;
	v6 =	vor.u32 s5, v0  }
0x1da: {  	v7 =	vmov s6  }
0x1db: {  	v60 =	vshll.u32 v7, $0x3  }
0x1dc: {  	v7 =	vand.u32 $0x7E, v7;
	v8 =	vand.u32 $0xC00, v60  }
0x1dd: {  	v7 =	vor.u32 v7, v8  }
0x1de: {  	v8 =	vor.u32 v4, v7;
	v6 =	vld.idx.msk [tilespmem:v6+s19+$0x0], $0xffff  }
0x1df: {  	v61 =	vor.u32 s5, v2;
	_ =	sdelay $0x3  }
0x1e0: {  	[tilespmem:v8+s22+$0x0] =	vst.idx.msk $0xffff, v6  }
0x1e1: {  	v7 =	vor.u32 v5, v7;
	v6 =	vld.idx.msk [tilespmem:v61+s19+$0x0], $0xffff;
	_ =	sdelay $0x4  }
0x1e2: {  	[tilespmem:v7+s22+$0x0] =	vst.idx.msk $0xffff, v6  }
0x1e3: {  	v6 =	vld @!p0 [tilespmem:s31+$0x6];
	_ =	sdelay $0x4  }
0x1e4: {  	(v2sf) =	vpush @!p0 v6, $0x0;
	_ =	sdelay $0xe  }
0x1e5: {  	s5 =	spop @!p0 (v2sf)  }
0x1e6: {  	s5 =	sand.u32 @!p0 $0xFFFFF80, s5  }
0x1e7: {  	s6 =	simm.s32 @!p0 $0x6500;
	s5 =	sadd.s32 @!p0 s1, s5  }
0x1e8: {  	[tilespmem:s6], [sflag:$0x7] =	stream.strided.gather @!p0 [hbm4b:s5+s3], $0x1000, s4, s3, $0x38;
	[tilespmem:$0x10500] =	vst v63  }
0x1e9: {  	_ =	swait.ge [sflag:s30], $0x1000  }
0x1ea: {  	[sflag:s30] =	ssyncset.done $0x0  }
0x1eb: {  	[sflag:s30] =	ssyncadd.s32 $0xFFFFF000  }
0x1ec: {  	v6 =	vld [tilespmem:s31+$0xFFFFFFFF];
	_ =	sdelay $0x4  }
0x1ed: {  	(v2sf) =	vpush v6, $0x0;
	_ =	sdelay $0xe  }
0x1ee: {  	s6 =	spop (v2sf)  }
0x1ef: {  	s3 =	sand.u32 $0x7F, s6  }
0x1f0: {  	v6 =	vor.u32 s3, v0  }
0x1f1: {  	v7 =	vmov s10  }
0x1f2: {  	v62 =	vshll.u32 v7, $0x3  }
0x1f3: {  	v7 =	vand.u32 $0x7F, v7;
	v8 =	vand.u32 $0xC00, v62  }
0x1f4: {  	v7 =	vor.u32 v7, v8  }
0x1f5: {  	v8 =	vor.u32 v4, v7;
	v6 =	vld.idx.msk [tilespmem:v6+s20+$0x0], $0xffff  }
0x1f6: {  	v63 =	vor.u32 s3, v2;
	_ =	sdelay $0x3  }
0x1f7: {  	[tilespmem:v8+s22+$0x0] =	vst.idx.msk $0xffff, v6  }
0x1f8: {  	v7 =	vor.u32 v5, v7;
	v6 =	vld.idx.msk [tilespmem:v63+s20+$0x0], $0xffff  }
.Ltmp4:
0x1f9: {  	_ = 	snop;
	(pc) =	sbr.rel @p0 .LBB2_7-.Ltmp4, $2  }
0x1fa: {  	_ =	sdelay $0x2  }
0x1fb: {  	[tilespmem:v7+s22+$0x0] =	vst.idx.msk $0xffff, v6  }
0x1fc: {  	v6 =	vld [tilespmem:s31+$0x7];
	_ =	sdelay $0x4  }
0x1fd: {  	(v2sf) =	vpush v6, $0x0;
	_ =	sdelay $0xd  }
.Ltmp5:
0x1fe: {  	_ = 	snop;
	(pc) =	sbr.rel .LBB2_5-.Ltmp5, $4  }
0x1ff: {  	s3 =	spop (v2sf)  }
0x200: {  	s3 =	sand.u32 $0xFFFFF80, s3  }
0x201: {  	s10 =	sadd.s32 $0x8, s10;
	s31 =	sadd.s32 $0x8, s31;
	s3 =	sadd.s32 s1, s3  }
0x202: {  	[tilespmem:s20], [sflag:$0x8] =	stream.strided.gather [hbm4b:s3+s12], $0x1000, s11, s12, $0x38;
	[tilespmem:$0x10500] =	vst v63  }
.LBB2_8:
0x203: {  	_ =	sfence.sel $0x180000  }
0x204: {  	[bflag:$0x0] =	sbarrier.arrive $0xFFFF  }
0x205: {  	_ =	strace $0x90000047  }
0x206: {  	s0 =	stileid.u32;
	[bflag:$0x2] =	sbarrier.arrive $0xFFFF  }
0x207: {  	p0 =	sne.s32 s0, $0x0;
	s0 =	rddreg [dreg:$0x5]  }
0x208: {  	s0 =	sadd.s32 @!p0 $0x100000, s0  }
0x209: {  	[sflag:s0] =	ssyncadd.tile.s32 @!p0 $0x1;
	_ =	shalt  }
.Lfunc_end2:
_tile_overlayer_lowered:
.L_overlay_start_2:
0x20a: {  	(tag) =	ssettag $0x2  }
0x20b: {  	s0 =	rddreg [dreg:$0x0];
	s2 =	stileid.u32  }
0x20c: {  	s1 =	rddreg [dreg:$0x1];
	p0 =	sne.s32 s2, $0x0  }
0x20d: {  	s3 =	rddreg [dreg:$0x2];
	[bflag:$0x3] =	sbarrier.arrive $0xFFFF;
	s2 =	simm.s32 @!p0 $0x1C09  }
0x20e: {  	[timem:s3], [sflag:s2] =	dma.local @!p0 [hbm:s0], s1  }
0x20f: {  	s0 =	simm.s32 @!p0 $0x9  }
0x210: {  	_ =	swait.ge @!p0 [sflag:s0], s1  }
0x211: {  	s1 =	ssub.s32 @!p0 $0x0, s1;
	[sflag:s0] =	ssyncset.done @!p0 $0x0  }
0x212: {  	[sflag:s0] =	ssyncadd.s32 @!p0 s1  }
0x213: {  	[bflag:$0x3] =	sbarrier.arrive $0xFFFF  }
0x214: {  	_ =	shalt  }

</sc_bundles>
